<compile_context>
chip_gen: v7x
topology: tpu7x:2x2x1
jax: 0.10.2.dev20260603
libtpu: 0.0.44.dev20260713+nightly
codegen_flags: <defaults>
</compile_context>

<pallas_src>
import functools

import jax
import jax.numpy as jnp
from jax import lax
from jax.experimental import pallas as pl
from jax.experimental.pallas import tpu as pltpu
from jax.experimental.pallas import tpu_sc as plsc

_NC = 2
_NS = 16
_NW = _NC * _NS
_CHUNK = 128
_NHALF = 2
_R0 = 0.75


def _split_chunks(ch_sum):
    q = 2 * _NHALF
    ch0 = int(round(ch_sum * _R0 / q)) * q
    ch0 = max(q, min(ch_sum - q, ch0))
    return ch0, ch_sum - ch0


def _make_agg(n, d, ch0, ch1):
    assert d % 16 == 0
    n_acc = ((n // (_NS * _CHUNK)) + 1) * (_NS * _CHUNK)
    zc = n_acc // (_NS * _CHUNK)
    n_out = n_acc // _NS
    hc0 = ch0 // _NHALF
    hc1 = ch1 // _NHALF
    hcmax = max(hc0, hc1)

    mesh = plsc.VectorSubcoreMesh(core_axis_name="c", subcore_axis_name="s")

    @functools.partial(
        pl.kernel,
        out_type=jax.ShapeDtypeStruct((_NC, n_acc, d), jnp.float32),
        mesh=mesh,
        scratch_types=[
            pltpu.VMEM((hcmax, _CHUNK), jnp.int32),
            pltpu.VMEM((hcmax, _CHUNK), jnp.int32),
            pltpu.VMEM((2, _CHUNK, d), jnp.float32),
            pltpu.VMEM_SHARED((n_acc, d), jnp.float32),
            pltpu.SemaphoreType.DMA,
            pltpu.SemaphoreType.DMA,
        ],
    )
    def agg(x_hbm, src_hbm, dst_hbm, out_hbm, src_v, dst_v, rows_v,
            acc_sh, sem0, sem1):
        c = lax.axis_index("c")
        s = lax.axis_index("s")
        wid = c * _NS + s
        npairs = jnp.where(c == 0, hc0 // 2, hc1 // 2)

        dlanes = d // 16

        def zbody(i, carry):
            r = i // dlanes
            col = (i % dlanes) * 16
            rows_v[0, r, pl.ds(col, 16)] = jnp.zeros((16,), jnp.float32)
            return carry

        lax.fori_loop(0, _CHUNK * dlanes, zbody, 0)

        zbase = s * (zc * _CHUNK)
        for k in range(zc):
            pltpu.sync_copy(rows_v.at[0],
                            acc_sh.at[pl.ds(zbase + k * _CHUNK, _CHUNK)])
        plsc.subcore_barrier()

        for h in range(_NHALF):
            pltpu.sync_copy(src_hbm.at[wid, h], src_v)
            pltpu.sync_copy(dst_hbm.at[wid, h], dst_v)

            pltpu.async_copy(x_hbm.at[src_v.at[0]], rows_v.at[0], sem0)
            pltpu.async_copy(x_hbm.at[src_v.at[1]], rows_v.at[1], sem1)

            def pair(jj, carry):
                j0 = 2 * jj

                pltpu.make_async_copy(x_hbm.at[src_v.at[j0]], rows_v.at[0],
                                      sem0).wait()
                pltpu.sync_copy(rows_v.at[0], acc_sh.at[dst_v.at[j0]],
                                add=True)

                @pl.when(jj < npairs - 1)
                def _():
                    pltpu.async_copy(x_hbm.at[src_v.at[j0 + 2]],
                                     rows_v.at[0], sem0)

                pltpu.make_async_copy(x_hbm.at[src_v.at[j0 + 1]],
                                      rows_v.at[1], sem1).wait()
                pltpu.sync_copy(rows_v.at[1], acc_sh.at[dst_v.at[j0 + 1]],
                                add=True)

                @pl.when(jj < npairs - 1)
                def _():
                    pltpu.async_copy(x_hbm.at[src_v.at[j0 + 3]],
                                     rows_v.at[1], sem1)

                return carry

            lax.fori_loop(0, npairs, pair, 0)
        plsc.subcore_barrier()

        obase = s * n_out
        pltpu.sync_copy(acc_sh.at[pl.ds(obase, n_out)],
                        out_hbm.at[c, pl.ds(obase, n_out)])

    return agg


def _mm_body(p_ref, w_ref, b_ref, o_ref, *, act):
    y = jnp.dot(p_ref[0] + p_ref[1], w_ref[...],
                preferred_element_type=jnp.float32)
    o_ref[...] = act(y + b_ref[...])


def _tc_mm(p, w, b, act, bn=1024):
    _, n, d = p.shape
    co = w.shape[1]
    return pl.pallas_call(
        functools.partial(_mm_body, act=act),
        grid=(n // bn,),
        in_specs=[
            pl.BlockSpec((2, bn, d), lambda i: (0, i, 0)),
            pl.BlockSpec((d, co), lambda i: (0, 0)),
            pl.BlockSpec((1, co), lambda i: (0, 0)),
        ],
        out_specs=pl.BlockSpec((bn, co), lambda i: (i, 0)),
        out_shape=jax.ShapeDtypeStruct((n, co), jnp.float32),
    )(p, w, b)


def kernel(x, edge_index, W1, b1, W2, b2):
    n, d = x.shape
    e = edge_index.shape[1]

    ch_sum = -(-e // (_NS * _CHUNK))
    ch_sum = -(-ch_sum // (2 * _NHALF)) * (2 * _NHALF)
    ch0, ch1 = _split_chunks(ch_sum)
    hcmax = max(ch0, ch1) // _NHALF

    e_pad = _NS * (ch0 + ch1) * _CHUNK
    src = jnp.concatenate(
        [edge_index[0], jnp.zeros((e_pad - e + 1,), jnp.int32)])
    dst = jnp.concatenate(
        [edge_index[1], jnp.full((e_pad - e + 1,), n, jnp.int32)])

    wids = jnp.arange(_NW)[:, None, None]
    sz = jnp.where(wids < _NS, ch0, ch1) * _CHUNK // _NHALF
    offs = jnp.where(wids < _NS, wids * ch0 * _CHUNK,
                     _NS * ch0 * _CHUNK + (wids - _NS) * ch1 * _CHUNK)
    rr = jnp.arange(_NHALF)[None, :, None]
    ar = jnp.arange(hcmax * _CHUNK)[None, None, :]
    pos = jnp.where(ar < sz, offs + rr * sz + ar, e_pad)
    srcr = src[pos].reshape(_NW, _NHALF, hcmax, _CHUNK)
    dstr = dst[pos].reshape(_NW, _NHALF, hcmax, _CHUNK)

    agg = _make_agg(n, d, ch0, ch1)
    a1 = agg(x, srcr, dstr)
    h = _tc_mm(a1, W1, b1.reshape(1, -1), lambda y: jnp.maximum(y, 0.0))
    a2 = agg(h, srcr, dstr)
    out = _tc_mm(a2, W2, b2.reshape(1, -1), jax.nn.sigmoid)
    return out[:n]

# --- scband reference (transcript-rebuilt; emitter-appended) ---
"""Pipeline reference for scband-gcn-31164282700070 (READ-ONLY COPY).

The authoritative reference and input builder live on the scoring server;
editing this copy changes nothing except your own understanding.
"""

import jax, jax.numpy as jnp
import numpy as np

N = 10000
E = 320000
D = 128
H = 128
C = 128


def setup_inputs(seed: int = 0) -> dict:
    key = jax.random.key(seed)
    k1, k2, k3, k4, k5, k6 = jax.random.split(key, 6)
    x = jax.random.normal(k1, (N, D), dtype=jnp.float32)
    edge_index = jax.random.randint(k2, (2, E), 0, N, dtype=jnp.int32)
    W1 = jax.random.normal(k3, (D, H), dtype=jnp.float32) * 0.05
    b1 = jnp.zeros((H,), dtype=jnp.float32)
    W2 = jax.random.normal(k4, (H, C), dtype=jnp.float32) * 0.05
    b2 = jnp.zeros((C,), dtype=jnp.float32)
    return {"x": x, "edge_index": edge_index, "W1": W1, "b1": b1, "W2": W2, "b2": b2}


def reference(x, edge_index, W1, b1, W2, b2):
    # GCNConv with normalize=False: out = scatter_add_{dst}((x @ W)[src]) + bias
    src = edge_index[0]
    dst = edge_index[1]
    n = x.shape[0]
    # conv1
    h = x @ W1
    h = jax.ops.segment_sum(h[src], dst, num_segments=n) + b1
    h = jax.nn.relu(h)
    # dropout p=0.5 is identity in eval mode
    # conv2
    o = h @ W2
    o = jax.ops.segment_sum(o[src], dst, num_segments=n) + b2
    return jax.nn.sigmoid(o)

if __name__ == "__main__":
    import jax
    _d = setup_inputs()
    print(jax.jit(kernel)(*tuple(_d.values())))

</pallas_src>

<mosaic_0001>
#map = affine_map<(d0, d1) -> (0, 0)>
#map1 = affine_map<(d0, d1) -> (0, 0, 0, 0)>
#map2 = affine_map<(d0, d1) -> (0, 0, 0)>
module attributes {stable_mosaic.version = 14 : i64} {
  func.func @agg(%arg0: i32, %arg1: i32, %arg2: memref<10000x128xf32, #tpu.memory_space<hbm>>, %arg3: memref<32x2x60x128xi32, #tpu.memory_space<hbm>>, %arg4: memref<32x2x60x128xi32, #tpu.memory_space<hbm>>, %arg5: memref<2x10240x128xf32, #tpu.memory_space<hbm>>, %arg6: memref<60x128xi32, #tpu.memory_space<vmem>>, %arg7: memref<60x128xi32, #tpu.memory_space<vmem>>, %arg8: memref<2x128x128xf32, #tpu.memory_space<vmem>>, %arg9: memref<10240x128xf32, #tpu.memory_space<vmem_shared>>, %arg10: memref<!tpu.dma_semaphore, #tpu.memory_space<semaphore_mem>>, %arg11: memref<!tpu.dma_semaphore, #tpu.memory_space<semaphore_mem>>) attributes {dimension_semantics = [#tpu.dimension_semantics<core_parallel>, #tpu.dimension_semantics<subcore_parallel>], iteration_bounds = array<i64: 2, 16>, scalar_prefetch = 0 : i64, scratch_operands = 6 : i64, tpu.core_type = #tpu.core_type<sc_vector_subcore>, window_params = [{transform_indices = #map}, {transform_indices = #map1}, {transform_indices = #map1}, {transform_indices = #map2}]} {
    %mul3A = arith.constant 16 : i32
    %mul3A_0 = arith.muli %arg0, %mul3A : i32
    %add3A = arith.addi %mul3A_0, %arg1 : i32
    %eq3A = arith.constant 0 : i32
    %eq3A_1 = arith.cmpi eq, %arg0, %eq3A : i32
    %jit3A = arith.constant 30 : i32
    %jit3A_2 = arith.constant 10 : i32
    %select_n3A = arith.select %eq3A_1, %jit3A, %jit3A_2 : i32
    %scan3A = arith.constant 0 : i32
    %scan3A_3 = arith.constant 0 : i32
    %scan3A_4 = arith.constant 1024 : i32
    %scan3A_5 = arith.addi %scan3A_3, %scan3A_4 : i32
    %scan3A_6 = arith.constant 1 : i32
    scf.for %scan3A_97 = %scan3A_3 to %scan3A_5 step %scan3A_6  : i32 {
      %jit3A_98 = arith.constant 8 : i32
      %div3A = arith.divsi %scan3A_97, %jit3A_98 : i32
      %sign3A = arith.constant 0 : i32
      %sign3A_99 = arith.cmpi sgt, %scan3A_97, %sign3A : i32
      %sign3A_100 = arith.extui %sign3A_99 : i1 to i32
      %sign3A_101 = arith.constant 0 : i32
      %sign3A_102 = arith.cmpi slt, %scan3A_97, %sign3A_101 : i32
      %sign3A_103 = arith.extui %sign3A_102 : i1 to i32
      %sign3A_104 = arith.subi %sign3A_100, %sign3A_103 : i32
      %sign3A_105 = arith.constant 0 : i32
      %sign3A_106 = arith.cmpi sgt, %jit3A_98, %sign3A_105 : i32
      %sign3A_107 = arith.extui %sign3A_106 : i1 to i32
      %sign3A_108 = arith.constant 0 : i32
      %sign3A_109 = arith.cmpi slt, %jit3A_98, %sign3A_108 : i32
      %sign3A_110 = arith.extui %sign3A_109 : i1 to i32
      %sign3A_111 = arith.subi %sign3A_107, %sign3A_110 : i32
      %ne3A = arith.cmpi ne, %sign3A_104, %sign3A_111 : i32
      %rem3A = arith.remsi %scan3A_97, %jit3A_98 : i32
      %ne3A_112 = arith.constant 0 : i32
      %ne3A_113 = arith.cmpi ne, %rem3A, %ne3A_112 : i32
      %and3A = arith.andi %ne3A, %ne3A_113 : i1
      %sub3A = arith.constant 1 : i32
      %sub3A_114 = arith.subi %div3A, %sub3A : i32
      %select_n3A_115 = arith.select %and3A, %sub3A_114, %div3A : i32
      %jit3A_116 = arith.constant 8 : i32
      %eq3A_117 = arith.constant 0 : i32
      %eq3A_118 = arith.cmpi eq, %jit3A_116, %eq3A_117 : i32
      %jit3A_119 = arith.constant 1 : i32
      %select_n3A_120 = arith.select %eq3A_118, %jit3A_119, %jit3A_116 : i32
      %rem3A_121 = arith.remsi %scan3A_97, %select_n3A_120 : i32
      %ne3A_122 = arith.constant 0 : i32
      %ne3A_123 = arith.cmpi ne, %rem3A_121, %ne3A_122 : i32
      %lt3A = arith.constant 0 : i32
      %lt3A_124 = arith.cmpi slt, %rem3A_121, %lt3A : i32
      %lt3A_125 = arith.constant 0 : i32
      %lt3A_126 = arith.cmpi slt, %select_n3A_120, %lt3A_125 : i32
      %ne3A_127 = arith.xori %lt3A_124, %lt3A_126 : i1
      %and3A_128 = arith.andi %ne3A_127, %ne3A_123 : i1
      %add3A_129 = arith.addi %rem3A_121, %select_n3A_120 : i32
      %select_n3A_130 = arith.select %and3A_128, %add3A_129, %rem3A_121 : i32
      %mul3A_131 = arith.constant 16 : i32
      %mul3A_132 = arith.muli %select_n3A_130, %mul3A_131 : i32
      %broadcast_in_dim3A = arith.constant 0.000000e+00 : f32
      %broadcast_in_dim3A_133 = vector.broadcast %broadcast_in_dim3A : f32 to vector<16xf32>
      %swap3A = arith.constant 0 : i32
      %swap3A_134 = arith.index_cast %swap3A : i32 to index
      %swap3A_135 = arith.index_cast %select_n3A_115 : i32 to index
      %swap3A_136 = arith.index_cast %mul3A_132 : i32 to index
      %swap3A_137 = tpu.vector_load %arg8[%swap3A_134, %swap3A_135, %swap3A_136] {strides = array<i32>} : memref<2x128x128xf32, #tpu.memory_space<vmem>>, vector<1x1x16xf32>,
      %swap3A_138 = vector.shape_cast %swap3A_137 : vector<1x1x16xf32> to vector<16xf32>
      %swap3A_139 = vector.shape_cast %broadcast_in_dim3A_133 : vector<16xf32> to vector<1x1x16xf32>
      tpu.vector_store %arg8[%swap3A_134, %swap3A_135, %swap3A_136], %swap3A_139 {strides = array<i32>} : memref<2x128x128xf32, #tpu.memory_space<vmem>>, vector<1x1x16xf32>,
    }
    %scan3A_7 = arith.constant 1024 : i32
    %mul3A_8 = arith.constant 640 : i32
    %mul3A_9 = arith.muli %arg1, %mul3A_8 : i32
    %add3A_10 = arith.constant 0 : i32
    %add3A_11 = arith.addi %mul3A_9, %add3A_10 : i32
    %run_scoped3A = arith.constant 0 : i32
    "tpu.region"() ({
      %run_scoped3A_97 = tpu.sem_alloc : memref<!tpu.dma_semaphore, #tpu.memory_space<semaphore_mem>>
      %dma_start3A_98 = arith.constant 0 : i32
      %dma_start3A_99 = arith.constant 0 : i32
      %dma_start3A_100 = tpu.memref_slice %arg8[%run_scoped3A, %dma_start3A_98, %dma_start3A_99] : memref<2x128x128xf32, #tpu.memory_space<vmem>> -> memref<1x128x128xf32, #tpu.memory_space<vmem>>
      %dma_start3A_101 = tpu.memref_squeeze %dma_start3A_100 : memref<1x128x128xf32, #tpu.memory_space<vmem>> -> memref<128x128xf32, #tpu.memory_space<vmem>>
      %dma_start3A_102 = arith.constant 0 : i32
      %dma_start3A_103 = tpu.memref_slice %arg9[%add3A_11, %dma_start3A_102] : memref<10240x128xf32, #tpu.memory_space<vmem_shared>> -> memref<128x128xf32, #tpu.memory_space<vmem_shared>>
      %dma_start3A_104 = arith.constant 0 : i32
      %dma_start3A_105 = tpu.memref_slice %arg9[%add3A_11, %dma_start3A_104] : memref<10240x128xf32, #tpu.memory_space<vmem_shared>> -> memref<128x128xf32, #tpu.memory_space<vmem_shared>>
      %dma_start3A_106 = arith.constant 0 : i32
      %dma_start3A_107 = arith.constant 0 : i32
      %dma_start3A_108 = tpu.memref_slice %arg8[%run_scoped3A, %dma_start3A_106, %dma_start3A_107] : memref<2x128x128xf32, #tpu.memory_space<vmem>> -> memref<1x128x128xf32, #tpu.memory_space<vmem>>
      %dma_start3A_109 = tpu.memref_squeeze %dma_start3A_108 : memref<1x128x128xf32, #tpu.memory_space<vmem>> -> memref<128x128xf32, #tpu.memory_space<vmem>>
      tpu.enqueue_dma source(%dma_start3A_109 : memref<128x128xf32, #tpu.memory_space<vmem>>) target(%dma_start3A_105 : memref<128x128xf32, #tpu.memory_space<vmem_shared>>) target_semaphore(%run_scoped3A_97 : memref<!tpu.dma_semaphore, #tpu.memory_space<semaphore_mem>>)
      %dma_wait3A = arith.constant 0 : i32
      %dma_wait3A_110 = arith.constant 0 : i32
      %dma_wait3A_111 = tpu.memref_slice %arg8[%run_scoped3A, %dma_wait3A, %dma_wait3A_110] : memref<2x128x128xf32, #tpu.memory_space<vmem>> -> memref<1x128x128xf32, #tpu.memory_space<vmem>>
      %dma_wait3A_112 = tpu.memref_squeeze %dma_wait3A_111 : memref<1x128x128xf32, #tpu.memory_space<vmem>> -> memref<128x128xf32, #tpu.memory_space<vmem>>
      %dma_wait3A_113 = arith.constant 0 : i32
      %dma_wait3A_114 = tpu.memref_slice %arg9[%add3A_11, %dma_wait3A_113] : memref<10240x128xf32, #tpu.memory_space<vmem_shared>> -> memref<128x128xf32, #tpu.memory_space<vmem_shared>>
      %dma_wait3A_115 = arith.constant 0 : i32
      %dma_wait3A_116 = tpu.memref_slice %arg9[%add3A_11, %dma_wait3A_115] : memref<10240x128xf32, #tpu.memory_space<vmem_shared>> -> memref<128x128xf32, #tpu.memory_space<vmem_shared>>
      %dma_wait3A_117 = arith.constant 0 : i32
      %dma_wait3A_118 = arith.constant 0 : i32
      %dma_wait3A_119 = tpu.memref_slice %arg8[%run_scoped3A, %dma_wait3A_117, %dma_wait3A_118] : memref<2x128x128xf32, #tpu.memory_space<vmem>> -> memref<1x128x128xf32, #tpu.memory_space<vmem>>
      %dma_wait3A_120 = tpu.memref_squeeze %dma_wait3A_119 : memref<1x128x128xf32, #tpu.memory_space<vmem>> -> memref<128x128xf32, #tpu.memory_space<vmem>>
      tpu.wait_dma2 semaphore(%run_scoped3A_97 : memref<!tpu.dma_semaphore, #tpu.memory_space<semaphore_mem>>) src(%dma_wait3A_120 : memref<128x128xf32, #tpu.memory_space<vmem>>) dst(%dma_wait3A_116 : memref<128x128xf32, #tpu.memory_space<vmem_shared>>)
      tpu.yield
    }) : () -> ()
    %add3A_12 = arith.constant 128 : i32
    %add3A_13 = arith.addi %mul3A_9, %add3A_12 : i32
    %run_scoped3A_14 = arith.constant 0 : i32
    "tpu.region"() ({
      %run_scoped3A_97 = tpu.sem_alloc : memref<!tpu.dma_semaphore, #tpu.memory_space<semaphore_mem>>
      %dma_start3A_98 = arith.constant 0 : i32
      %dma_start3A_99 = arith.constant 0 : i32
      %dma_start3A_100 = tpu.memref_slice %arg8[%run_scoped3A_14, %dma_start3A_98, %dma_start3A_99] : memref<2x128x128xf32, #tpu.memory_space<vmem>> -> memref<1x128x128xf32, #tpu.memory_space<vmem>>
      %dma_start3A_101 = tpu.memref_squeeze %dma_start3A_100 : memref<1x128x128xf32, #tpu.memory_space<vmem>> -> memref<128x128xf32, #tpu.memory_space<vmem>>
      %dma_start3A_102 = arith.constant 0 : i32
      %dma_start3A_103 = tpu.memref_slice %arg9[%add3A_13, %dma_start3A_102] : memref<10240x128xf32, #tpu.memory_space<vmem_shared>> -> memref<128x128xf32, #tpu.memory_space<vmem_shared>>
      %dma_start3A_104 = arith.constant 0 : i32
      %dma_start3A_105 = tpu.memref_slice %arg9[%add3A_13, %dma_start3A_104] : memref<10240x128xf32, #tpu.memory_space<vmem_shared>> -> memref<128x128xf32, #tpu.memory_space<vmem_shared>>
      %dma_start3A_106 = arith.constant 0 : i32
      %dma_start3A_107 = arith.constant 0 : i32
      %dma_start3A_108 = tpu.memref_slice %arg8[%run_scoped3A_14, %dma_start3A_106, %dma_start3A_107] : memref<2x128x128xf32, #tpu.memory_space<vmem>> -> memref<1x128x128xf32, #tpu.memory_space<vmem>>
      %dma_start3A_109 = tpu.memref_squeeze %dma_start3A_108 : memref<1x128x128xf32, #tpu.memory_space<vmem>> -> memref<128x128xf32, #tpu.memory_space<vmem>>
      tpu.enqueue_dma source(%dma_start3A_109 : memref<128x128xf32, #tpu.memory_space<vmem>>) target(%dma_start3A_105 : memref<128x128xf32, #tpu.memory_space<vmem_shared>>) target_semaphore(%run_scoped3A_97 : memref<!tpu.dma_semaphore, #tpu.memory_space<semaphore_mem>>)
      %dma_wait3A = arith.constant 0 : i32
      %dma_wait3A_110 = arith.constant 0 : i32
      %dma_wait3A_111 = tpu.memref_slice %arg8[%run_scoped3A_14, %dma_wait3A, %dma_wait3A_110] : memref<2x128x128xf32, #tpu.memory_space<vmem>> -> memref<1x128x128xf32, #tpu.memory_space<vmem>>
      %dma_wait3A_112 = tpu.memref_squeeze %dma_wait3A_111 : memref<1x128x128xf32, #tpu.memory_space<vmem>> -> memref<128x128xf32, #tpu.memory_space<vmem>>
      %dma_wait3A_113 = arith.constant 0 : i32
      %dma_wait3A_114 = tpu.memref_slice %arg9[%add3A_13, %dma_wait3A_113] : memref<10240x128xf32, #tpu.memory_space<vmem_shared>> -> memref<128x128xf32, #tpu.memory_space<vmem_shared>>
      %dma_wait3A_115 = arith.constant 0 : i32
      %dma_wait3A_116 = tpu.memref_slice %arg9[%add3A_13, %dma_wait3A_115] : memref<10240x128xf32, #tpu.memory_space<vmem_shared>> -> memref<128x128xf32, #tpu.memory_space<vmem_shared>>
      %dma_wait3A_117 = arith.constant 0 : i32
      %dma_wait3A_118 = arith.constant 0 : i32
      %dma_wait3A_119 = tpu.memref_slice %arg8[%run_scoped3A_14, %dma_wait3A_117, %dma_wait3A_118] : memref<2x128x128xf32, #tpu.memory_space<vmem>> -> memref<1x128x128xf32, #tpu.memory_space<vmem>>
      %dma_wait3A_120 = tpu.memref_squeeze %dma_wait3A_119 : memref<1x128x128xf32, #tpu.memory_space<vmem>> -> memref<128x128xf32, #tpu.memory_space<vmem>>
      tpu.wait_dma2 semaphore(%run_scoped3A_97 : memref<!tpu.dma_semaphore, #tpu.memory_space<semaphore_mem>>) src(%dma_wait3A_120 : memref<128x128xf32, #tpu.memory_space<vmem>>) dst(%dma_wait3A_116 : memref<128x128xf32, #tpu.memory_space<vmem_shared>>)
      tpu.yield
    }) : () -> ()
    %add3A_15 = arith.constant 256 : i32
    %add3A_16 = arith.addi %mul3A_9, %add3A_15 : i32
    %run_scoped3A_17 = arith.constant 0 : i32
    "tpu.region"() ({
      %run_scoped3A_97 = tpu.sem_alloc : memref<!tpu.dma_semaphore, #tpu.memory_space<semaphore_mem>>
      %dma_start3A_98 = arith.constant 0 : i32
      %dma_start3A_99 = arith.constant 0 : i32
      %dma_start3A_100 = tpu.memref_slice %arg8[%run_scoped3A_17, %dma_start3A_98, %dma_start3A_99] : memref<2x128x128xf32, #tpu.memory_space<vmem>> -> memref<1x128x128xf32, #tpu.memory_space<vmem>>
      %dma_start3A_101 = tpu.memref_squeeze %dma_start3A_100 : memref<1x128x128xf32, #tpu.memory_space<vmem>> -> memref<128x128xf32, #tpu.memory_space<vmem>>
      %dma_start3A_102 = arith.constant 0 : i32
      %dma_start3A_103 = tpu.memref_slice %arg9[%add3A_16, %dma_start3A_102] : memref<10240x128xf32, #tpu.memory_space<vmem_shared>> -> memref<128x128xf32, #tpu.memory_space<vmem_shared>>
      %dma_start3A_104 = arith.constant 0 : i32
      %dma_start3A_105 = tpu.memref_slice %arg9[%add3A_16, %dma_start3A_104] : memref<10240x128xf32, #tpu.memory_space<vmem_shared>> -> memref<128x128xf32, #tpu.memory_space<vmem_shared>>
      %dma_start3A_106 = arith.constant 0 : i32
      %dma_start3A_107 = arith.constant 0 : i32
      %dma_start3A_108 = tpu.memref_slice %arg8[%run_scoped3A_17, %dma_start3A_106, %dma_start3A_107] : memref<2x128x128xf32, #tpu.memory_space<vmem>> -> memref<1x128x128xf32, #tpu.memory_space<vmem>>
      %dma_start3A_109 = tpu.memref_squeeze %dma_start3A_108 : memref<1x128x128xf32, #tpu.memory_space<vmem>> -> memref<128x128xf32, #tpu.memory_space<vmem>>
      tpu.enqueue_dma source(%dma_start3A_109 : memref<128x128xf32, #tpu.memory_space<vmem>>) target(%dma_start3A_105 : memref<128x128xf32, #tpu.memory_space<vmem_shared>>) target_semaphore(%run_scoped3A_97 : memref<!tpu.dma_semaphore, #tpu.memory_space<semaphore_mem>>)
      %dma_wait3A = arith.constant 0 : i32
      %dma_wait3A_110 = arith.constant 0 : i32
      %dma_wait3A_111 = tpu.memref_slice %arg8[%run_scoped3A_17, %dma_wait3A, %dma_wait3A_110] : memref<2x128x128xf32, #tpu.memory_space<vmem>> -> memref<1x128x128xf32, #tpu.memory_space<vmem>>
      %dma_wait3A_112 = tpu.memref_squeeze %dma_wait3A_111 : memref<1x128x128xf32, #tpu.memory_space<vmem>> -> memref<128x128xf32, #tpu.memory_space<vmem>>
      %dma_wait3A_113 = arith.constant 0 : i32
      %dma_wait3A_114 = tpu.memref_slice %arg9[%add3A_16, %dma_wait3A_113] : memref<10240x128xf32, #tpu.memory_space<vmem_shared>> -> memref<128x128xf32, #tpu.memory_space<vmem_shared>>
      %dma_wait3A_115 = arith.constant 0 : i32
      %dma_wait3A_116 = tpu.memref_slice %arg9[%add3A_16, %dma_wait3A_115] : memref<10240x128xf32, #tpu.memory_space<vmem_shared>> -> memref<128x128xf32, #tpu.memory_space<vmem_shared>>
      %dma_wait3A_117 = arith.constant 0 : i32
      %dma_wait3A_118 = arith.constant 0 : i32
      %dma_wait3A_119 = tpu.memref_slice %arg8[%run_scoped3A_17, %dma_wait3A_117, %dma_wait3A_118] : memref<2x128x128xf32, #tpu.memory_space<vmem>> -> memref<1x128x128xf32, #tpu.memory_space<vmem>>
      %dma_wait3A_120 = tpu.memref_squeeze %dma_wait3A_119 : memref<1x128x128xf32, #tpu.memory_space<vmem>> -> memref<128x128xf32, #tpu.memory_space<vmem>>
      tpu.wait_dma2 semaphore(%run_scoped3A_97 : memref<!tpu.dma_semaphore, #tpu.memory_space<semaphore_mem>>) src(%dma_wait3A_120 : memref<128x128xf32, #tpu.memory_space<vmem>>) dst(%dma_wait3A_116 : memref<128x128xf32, #tpu.memory_space<vmem_shared>>)
      tpu.yield
    }) : () -> ()
    %add3A_18 = arith.constant 384 : i32
    %add3A_19 = arith.addi %mul3A_9, %add3A_18 : i32
    %run_scoped3A_20 = arith.constant 0 : i32
    "tpu.region"() ({
      %run_scoped3A_97 = tpu.sem_alloc : memref<!tpu.dma_semaphore, #tpu.memory_space<semaphore_mem>>
      %dma_start3A_98 = arith.constant 0 : i32
      %dma_start3A_99 = arith.constant 0 : i32
      %dma_start3A_100 = tpu.memref_slice %arg8[%run_scoped3A_20, %dma_start3A_98, %dma_start3A_99] : memref<2x128x128xf32, #tpu.memory_space<vmem>> -> memref<1x128x128xf32, #tpu.memory_space<vmem>>
      %dma_start3A_101 = tpu.memref_squeeze %dma_start3A_100 : memref<1x128x128xf32, #tpu.memory_space<vmem>> -> memref<128x128xf32, #tpu.memory_space<vmem>>
      %dma_start3A_102 = arith.constant 0 : i32
      %dma_start3A_103 = tpu.memref_slice %arg9[%add3A_19, %dma_start3A_102] : memref<10240x128xf32, #tpu.memory_space<vmem_shared>> -> memref<128x128xf32, #tpu.memory_space<vmem_shared>>
      %dma_start3A_104 = arith.constant 0 : i32
      %dma_start3A_105 = tpu.memref_slice %arg9[%add3A_19, %dma_start3A_104] : memref<10240x128xf32, #tpu.memory_space<vmem_shared>> -> memref<128x128xf32, #tpu.memory_space<vmem_shared>>
      %dma_start3A_106 = arith.constant 0 : i32
      %dma_start3A_107 = arith.constant 0 : i32
      %dma_start3A_108 = tpu.memref_slice %arg8[%run_scoped3A_20, %dma_start3A_106, %dma_start3A_107] : memref<2x128x128xf32, #tpu.memory_space<vmem>> -> memref<1x128x128xf32, #tpu.memory_space<vmem>>
      %dma_start3A_109 = tpu.memref_squeeze %dma_start3A_108 : memref<1x128x128xf32, #tpu.memory_space<vmem>> -> memref<128x128xf32, #tpu.memory_space<vmem>>
      tpu.enqueue_dma source(%dma_start3A_109 : memref<128x128xf32, #tpu.memory_space<vmem>>) target(%dma_start3A_105 : memref<128x128xf32, #tpu.memory_space<vmem_shared>>) target_semaphore(%run_scoped3A_97 : memref<!tpu.dma_semaphore, #tpu.memory_space<semaphore_mem>>)
      %dma_wait3A = arith.constant 0 : i32
      %dma_wait3A_110 = arith.constant 0 : i32
      %dma_wait3A_111 = tpu.memref_slice %arg8[%run_scoped3A_20, %dma_wait3A, %dma_wait3A_110] : memref<2x128x128xf32, #tpu.memory_space<vmem>> -> memref<1x128x128xf32, #tpu.memory_space<vmem>>
      %dma_wait3A_112 = tpu.memref_squeeze %dma_wait3A_111 : memref<1x128x128xf32, #tpu.memory_space<vmem>> -> memref<128x128xf32, #tpu.memory_space<vmem>>
      %dma_wait3A_113 = arith.constant 0 : i32
      %dma_wait3A_114 = tpu.memref_slice %arg9[%add3A_19, %dma_wait3A_113] : memref<10240x128xf32, #tpu.memory_space<vmem_shared>> -> memref<128x128xf32, #tpu.memory_space<vmem_shared>>
      %dma_wait3A_115 = arith.constant 0 : i32
      %dma_wait3A_116 = tpu.memref_slice %arg9[%add3A_19, %dma_wait3A_115] : memref<10240x128xf32, #tpu.memory_space<vmem_shared>> -> memref<128x128xf32, #tpu.memory_space<vmem_shared>>
      %dma_wait3A_117 = arith.constant 0 : i32
      %dma_wait3A_118 = arith.constant 0 : i32
      %dma_wait3A_119 = tpu.memref_slice %arg8[%run_scoped3A_20, %dma_wait3A_117, %dma_wait3A_118] : memref<2x128x128xf32, #tpu.memory_space<vmem>> -> memref<1x128x128xf32, #tpu.memory_space<vmem>>
      %dma_wait3A_120 = tpu.memref_squeeze %dma_wait3A_119 : memref<1x128x128xf32, #tpu.memory_space<vmem>> -> memref<128x128xf32, #tpu.memory_space<vmem>>
      tpu.wait_dma2 semaphore(%run_scoped3A_97 : memref<!tpu.dma_semaphore, #tpu.memory_space<semaphore_mem>>) src(%dma_wait3A_120 : memref<128x128xf32, #tpu.memory_space<vmem>>) dst(%dma_wait3A_116 : memref<128x128xf32, #tpu.memory_space<vmem_shared>>)
      tpu.yield
    }) : () -> ()
    %add3A_21 = arith.constant 512 : i32
    %add3A_22 = arith.addi %mul3A_9, %add3A_21 : i32
    %run_scoped3A_23 = arith.constant 0 : i32
    "tpu.region"() ({
      %run_scoped3A_97 = tpu.sem_alloc : memref<!tpu.dma_semaphore, #tpu.memory_space<semaphore_mem>>
      %dma_start3A_98 = arith.constant 0 : i32
      %dma_start3A_99 = arith.constant 0 : i32
      %dma_start3A_100 = tpu.memref_slice %arg8[%run_scoped3A_23, %dma_start3A_98, %dma_start3A_99] : memref<2x128x128xf32, #tpu.memory_space<vmem>> -> memref<1x128x128xf32, #tpu.memory_space<vmem>>
      %dma_start3A_101 = tpu.memref_squeeze %dma_start3A_100 : memref<1x128x128xf32, #tpu.memory_space<vmem>> -> memref<128x128xf32, #tpu.memory_space<vmem>>
      %dma_start3A_102 = arith.constant 0 : i32
      %dma_start3A_103 = tpu.memref_slice %arg9[%add3A_22, %dma_start3A_102] : memref<10240x128xf32, #tpu.memory_space<vmem_shared>> -> memref<128x128xf32, #tpu.memory_space<vmem_shared>>
      %dma_start3A_104 = arith.constant 0 : i32
      %dma_start3A_105 = tpu.memref_slice %arg9[%add3A_22, %dma_start3A_104] : memref<10240x128xf32, #tpu.memory_space<vmem_shared>> -> memref<128x128xf32, #tpu.memory_space<vmem_shared>>
      %dma_start3A_106 = arith.constant 0 : i32
      %dma_start3A_107 = arith.constant 0 : i32
      %dma_start3A_108 = tpu.memref_slice %arg8[%run_scoped3A_23, %dma_start3A_106, %dma_start3A_107] : memref<2x128x128xf32, #tpu.memory_space<vmem>> -> memref<1x128x128xf32, #tpu.memory_space<vmem>>
      %dma_start3A_109 = tpu.memref_squeeze %dma_start3A_108 : memref<1x128x128xf32, #tpu.memory_space<vmem>> -> memref<128x128xf32, #tpu.memory_space<vmem>>
      tpu.enqueue_dma source(%dma_start3A_109 : memref<128x128xf32, #tpu.memory_space<vmem>>) target(%dma_start3A_105 : memref<128x128xf32, #tpu.memory_space<vmem_shared>>) target_semaphore(%run_scoped3A_97 : memref<!tpu.dma_semaphore, #tpu.memory_space<semaphore_mem>>)
      %dma_wait3A = arith.constant 0 : i32
      %dma_wait3A_110 = arith.constant 0 : i32
      %dma_wait3A_111 = tpu.memref_slice %arg8[%run_scoped3A_23, %dma_wait3A, %dma_wait3A_110] : memref<2x128x128xf32, #tpu.memory_space<vmem>> -> memref<1x128x128xf32, #tpu.memory_space<vmem>>
      %dma_wait3A_112 = tpu.memref_squeeze %dma_wait3A_111 : memref<1x128x128xf32, #tpu.memory_space<vmem>> -> memref<128x128xf32, #tpu.memory_space<vmem>>
      %dma_wait3A_113 = arith.constant 0 : i32
      %dma_wait3A_114 = tpu.memref_slice %arg9[%add3A_22, %dma_wait3A_113] : memref<10240x128xf32, #tpu.memory_space<vmem_shared>> -> memref<128x128xf32, #tpu.memory_space<vmem_shared>>
      %dma_wait3A_115 = arith.constant 0 : i32
      %dma_wait3A_116 = tpu.memref_slice %arg9[%add3A_22, %dma_wait3A_115] : memref<10240x128xf32, #tpu.memory_space<vmem_shared>> -> memref<128x128xf32, #tpu.memory_space<vmem_shared>>
      %dma_wait3A_117 = arith.constant 0 : i32
      %dma_wait3A_118 = arith.constant 0 : i32
      %dma_wait3A_119 = tpu.memref_slice %arg8[%run_scoped3A_23, %dma_wait3A_117, %dma_wait3A_118] : memref<2x128x128xf32, #tpu.memory_space<vmem>> -> memref<1x128x128xf32, #tpu.memory_space<vmem>>
      %dma_wait3A_120 = tpu.memref_squeeze %dma_wait3A_119 : memref<1x128x128xf32, #tpu.memory_space<vmem>> -> memref<128x128xf32, #tpu.memory_space<vmem>>
      tpu.wait_dma2 semaphore(%run_scoped3A_97 : memref<!tpu.dma_semaphore, #tpu.memory_space<semaphore_mem>>) src(%dma_wait3A_120 : memref<128x128xf32, #tpu.memory_space<vmem>>) dst(%dma_wait3A_116 : memref<128x128xf32, #tpu.memory_space<vmem_shared>>)
      tpu.yield
    }) : () -> ()
    %barrier3A = arith.constant 0 : index
    tpu.barrier barrier_id(%barrier3A)
    %run_scoped3A_24 = arith.constant 0 : i32
    "tpu.region"() ({
      %run_scoped3A_97 = tpu.sem_alloc : memref<!tpu.dma_semaphore, #tpu.memory_space<semaphore_mem>>
      %dma_start3A_98 = arith.constant 0 : i32
      %dma_start3A_99 = arith.constant 0 : i32
      %dma_start3A_100 = tpu.memref_slice %arg3[%add3A, %run_scoped3A_24, %dma_start3A_98, %dma_start3A_99] : memref<32x2x60x128xi32, #tpu.memory_space<hbm>> -> memref<1x1x60x128xi32, #tpu.memory_space<hbm>>
      %dma_start3A_101 = tpu.memref_squeeze %dma_start3A_100 : memref<1x1x60x128xi32, #tpu.memory_space<hbm>> -> memref<60x128xi32, #tpu.memory_space<hbm>>
      %dma_start3A_102 = arith.constant 0 : i32
      %dma_start3A_103 = arith.constant 0 : i32
      %dma_start3A_104 = tpu.memref_slice %arg3[%add3A, %run_scoped3A_24, %dma_start3A_102, %dma_start3A_103] : memref<32x2x60x128xi32, #tpu.memory_space<hbm>> -> memref<1x1x60x128xi32, #tpu.memory_space<hbm>>
      %dma_start3A_105 = tpu.memref_squeeze %dma_start3A_104 : memref<1x1x60x128xi32, #tpu.memory_space<hbm>> -> memref<60x128xi32, #tpu.memory_space<hbm>>
      tpu.enqueue_dma source(%dma_start3A_105 : memref<60x128xi32, #tpu.memory_space<hbm>>) target(%arg6 : memref<60x128xi32, #tpu.memory_space<vmem>>) target_semaphore(%run_scoped3A_97 : memref<!tpu.dma_semaphore, #tpu.memory_space<semaphore_mem>>)
      %dma_wait3A = arith.constant 0 : i32
      %dma_wait3A_106 = arith.constant 0 : i32
      %dma_wait3A_107 = tpu.memref_slice %arg3[%add3A, %run_scoped3A_24, %dma_wait3A, %dma_wait3A_106] : memref<32x2x60x128xi32, #tpu.memory_space<hbm>> -> memref<1x1x60x128xi32, #tpu.memory_space<hbm>>
      %dma_wait3A_108 = tpu.memref_squeeze %dma_wait3A_107 : memref<1x1x60x128xi32, #tpu.memory_space<hbm>> -> memref<60x128xi32, #tpu.memory_space<hbm>>
      %dma_wait3A_109 = arith.constant 0 : i32
      %dma_wait3A_110 = arith.constant 0 : i32
      %dma_wait3A_111 = tpu.memref_slice %arg3[%add3A, %run_scoped3A_24, %dma_wait3A_109, %dma_wait3A_110] : memref<32x2x60x128xi32, #tpu.memory_space<hbm>> -> memref<1x1x60x128xi32, #tpu.memory_space<hbm>>
      %dma_wait3A_112 = tpu.memref_squeeze %dma_wait3A_111 : memref<1x1x60x128xi32, #tpu.memory_space<hbm>> -> memref<60x128xi32, #tpu.memory_space<hbm>>
      tpu.wait_dma2 semaphore(%run_scoped3A_97 : memref<!tpu.dma_semaphore, #tpu.memory_space<semaphore_mem>>) src(%dma_wait3A_112 : memref<60x128xi32, #tpu.memory_space<hbm>>) dst(%arg6 : memref<60x128xi32, #tpu.memory_space<vmem>>)
      tpu.yield
    }) : () -> ()
    %run_scoped3A_25 = arith.constant 0 : i32
    "tpu.region"() ({
      %run_scoped3A_97 = tpu.sem_alloc : memref<!tpu.dma_semaphore, #tpu.memory_space<semaphore_mem>>
      %dma_start3A_98 = arith.constant 0 : i32
      %dma_start3A_99 = arith.constant 0 : i32
      %dma_start3A_100 = tpu.memref_slice %arg4[%add3A, %run_scoped3A_25, %dma_start3A_98, %dma_start3A_99] : memref<32x2x60x128xi32, #tpu.memory_space<hbm>> -> memref<1x1x60x128xi32, #tpu.memory_space<hbm>>
      %dma_start3A_101 = tpu.memref_squeeze %dma_start3A_100 : memref<1x1x60x128xi32, #tpu.memory_space<hbm>> -> memref<60x128xi32, #tpu.memory_space<hbm>>
      %dma_start3A_102 = arith.constant 0 : i32
      %dma_start3A_103 = arith.constant 0 : i32
      %dma_start3A_104 = tpu.memref_slice %arg4[%add3A, %run_scoped3A_25, %dma_start3A_102, %dma_start3A_103] : memref<32x2x60x128xi32, #tpu.memory_space<hbm>> -> memref<1x1x60x128xi32, #tpu.memory_space<hbm>>
      %dma_start3A_105 = tpu.memref_squeeze %dma_start3A_104 : memref<1x1x60x128xi32, #tpu.memory_space<hbm>> -> memref<60x128xi32, #tpu.memory_space<hbm>>
      tpu.enqueue_dma source(%dma_start3A_105 : memref<60x128xi32, #tpu.memory_space<hbm>>) target(%arg7 : memref<60x128xi32, #tpu.memory_space<vmem>>) target_semaphore(%run_scoped3A_97 : memref<!tpu.dma_semaphore, #tpu.memory_space<semaphore_mem>>)
      %dma_wait3A = arith.constant 0 : i32
      %dma_wait3A_106 = arith.constant 0 : i32
      %dma_wait3A_107 = tpu.memref_slice %arg4[%add3A, %run_scoped3A_25, %dma_wait3A, %dma_wait3A_106] : memref<32x2x60x128xi32, #tpu.memory_space<hbm>> -> memref<1x1x60x128xi32, #tpu.memory_space<hbm>>
      %dma_wait3A_108 = tpu.memref_squeeze %dma_wait3A_107 : memref<1x1x60x128xi32, #tpu.memory_space<hbm>> -> memref<60x128xi32, #tpu.memory_space<hbm>>
      %dma_wait3A_109 = arith.constant 0 : i32
      %dma_wait3A_110 = arith.constant 0 : i32
      %dma_wait3A_111 = tpu.memref_slice %arg4[%add3A, %run_scoped3A_25, %dma_wait3A_109, %dma_wait3A_110] : memref<32x2x60x128xi32, #tpu.memory_space<hbm>> -> memref<1x1x60x128xi32, #tpu.memory_space<hbm>>
      %dma_wait3A_112 = tpu.memref_squeeze %dma_wait3A_111 : memref<1x1x60x128xi32, #tpu.memory_space<hbm>> -> memref<60x128xi32, #tpu.memory_space<hbm>>
      tpu.wait_dma2 semaphore(%run_scoped3A_97 : memref<!tpu.dma_semaphore, #tpu.memory_space<semaphore_mem>>) src(%dma_wait3A_112 : memref<60x128xi32, #tpu.memory_space<hbm>>) dst(%arg7 : memref<60x128xi32, #tpu.memory_space<vmem>>)
      tpu.yield
    }) : () -> ()
    %dma_start3A = arith.constant 0 : i32
    %dma_start3A_26 = arith.constant 0 : i32
    %dma_start3A_27 = arith.constant 0 : i32
    %dma_start3A_28 = arith.constant 0 : i32
    %dma_start3A_29 = tpu.memref_slice %arg8[%dma_start3A_26, %dma_start3A_27, %dma_start3A_28] : memref<2x128x128xf32, #tpu.memory_space<vmem>> -> memref<1x128x128xf32, #tpu.memory_space<vmem>>
    %dma_start3A_30 = tpu.memref_squeeze %dma_start3A_29 : memref<1x128x128xf32, #tpu.memory_space<vmem>> -> memref<128x128xf32, #tpu.memory_space<vmem>>
    %dma_start3A_31 = arith.constant 0 : i32
    %dma_start3A_32 = tpu.memref_slice %arg6[%dma_start3A, %dma_start3A_31] : memref<60x128xi32, #tpu.memory_space<vmem>> -> memref<1x128xi32, #tpu.memory_space<vmem>>
    %dma_start3A_33 = tpu.memref_squeeze %dma_start3A_32 : memref<1x128xi32, #tpu.memory_space<vmem>> -> memref<128xi32, #tpu.memory_space<vmem>>
    %dma_start3A_34 = arith.constant 0 : i32
    %dma_start3A_35 = arith.constant 0 : i32
    %dma_start3A_36 = tpu.memref_slice %arg2[%dma_start3A_34, %dma_start3A_35] : memref<10000x128xf32, #tpu.memory_space<hbm>> -> memref<10000x128xf32, #tpu.memory_space<hbm>>
    tpu.enqueue_indirect_dma source(%dma_start3A_36 : memref<10000x128xf32, #tpu.memory_space<hbm>>) target(%dma_start3A_30 : memref<128x128xf32, #tpu.memory_space<vmem>>) offsets(%dma_start3A_33 : memref<128xi32, #tpu.memory_space<vmem>>) semaphore(%arg10 : memref<!tpu.dma_semaphore, #tpu.memory_space<semaphore_mem>>)
    %dma_start3A_37 = arith.constant 1 : i32
    %dma_start3A_38 = arith.constant 1 : i32
    %dma_start3A_39 = arith.constant 0 : i32
    %dma_start3A_40 = arith.constant 0 : i32
    %dma_start3A_41 = tpu.memref_slice %arg8[%dma_start3A_38, %dma_start3A_39, %dma_start3A_40] : memref<2x128x128xf32, #tpu.memory_space<vmem>> -> memref<1x128x128xf32, #tpu.memory_space<vmem>>
    %dma_start3A_42 = tpu.memref_squeeze %dma_start3A_41 : memref<1x128x128xf32, #tpu.memory_space<vmem>> -> memref<128x128xf32, #tpu.memory_space<vmem>>
    %dma_start3A_43 = arith.constant 0 : i32
    %dma_start3A_44 = tpu.memref_slice %arg6[%dma_start3A_37, %dma_start3A_43] : memref<60x128xi32, #tpu.memory_space<vmem>> -> memref<1x128xi32, #tpu.memory_space<vmem>>
    %dma_start3A_45 = tpu.memref_squeeze %dma_start3A_44 : memref<1x128xi32, #tpu.memory_space<vmem>> -> memref<128xi32, #tpu.memory_space<vmem>>
    %dma_start3A_46 = arith.constant 0 : i32
    %dma_start3A_47 = arith.constant 0 : i32
    %dma_start3A_48 = tpu.memref_slice %arg2[%dma_start3A_46, %dma_start3A_47] : memref<10000x128xf32, #tpu.memory_space<hbm>> -> memref<10000x128xf32, #tpu.memory_space<hbm>>
    tpu.enqueue_indirect_dma source(%dma_start3A_48 : memref<10000x128xf32, #tpu.memory_space<hbm>>) target(%dma_start3A_42 : memref<128x128xf32, #tpu.memory_space<vmem>>) offsets(%dma_start3A_45 : memref<128xi32, #tpu.memory_space<vmem>>) semaphore(%arg11 : memref<!tpu.dma_semaphore, #tpu.memory_space<semaphore_mem>>)
    %while3A = arith.constant 0 : i32
    %while3A_49 = arith.constant 0 : i32
    %while3A_50 = arith.subi %select_n3A, %while3A_49 : i32
    %while3A_51 = arith.addi %while3A_49, %while3A_50 : i32
    %while3A_52 = arith.constant 1 : i32
    %while3A_53 = arith.divsi %while3A_50, %while3A_52 : i32
    %while3A_54 = arith.muli %while3A_53, %while3A_52 : i32
    %while3A_55 = arith.addi %while3A_49, %while3A_54 : i32
    %while3A_56 = arith.constant 1 : i32
    scf.for %while3A_97 = %while3A_49 to %while3A_55 step %while3A_56  : i32 {
      %mul3A_98 = arith.constant 2 : i32
      %mul3A_99 = arith.muli %mul3A_98, %while3A_97 : i32
      %dma_wait3A = arith.constant 0 : i32
      %dma_wait3A_100 = arith.constant 0 : i32
      %dma_wait3A_101 = arith.constant 0 : i32
      %dma_wait3A_102 = tpu.memref_slice %arg8[%dma_wait3A, %dma_wait3A_100, %dma_wait3A_101] : memref<2x128x128xf32, #tpu.memory_space<vmem>> -> memref<1x128x128xf32, #tpu.memory_space<vmem>>
      %dma_wait3A_103 = tpu.memref_squeeze %dma_wait3A_102 : memref<1x128x128xf32, #tpu.memory_space<vmem>> -> memref<128x128xf32, #tpu.memory_space<vmem>>
      %dma_wait3A_104 = arith.constant 0 : i32
      %dma_wait3A_105 = tpu.memref_slice %arg6[%mul3A_99, %dma_wait3A_104] : memref<60x128xi32, #tpu.memory_space<vmem>> -> memref<1x128xi32, #tpu.memory_space<vmem>>
      %dma_wait3A_106 = tpu.memref_squeeze %dma_wait3A_105 : memref<1x128xi32, #tpu.memory_space<vmem>> -> memref<128xi32, #tpu.memory_space<vmem>>
      %dma_wait3A_107 = arith.constant 0 : i32
      %dma_wait3A_108 = arith.constant 0 : i32
      %dma_wait3A_109 = tpu.memref_slice %arg2[%dma_wait3A_107, %dma_wait3A_108] : memref<10000x128xf32, #tpu.memory_space<hbm>> -> memref<10000x128xf32, #tpu.memory_space<hbm>>
      tpu.wait_indirect_dma semaphore(%arg10 : memref<!tpu.dma_semaphore, #tpu.memory_space<semaphore_mem>>) src(%dma_wait3A_109 : memref<10000x128xf32, #tpu.memory_space<hbm>>) dst(%dma_wait3A_103 : memref<128x128xf32, #tpu.memory_space<vmem>>)
      %run_scoped3A_110 = arith.constant 0 : i32
      "tpu.region"() ({
        %run_scoped3A_135 = tpu.sem_alloc : memref<!tpu.dma_semaphore, #tpu.memory_space<semaphore_mem>>
        %dma_start3A_136 = arith.constant 0 : i32
        %dma_start3A_137 = arith.constant 0 : i32
        %dma_start3A_138 = tpu.memref_slice %arg8[%run_scoped3A_110, %dma_start3A_136, %dma_start3A_137] : memref<2x128x128xf32, #tpu.memory_space<vmem>> -> memref<1x128x128xf32, #tpu.memory_space<vmem>>
        %dma_start3A_139 = tpu.memref_squeeze %dma_start3A_138 : memref<1x128x128xf32, #tpu.memory_space<vmem>> -> memref<128x128xf32, #tpu.memory_space<vmem>>
        %dma_start3A_140 = arith.constant 0 : i32
        %dma_start3A_141 = tpu.memref_slice %arg7[%mul3A_99, %dma_start3A_140] : memref<60x128xi32, #tpu.memory_space<vmem>> -> memref<1x128xi32, #tpu.memory_space<vmem>>
        %dma_start3A_142 = tpu.memref_squeeze %dma_start3A_141 : memref<1x128xi32, #tpu.memory_space<vmem>> -> memref<128xi32, #tpu.memory_space<vmem>>
        %dma_start3A_143 = arith.constant 0 : i32
        %dma_start3A_144 = arith.constant 0 : i32
        %dma_start3A_145 = tpu.memref_slice %arg9[%dma_start3A_143, %dma_start3A_144] : memref<10240x128xf32, #tpu.memory_space<vmem_shared>> -> memref<10240x128xf32, #tpu.memory_space<vmem_shared>>
        tpu.enqueue_indirect_dma source(%dma_start3A_139 : memref<128x128xf32, #tpu.memory_space<vmem>>) target(%dma_start3A_145 : memref<10240x128xf32, #tpu.memory_space<vmem_shared>>) offsets(%dma_start3A_142 : memref<128xi32, #tpu.memory_space<vmem>>) semaphore(%run_scoped3A_135 : memref<!tpu.dma_semaphore, #tpu.memory_space<semaphore_mem>>) {add = true}
        %dma_wait3A_146 = arith.constant 0 : i32
        %dma_wait3A_147 = arith.constant 0 : i32
        %dma_wait3A_148 = tpu.memref_slice %arg8[%run_scoped3A_110, %dma_wait3A_146, %dma_wait3A_147] : memref<2x128x128xf32, #tpu.memory_space<vmem>> -> memref<1x128x128xf32, #tpu.memory_space<vmem>>
        %dma_wait3A_149 = tpu.memref_squeeze %dma_wait3A_148 : memref<1x128x128xf32, #tpu.memory_space<vmem>> -> memref<128x128xf32, #tpu.memory_space<vmem>>
        %dma_wait3A_150 = arith.constant 0 : i32
        %dma_wait3A_151 = tpu.memref_slice %arg7[%mul3A_99, %dma_wait3A_150] : memref<60x128xi32, #tpu.memory_space<vmem>> -> memref<1x128xi32, #tpu.memory_space<vmem>>
        %dma_wait3A_152 = tpu.memref_squeeze %dma_wait3A_151 : memref<1x128xi32, #tpu.memory_space<vmem>> -> memref<128xi32, #tpu.memory_space<vmem>>
        %dma_wait3A_153 = arith.constant 0 : i32
        %dma_wait3A_154 = arith.constant 0 : i32
        %dma_wait3A_155 = tpu.memref_slice %arg9[%dma_wait3A_153, %dma_wait3A_154] : memref<10240x128xf32, #tpu.memory_space<vmem_shared>> -> memref<10240x128xf32, #tpu.memory_space<vmem_shared>>
        tpu.wait_indirect_dma semaphore(%run_scoped3A_135 : memref<!tpu.dma_semaphore, #tpu.memory_space<semaphore_mem>>) src(%dma_wait3A_149 : memref<128x128xf32, #tpu.memory_space<vmem>>) dst(%dma_wait3A_155 : memref<10240x128xf32, #tpu.memory_space<vmem_shared>>)
        tpu.yield
      }) : () -> ()
      %sub3A = arith.constant 1 : i32
      %sub3A_111 = arith.subi %select_n3A, %sub3A : i32
      %lt3A = arith.cmpi slt, %while3A_97, %sub3A_111 : i32
      %convert_element_type3A = arith.extui %lt3A : i1 to i32
      %cond3A = arith.constant 0 : i32
      %cond3A_112 = arith.cmpi ne, %convert_element_type3A, %cond3A : i32
      scf.if %cond3A_112 {
        %add3A_135 = arith.constant 2 : i32
        %add3A_136 = arith.addi %mul3A_99, %add3A_135 : i32
        %dma_start3A_137 = arith.constant 0 : i32
        %dma_start3A_138 = arith.constant 0 : i32
        %dma_start3A_139 = arith.constant 0 : i32
        %dma_start3A_140 = tpu.memref_slice %arg8[%dma_start3A_137, %dma_start3A_138, %dma_start3A_139] : memref<2x128x128xf32, #tpu.memory_space<vmem>> -> memref<1x128x128xf32, #tpu.memory_space<vmem>>
        %dma_start3A_141 = tpu.memref_squeeze %dma_start3A_140 : memref<1x128x128xf32, #tpu.memory_space<vmem>> -> memref<128x128xf32, #tpu.memory_space<vmem>>
        %dma_start3A_142 = arith.constant 0 : i32
        %dma_start3A_143 = tpu.memref_slice %arg6[%add3A_136, %dma_start3A_142] : memref<60x128xi32, #tpu.memory_space<vmem>> -> memref<1x128xi32, #tpu.memory_space<vmem>>
        %dma_start3A_144 = tpu.memref_squeeze %dma_start3A_143 : memref<1x128xi32, #tpu.memory_space<vmem>> -> memref<128xi32, #tpu.memory_space<vmem>>
        %dma_start3A_145 = arith.constant 0 : i32
        %dma_start3A_146 = arith.constant 0 : i32
        %dma_start3A_147 = tpu.memref_slice %arg2[%dma_start3A_145, %dma_start3A_146] : memref<10000x128xf32, #tpu.memory_space<hbm>> -> memref<10000x128xf32, #tpu.memory_space<hbm>>
        tpu.enqueue_indirect_dma source(%dma_start3A_147 : memref<10000x128xf32, #tpu.memory_space<hbm>>) target(%dma_start3A_141 : memref<128x128xf32, #tpu.memory_space<vmem>>) offsets(%dma_start3A_144 : memref<128xi32, #tpu.memory_space<vmem>>) semaphore(%arg10 : memref<!tpu.dma_semaphore, #tpu.memory_space<semaphore_mem>>)
      } else {
      }
      %add3A_113 = arith.constant 1 : i32
      %add3A_114 = arith.addi %mul3A_99, %add3A_113 : i32
      %dma_wait3A_115 = arith.constant 1 : i32
      %dma_wait3A_116 = arith.constant 0 : i32
      %dma_wait3A_117 = arith.constant 0 : i32
      %dma_wait3A_118 = tpu.memref_slice %arg8[%dma_wait3A_115, %dma_wait3A_116, %dma_wait3A_117] : memref<2x128x128xf32, #tpu.memory_space<vmem>> -> memref<1x128x128xf32, #tpu.memory_space<vmem>>
      %dma_wait3A_119 = tpu.memref_squeeze %dma_wait3A_118 : memref<1x128x128xf32, #tpu.memory_space<vmem>> -> memref<128x128xf32, #tpu.memory_space<vmem>>
      %dma_wait3A_120 = arith.constant 0 : i32
      %dma_wait3A_121 = tpu.memref_slice %arg6[%add3A_114, %dma_wait3A_120] : memref<60x128xi32, #tpu.memory_space<vmem>> -> memref<1x128xi32, #tpu.memory_space<vmem>>
      %dma_wait3A_122 = tpu.memref_squeeze %dma_wait3A_121 : memref<1x128xi32, #tpu.memory_space<vmem>> -> memref<128xi32, #tpu.memory_space<vmem>>
      %dma_wait3A_123 = arith.constant 0 : i32
      %dma_wait3A_124 = arith.constant 0 : i32
      %dma_wait3A_125 = tpu.memref_slice %arg2[%dma_wait3A_123, %dma_wait3A_124] : memref<10000x128xf32, #tpu.memory_space<hbm>> -> memref<10000x128xf32, #tpu.memory_space<hbm>>
      tpu.wait_indirect_dma semaphore(%arg11 : memref<!tpu.dma_semaphore, #tpu.memory_space<semaphore_mem>>) src(%dma_wait3A_125 : memref<10000x128xf32, #tpu.memory_space<hbm>>) dst(%dma_wait3A_119 : memref<128x128xf32, #tpu.memory_space<vmem>>)
      %add3A_126 = arith.constant 1 : i32
      %add3A_127 = arith.addi %mul3A_99, %add3A_126 : i32
      %run_scoped3A_128 = arith.constant 1 : i32
      "tpu.region"() ({
        %run_scoped3A_135 = tpu.sem_alloc : memref<!tpu.dma_semaphore, #tpu.memory_space<semaphore_mem>>
        %dma_start3A_136 = arith.constant 0 : i32
        %dma_start3A_137 = arith.constant 0 : i32
        %dma_start3A_138 = tpu.memref_slice %arg8[%run_scoped3A_128, %dma_start3A_136, %dma_start3A_137] : memref<2x128x128xf32, #tpu.memory_space<vmem>> -> memref<1x128x128xf32, #tpu.memory_space<vmem>>
        %dma_start3A_139 = tpu.memref_squeeze %dma_start3A_138 : memref<1x128x128xf32, #tpu.memory_space<vmem>> -> memref<128x128xf32, #tpu.memory_space<vmem>>
        %dma_start3A_140 = arith.constant 0 : i32
        %dma_start3A_141 = tpu.memref_slice %arg7[%add3A_127, %dma_start3A_140] : memref<60x128xi32, #tpu.memory_space<vmem>> -> memref<1x128xi32, #tpu.memory_space<vmem>>
        %dma_start3A_142 = tpu.memref_squeeze %dma_start3A_141 : memref<1x128xi32, #tpu.memory_space<vmem>> -> memref<128xi32, #tpu.memory_space<vmem>>
        %dma_start3A_143 = arith.constant 0 : i32
        %dma_start3A_144 = arith.constant 0 : i32
        %dma_start3A_145 = tpu.memref_slice %arg9[%dma_start3A_143, %dma_start3A_144] : memref<10240x128xf32, #tpu.memory_space<vmem_shared>> -> memref<10240x128xf32, #tpu.memory_space<vmem_shared>>
        tpu.enqueue_indirect_dma source(%dma_start3A_139 : memref<128x128xf32, #tpu.memory_space<vmem>>) target(%dma_start3A_145 : memref<10240x128xf32, #tpu.memory_space<vmem_shared>>) offsets(%dma_start3A_142 : memref<128xi32, #tpu.memory_space<vmem>>) semaphore(%run_scoped3A_135 : memref<!tpu.dma_semaphore, #tpu.memory_space<semaphore_mem>>) {add = true}
        %dma_wait3A_146 = arith.constant 0 : i32
        %dma_wait3A_147 = arith.constant 0 : i32
        %dma_wait3A_148 = tpu.memref_slice %arg8[%run_scoped3A_128, %dma_wait3A_146, %dma_wait3A_147] : memref<2x128x128xf32, #tpu.memory_space<vmem>> -> memref<1x128x128xf32, #tpu.memory_space<vmem>>
        %dma_wait3A_149 = tpu.memref_squeeze %dma_wait3A_148 : memref<1x128x128xf32, #tpu.memory_space<vmem>> -> memref<128x128xf32, #tpu.memory_space<vmem>>
        %dma_wait3A_150 = arith.constant 0 : i32
        %dma_wait3A_151 = tpu.memref_slice %arg7[%add3A_127, %dma_wait3A_150] : memref<60x128xi32, #tpu.memory_space<vmem>> -> memref<1x128xi32, #tpu.memory_space<vmem>>
        %dma_wait3A_152 = tpu.memref_squeeze %dma_wait3A_151 : memref<1x128xi32, #tpu.memory_space<vmem>> -> memref<128xi32, #tpu.memory_space<vmem>>
        %dma_wait3A_153 = arith.constant 0 : i32
        %dma_wait3A_154 = arith.constant 0 : i32
        %dma_wait3A_155 = tpu.memref_slice %arg9[%dma_wait3A_153, %dma_wait3A_154] : memref<10240x128xf32, #tpu.memory_space<vmem_shared>> -> memref<10240x128xf32, #tpu.memory_space<vmem_shared>>
        tpu.wait_indirect_dma semaphore(%run_scoped3A_135 : memref<!tpu.dma_semaphore, #tpu.memory_space<semaphore_mem>>) src(%dma_wait3A_149 : memref<128x128xf32, #tpu.memory_space<vmem>>) dst(%dma_wait3A_155 : memref<10240x128xf32, #tpu.memory_space<vmem_shared>>)
        tpu.yield
      }) : () -> ()
      %sub3A_129 = arith.constant 1 : i32
      %sub3A_130 = arith.subi %select_n3A, %sub3A_129 : i32
      %lt3A_131 = arith.cmpi slt, %while3A_97, %sub3A_130 : i32
      %convert_element_type3A_132 = arith.extui %lt3A_131 : i1 to i32
      %cond3A_133 = arith.constant 0 : i32
      %cond3A_134 = arith.cmpi ne, %convert_element_type3A_132, %cond3A_133 : i32
      scf.if %cond3A_134 {
        %add3A_135 = arith.constant 3 : i32
        %add3A_136 = arith.addi %mul3A_99, %add3A_135 : i32
        %dma_start3A_137 = arith.constant 1 : i32
        %dma_start3A_138 = arith.constant 0 : i32
        %dma_start3A_139 = arith.constant 0 : i32
        %dma_start3A_140 = tpu.memref_slice %arg8[%dma_start3A_137, %dma_start3A_138, %dma_start3A_139] : memref<2x128x128xf32, #tpu.memory_space<vmem>> -> memref<1x128x128xf32, #tpu.memory_space<vmem>>
        %dma_start3A_141 = tpu.memref_squeeze %dma_start3A_140 : memref<1x128x128xf32, #tpu.memory_space<vmem>> -> memref<128x128xf32, #tpu.memory_space<vmem>>
        %dma_start3A_142 = arith.constant 0 : i32
        %dma_start3A_143 = tpu.memref_slice %arg6[%add3A_136, %dma_start3A_142] : memref<60x128xi32, #tpu.memory_space<vmem>> -> memref<1x128xi32, #tpu.memory_space<vmem>>
        %dma_start3A_144 = tpu.memref_squeeze %dma_start3A_143 : memref<1x128xi32, #tpu.memory_space<vmem>> -> memref<128xi32, #tpu.memory_space<vmem>>
        %dma_start3A_145 = arith.constant 0 : i32
        %dma_start3A_146 = arith.constant 0 : i32
        %dma_start3A_147 = tpu.memref_slice %arg2[%dma_start3A_145, %dma_start3A_146] : memref<10000x128xf32, #tpu.memory_space<hbm>> -> memref<10000x128xf32, #tpu.memory_space<hbm>>
        tpu.enqueue_indirect_dma source(%dma_start3A_147 : memref<10000x128xf32, #tpu.memory_space<hbm>>) target(%dma_start3A_141 : memref<128x128xf32, #tpu.memory_space<vmem>>) offsets(%dma_start3A_144 : memref<128xi32, #tpu.memory_space<vmem>>) semaphore(%arg11 : memref<!tpu.dma_semaphore, #tpu.memory_space<semaphore_mem>>)
      } else {
      }
    }
    %while3A_57 = arith.constant 1 : i32
    scf.for %while3A_97 = %while3A_55 to %while3A_51 step %while3A_57  : i32 {
      %mul3A_98 = arith.constant 2 : i32
      %mul3A_99 = arith.muli %mul3A_98, %while3A_97 : i32
      %dma_wait3A = arith.constant 0 : i32
      %dma_wait3A_100 = arith.constant 0 : i32
      %dma_wait3A_101 = arith.constant 0 : i32
      %dma_wait3A_102 = tpu.memref_slice %arg8[%dma_wait3A, %dma_wait3A_100, %dma_wait3A_101] : memref<2x128x128xf32, #tpu.memory_space<vmem>> -> memref<1x128x128xf32, #tpu.memory_space<vmem>>
      %dma_wait3A_103 = tpu.memref_squeeze %dma_wait3A_102 : memref<1x128x128xf32, #tpu.memory_space<vmem>> -> memref<128x128xf32, #tpu.memory_space<vmem>>
      %dma_wait3A_104 = arith.constant 0 : i32
      %dma_wait3A_105 = tpu.memref_slice %arg6[%mul3A_99, %dma_wait3A_104] : memref<60x128xi32, #tpu.memory_space<vmem>> -> memref<1x128xi32, #tpu.memory_space<vmem>>
      %dma_wait3A_106 = tpu.memref_squeeze %dma_wait3A_105 : memref<1x128xi32, #tpu.memory_space<vmem>> -> memref<128xi32, #tpu.memory_space<vmem>>
      %dma_wait3A_107 = arith.constant 0 : i32
      %dma_wait3A_108 = arith.constant 0 : i32
      %dma_wait3A_109 = tpu.memref_slice %arg2[%dma_wait3A_107, %dma_wait3A_108] : memref<10000x128xf32, #tpu.memory_space<hbm>> -> memref<10000x128xf32, #tpu.memory_space<hbm>>
      tpu.wait_indirect_dma semaphore(%arg10 : memref<!tpu.dma_semaphore, #tpu.memory_space<semaphore_mem>>) src(%dma_wait3A_109 : memref<10000x128xf32, #tpu.memory_space<hbm>>) dst(%dma_wait3A_103 : memref<128x128xf32, #tpu.memory_space<vmem>>)
      %run_scoped3A_110 = arith.constant 0 : i32
      "tpu.region"() ({
        %run_scoped3A_135 = tpu.sem_alloc : memref<!tpu.dma_semaphore, #tpu.memory_space<semaphore_mem>>
        %dma_start3A_136 = arith.constant 0 : i32
        %dma_start3A_137 = arith.constant 0 : i32
        %dma_start3A_138 = tpu.memref_slice %arg8[%run_scoped3A_110, %dma_start3A_136, %dma_start3A_137] : memref<2x128x128xf32, #tpu.memory_space<vmem>> -> memref<1x128x128xf32, #tpu.memory_space<vmem>>
        %dma_start3A_139 = tpu.memref_squeeze %dma_start3A_138 : memref<1x128x128xf32, #tpu.memory_space<vmem>> -> memref<128x128xf32, #tpu.memory_space<vmem>>
        %dma_start3A_140 = arith.constant 0 : i32
        %dma_start3A_141 = tpu.memref_slice %arg7[%mul3A_99, %dma_start3A_140] : memref<60x128xi32, #tpu.memory_space<vmem>> -> memref<1x128xi32, #tpu.memory_space<vmem>>
        %dma_start3A_142 = tpu.memref_squeeze %dma_start3A_141 : memref<1x128xi32, #tpu.memory_space<vmem>> -> memref<128xi32, #tpu.memory_space<vmem>>
        %dma_start3A_143 = arith.constant 0 : i32
        %dma_start3A_144 = arith.constant 0 : i32
        %dma_start3A_145 = tpu.memref_slice %arg9[%dma_start3A_143, %dma_start3A_144] : memref<10240x128xf32, #tpu.memory_space<vmem_shared>> -> memref<10240x128xf32, #tpu.memory_space<vmem_shared>>
        tpu.enqueue_indirect_dma source(%dma_start3A_139 : memref<128x128xf32, #tpu.memory_space<vmem>>) target(%dma_start3A_145 : memref<10240x128xf32, #tpu.memory_space<vmem_shared>>) offsets(%dma_start3A_142 : memref<128xi32, #tpu.memory_space<vmem>>) semaphore(%run_scoped3A_135 : memref<!tpu.dma_semaphore, #tpu.memory_space<semaphore_mem>>) {add = true}
        %dma_wait3A_146 = arith.constant 0 : i32
        %dma_wait3A_147 = arith.constant 0 : i32
        %dma_wait3A_148 = tpu.memref_slice %arg8[%run_scoped3A_110, %dma_wait3A_146, %dma_wait3A_147] : memref<2x128x128xf32, #tpu.memory_space<vmem>> -> memref<1x128x128xf32, #tpu.memory_space<vmem>>
        %dma_wait3A_149 = tpu.memref_squeeze %dma_wait3A_148 : memref<1x128x128xf32, #tpu.memory_space<vmem>> -> memref<128x128xf32, #tpu.memory_space<vmem>>
        %dma_wait3A_150 = arith.constant 0 : i32
        %dma_wait3A_151 = tpu.memref_slice %arg7[%mul3A_99, %dma_wait3A_150] : memref<60x128xi32, #tpu.memory_space<vmem>> -> memref<1x128xi32, #tpu.memory_space<vmem>>
        %dma_wait3A_152 = tpu.memref_squeeze %dma_wait3A_151 : memref<1x128xi32, #tpu.memory_space<vmem>> -> memref<128xi32, #tpu.memory_space<vmem>>
        %dma_wait3A_153 = arith.constant 0 : i32
        %dma_wait3A_154 = arith.constant 0 : i32
        %dma_wait3A_155 = tpu.memref_slice %arg9[%dma_wait3A_153, %dma_wait3A_154] : memref<10240x128xf32, #tpu.memory_space<vmem_shared>> -> memref<10240x128xf32, #tpu.memory_space<vmem_shared>>
        tpu.wait_indirect_dma semaphore(%run_scoped3A_135 : memref<!tpu.dma_semaphore, #tpu.memory_space<semaphore_mem>>) src(%dma_wait3A_149 : memref<128x128xf32, #tpu.memory_space<vmem>>) dst(%dma_wait3A_155 : memref<10240x128xf32, #tpu.memory_space<vmem_shared>>)
        tpu.yield
      }) : () -> ()
      %sub3A = arith.constant 1 : i32
      %sub3A_111 = arith.subi %select_n3A, %sub3A : i32
      %lt3A = arith.cmpi slt, %while3A_97, %sub3A_111 : i32
      %convert_element_type3A = arith.extui %lt3A : i1 to i32
      %cond3A = arith.constant 0 : i32
      %cond3A_112 = arith.cmpi ne, %convert_element_type3A, %cond3A : i32
      scf.if %cond3A_112 {
        %add3A_135 = arith.constant 2 : i32
        %add3A_136 = arith.addi %mul3A_99, %add3A_135 : i32
        %dma_start3A_137 = arith.constant 0 : i32
        %dma_start3A_138 = arith.constant 0 : i32
        %dma_start3A_139 = arith.constant 0 : i32
        %dma_start3A_140 = tpu.memref_slice %arg8[%dma_start3A_137, %dma_start3A_138, %dma_start3A_139] : memref<2x128x128xf32, #tpu.memory_space<vmem>> -> memref<1x128x128xf32, #tpu.memory_space<vmem>>
        %dma_start3A_141 = tpu.memref_squeeze %dma_start3A_140 : memref<1x128x128xf32, #tpu.memory_space<vmem>> -> memref<128x128xf32, #tpu.memory_space<vmem>>
        %dma_start3A_142 = arith.constant 0 : i32
        %dma_start3A_143 = tpu.memref_slice %arg6[%add3A_136, %dma_start3A_142] : memref<60x128xi32, #tpu.memory_space<vmem>> -> memref<1x128xi32, #tpu.memory_space<vmem>>
        %dma_start3A_144 = tpu.memref_squeeze %dma_start3A_143 : memref<1x128xi32, #tpu.memory_space<vmem>> -> memref<128xi32, #tpu.memory_space<vmem>>
        %dma_start3A_145 = arith.constant 0 : i32
        %dma_start3A_146 = arith.constant 0 : i32
        %dma_start3A_147 = tpu.memref_slice %arg2[%dma_start3A_145, %dma_start3A_146] : memref<10000x128xf32, #tpu.memory_space<hbm>> -> memref<10000x128xf32, #tpu.memory_space<hbm>>
        tpu.enqueue_indirect_dma source(%dma_start3A_147 : memref<10000x128xf32, #tpu.memory_space<hbm>>) target(%dma_start3A_141 : memref<128x128xf32, #tpu.memory_space<vmem>>) offsets(%dma_start3A_144 : memref<128xi32, #tpu.memory_space<vmem>>) semaphore(%arg10 : memref<!tpu.dma_semaphore, #tpu.memory_space<semaphore_mem>>)
      } else {
      }
      %add3A_113 = arith.constant 1 : i32
      %add3A_114 = arith.addi %mul3A_99, %add3A_113 : i32
      %dma_wait3A_115 = arith.constant 1 : i32
      %dma_wait3A_116 = arith.constant 0 : i32
      %dma_wait3A_117 = arith.constant 0 : i32
      %dma_wait3A_118 = tpu.memref_slice %arg8[%dma_wait3A_115, %dma_wait3A_116, %dma_wait3A_117] : memref<2x128x128xf32, #tpu.memory_space<vmem>> -> memref<1x128x128xf32, #tpu.memory_space<vmem>>
      %dma_wait3A_119 = tpu.memref_squeeze %dma_wait3A_118 : memref<1x128x128xf32, #tpu.memory_space<vmem>> -> memref<128x128xf32, #tpu.memory_space<vmem>>
      %dma_wait3A_120 = arith.constant 0 : i32
      %dma_wait3A_121 = tpu.memref_slice %arg6[%add3A_114, %dma_wait3A_120] : memref<60x128xi32, #tpu.memory_space<vmem>> -> memref<1x128xi32, #tpu.memory_space<vmem>>
      %dma_wait3A_122 = tpu.memref_squeeze %dma_wait3A_121 : memref<1x128xi32, #tpu.memory_space<vmem>> -> memref<128xi32, #tpu.memory_space<vmem>>
      %dma_wait3A_123 = arith.constant 0 : i32
      %dma_wait3A_124 = arith.constant 0 : i32
      %dma_wait3A_125 = tpu.memref_slice %arg2[%dma_wait3A_123, %dma_wait3A_124] : memref<10000x128xf32, #tpu.memory_space<hbm>> -> memref<10000x128xf32, #tpu.memory_space<hbm>>
      tpu.wait_indirect_dma semaphore(%arg11 : memref<!tpu.dma_semaphore, #tpu.memory_space<semaphore_mem>>) src(%dma_wait3A_125 : memref<10000x128xf32, #tpu.memory_space<hbm>>) dst(%dma_wait3A_119 : memref<128x128xf32, #tpu.memory_space<vmem>>)
      %add3A_126 = arith.constant 1 : i32
      %add3A_127 = arith.addi %mul3A_99, %add3A_126 : i32
      %run_scoped3A_128 = arith.constant 1 : i32
      "tpu.region"() ({
        %run_scoped3A_135 = tpu.sem_alloc : memref<!tpu.dma_semaphore, #tpu.memory_space<semaphore_mem>>
        %dma_start3A_136 = arith.constant 0 : i32
        %dma_start3A_137 = arith.constant 0 : i32
        %dma_start3A_138 = tpu.memref_slice %arg8[%run_scoped3A_128, %dma_start3A_136, %dma_start3A_137] : memref<2x128x128xf32, #tpu.memory_space<vmem>> -> memref<1x128x128xf32, #tpu.memory_space<vmem>>
        %dma_start3A_139 = tpu.memref_squeeze %dma_start3A_138 : memref<1x128x128xf32, #tpu.memory_space<vmem>> -> memref<128x128xf32, #tpu.memory_space<vmem>>
        %dma_start3A_140 = arith.constant 0 : i32
        %dma_start3A_141 = tpu.memref_slice %arg7[%add3A_127, %dma_start3A_140] : memref<60x128xi32, #tpu.memory_space<vmem>> -> memref<1x128xi32, #tpu.memory_space<vmem>>
        %dma_start3A_142 = tpu.memref_squeeze %dma_start3A_141 : memref<1x128xi32, #tpu.memory_space<vmem>> -> memref<128xi32, #tpu.memory_space<vmem>>
        %dma_start3A_143 = arith.constant 0 : i32
        %dma_start3A_144 = arith.constant 0 : i32
        %dma_start3A_145 = tpu.memref_slice %arg9[%dma_start3A_143, %dma_start3A_144] : memref<10240x128xf32, #tpu.memory_space<vmem_shared>> -> memref<10240x128xf32, #tpu.memory_space<vmem_shared>>
        tpu.enqueue_indirect_dma source(%dma_start3A_139 : memref<128x128xf32, #tpu.memory_space<vmem>>) target(%dma_start3A_145 : memref<10240x128xf32, #tpu.memory_space<vmem_shared>>) offsets(%dma_start3A_142 : memref<128xi32, #tpu.memory_space<vmem>>) semaphore(%run_scoped3A_135 : memref<!tpu.dma_semaphore, #tpu.memory_space<semaphore_mem>>) {add = true}
        %dma_wait3A_146 = arith.constant 0 : i32
        %dma_wait3A_147 = arith.constant 0 : i32
        %dma_wait3A_148 = tpu.memref_slice %arg8[%run_scoped3A_128, %dma_wait3A_146, %dma_wait3A_147] : memref<2x128x128xf32, #tpu.memory_space<vmem>> -> memref<1x128x128xf32, #tpu.memory_space<vmem>>
        %dma_wait3A_149 = tpu.memref_squeeze %dma_wait3A_148 : memref<1x128x128xf32, #tpu.memory_space<vmem>> -> memref<128x128xf32, #tpu.memory_space<vmem>>
        %dma_wait3A_150 = arith.constant 0 : i32
        %dma_wait3A_151 = tpu.memref_slice %arg7[%add3A_127, %dma_wait3A_150] : memref<60x128xi32, #tpu.memory_space<vmem>> -> memref<1x128xi32, #tpu.memory_space<vmem>>
        %dma_wait3A_152 = tpu.memref_squeeze %dma_wait3A_151 : memref<1x128xi32, #tpu.memory_space<vmem>> -> memref<128xi32, #tpu.memory_space<vmem>>
        %dma_wait3A_153 = arith.constant 0 : i32
        %dma_wait3A_154 = arith.constant 0 : i32
        %dma_wait3A_155 = tpu.memref_slice %arg9[%dma_wait3A_153, %dma_wait3A_154] : memref<10240x128xf32, #tpu.memory_space<vmem_shared>> -> memref<10240x128xf32, #tpu.memory_space<vmem_shared>>
        tpu.wait_indirect_dma semaphore(%run_scoped3A_135 : memref<!tpu.dma_semaphore, #tpu.memory_space<semaphore_mem>>) src(%dma_wait3A_149 : memref<128x128xf32, #tpu.memory_space<vmem>>) dst(%dma_wait3A_155 : memref<10240x128xf32, #tpu.memory_space<vmem_shared>>)
        tpu.yield
      }) : () -> ()
      %sub3A_129 = arith.constant 1 : i32
      %sub3A_130 = arith.subi %select_n3A, %sub3A_129 : i32
      %lt3A_131 = arith.cmpi slt, %while3A_97, %sub3A_130 : i32
      %convert_element_type3A_132 = arith.extui %lt3A_131 : i1 to i32
      %cond3A_133 = arith.constant 0 : i32
      %cond3A_134 = arith.cmpi ne, %convert_element_type3A_132, %cond3A_133 : i32
      scf.if %cond3A_134 {
        %add3A_135 = arith.constant 3 : i32
        %add3A_136 = arith.addi %mul3A_99, %add3A_135 : i32
        %dma_start3A_137 = arith.constant 1 : i32
        %dma_start3A_138 = arith.constant 0 : i32
        %dma_start3A_139 = arith.constant 0 : i32
        %dma_start3A_140 = tpu.memref_slice %arg8[%dma_start3A_137, %dma_start3A_138, %dma_start3A_139] : memref<2x128x128xf32, #tpu.memory_space<vmem>> -> memref<1x128x128xf32, #tpu.memory_space<vmem>>
        %dma_start3A_141 = tpu.memref_squeeze %dma_start3A_140 : memref<1x128x128xf32, #tpu.memory_space<vmem>> -> memref<128x128xf32, #tpu.memory_space<vmem>>
        %dma_start3A_142 = arith.constant 0 : i32
        %dma_start3A_143 = tpu.memref_slice %arg6[%add3A_136, %dma_start3A_142] : memref<60x128xi32, #tpu.memory_space<vmem>> -> memref<1x128xi32, #tpu.memory_space<vmem>>
        %dma_start3A_144 = tpu.memref_squeeze %dma_start3A_143 : memref<1x128xi32, #tpu.memory_space<vmem>> -> memref<128xi32, #tpu.memory_space<vmem>>
        %dma_start3A_145 = arith.constant 0 : i32
        %dma_start3A_146 = arith.constant 0 : i32
        %dma_start3A_147 = tpu.memref_slice %arg2[%dma_start3A_145, %dma_start3A_146] : memref<10000x128xf32, #tpu.memory_space<hbm>> -> memref<10000x128xf32, #tpu.memory_space<hbm>>
        tpu.enqueue_indirect_dma source(%dma_start3A_147 : memref<10000x128xf32, #tpu.memory_space<hbm>>) target(%dma_start3A_141 : memref<128x128xf32, #tpu.memory_space<vmem>>) offsets(%dma_start3A_144 : memref<128xi32, #tpu.memory_space<vmem>>) semaphore(%arg11 : memref<!tpu.dma_semaphore, #tpu.memory_space<semaphore_mem>>)
      } else {
      }
    }
    %run_scoped3A_58 = arith.constant 1 : i32
    "tpu.region"() ({
      %run_scoped3A_97 = tpu.sem_alloc : memref<!tpu.dma_semaphore, #tpu.memory_space<semaphore_mem>>
      %dma_start3A_98 = arith.constant 0 : i32
      %dma_start3A_99 = arith.constant 0 : i32
      %dma_start3A_100 = tpu.memref_slice %arg3[%add3A, %run_scoped3A_58, %dma_start3A_98, %dma_start3A_99] : memref<32x2x60x128xi32, #tpu.memory_space<hbm>> -> memref<1x1x60x128xi32, #tpu.memory_space<hbm>>
      %dma_start3A_101 = tpu.memref_squeeze %dma_start3A_100 : memref<1x1x60x128xi32, #tpu.memory_space<hbm>> -> memref<60x128xi32, #tpu.memory_space<hbm>>
      %dma_start3A_102 = arith.constant 0 : i32
      %dma_start3A_103 = arith.constant 0 : i32
      %dma_start3A_104 = tpu.memref_slice %arg3[%add3A, %run_scoped3A_58, %dma_start3A_102, %dma_start3A_103] : memref<32x2x60x128xi32, #tpu.memory_space<hbm>> -> memref<1x1x60x128xi32, #tpu.memory_space<hbm>>
      %dma_start3A_105 = tpu.memref_squeeze %dma_start3A_104 : memref<1x1x60x128xi32, #tpu.memory_space<hbm>> -> memref<60x128xi32, #tpu.memory_space<hbm>>
      tpu.enqueue_dma source(%dma_start3A_105 : memref<60x128xi32, #tpu.memory_space<hbm>>) target(%arg6 : memref<60x128xi32, #tpu.memory_space<vmem>>) target_semaphore(%run_scoped3A_97 : memref<!tpu.dma_semaphore, #tpu.memory_space<semaphore_mem>>)
      %dma_wait3A = arith.constant 0 : i32
      %dma_wait3A_106 = arith.constant 0 : i32
      %dma_wait3A_107 = tpu.memref_slice %arg3[%add3A, %run_scoped3A_58, %dma_wait3A, %dma_wait3A_106] : memref<32x2x60x128xi32, #tpu.memory_space<hbm>> -> memref<1x1x60x128xi32, #tpu.memory_space<hbm>>
      %dma_wait3A_108 = tpu.memref_squeeze %dma_wait3A_107 : memref<1x1x60x128xi32, #tpu.memory_space<hbm>> -> memref<60x128xi32, #tpu.memory_space<hbm>>
      %dma_wait3A_109 = arith.constant 0 : i32
      %dma_wait3A_110 = arith.constant 0 : i32
      %dma_wait3A_111 = tpu.memref_slice %arg3[%add3A, %run_scoped3A_58, %dma_wait3A_109, %dma_wait3A_110] : memref<32x2x60x128xi32, #tpu.memory_space<hbm>> -> memref<1x1x60x128xi32, #tpu.memory_space<hbm>>
      %dma_wait3A_112 = tpu.memref_squeeze %dma_wait3A_111 : memref<1x1x60x128xi32, #tpu.memory_space<hbm>> -> memref<60x128xi32, #tpu.memory_space<hbm>>
      tpu.wait_dma2 semaphore(%run_scoped3A_97 : memref<!tpu.dma_semaphore, #tpu.memory_space<semaphore_mem>>) src(%dma_wait3A_112 : memref<60x128xi32, #tpu.memory_space<hbm>>) dst(%arg6 : memref<60x128xi32, #tpu.memory_space<vmem>>)
      tpu.yield
    }) : () -> ()
    %run_scoped3A_59 = arith.constant 1 : i32
    "tpu.region"() ({
      %run_scoped3A_97 = tpu.sem_alloc : memref<!tpu.dma_semaphore, #tpu.memory_space<semaphore_mem>>
      %dma_start3A_98 = arith.constant 0 : i32
      %dma_start3A_99 = arith.constant 0 : i32
      %dma_start3A_100 = tpu.memref_slice %arg4[%add3A, %run_scoped3A_59, %dma_start3A_98, %dma_start3A_99] : memref<32x2x60x128xi32, #tpu.memory_space<hbm>> -> memref<1x1x60x128xi32, #tpu.memory_space<hbm>>
      %dma_start3A_101 = tpu.memref_squeeze %dma_start3A_100 : memref<1x1x60x128xi32, #tpu.memory_space<hbm>> -> memref<60x128xi32, #tpu.memory_space<hbm>>
      %dma_start3A_102 = arith.constant 0 : i32
      %dma_start3A_103 = arith.constant 0 : i32
      %dma_start3A_104 = tpu.memref_slice %arg4[%add3A, %run_scoped3A_59, %dma_start3A_102, %dma_start3A_103] : memref<32x2x60x128xi32, #tpu.memory_space<hbm>> -> memref<1x1x60x128xi32, #tpu.memory_space<hbm>>
      %dma_start3A_105 = tpu.memref_squeeze %dma_start3A_104 : memref<1x1x60x128xi32, #tpu.memory_space<hbm>> -> memref<60x128xi32, #tpu.memory_space<hbm>>
      tpu.enqueue_dma source(%dma_start3A_105 : memref<60x128xi32, #tpu.memory_space<hbm>>) target(%arg7 : memref<60x128xi32, #tpu.memory_space<vmem>>) target_semaphore(%run_scoped3A_97 : memref<!tpu.dma_semaphore, #tpu.memory_space<semaphore_mem>>)
      %dma_wait3A = arith.constant 0 : i32
      %dma_wait3A_106 = arith.constant 0 : i32
      %dma_wait3A_107 = tpu.memref_slice %arg4[%add3A, %run_scoped3A_59, %dma_wait3A, %dma_wait3A_106] : memref<32x2x60x128xi32, #tpu.memory_space<hbm>> -> memref<1x1x60x128xi32, #tpu.memory_space<hbm>>
      %dma_wait3A_108 = tpu.memref_squeeze %dma_wait3A_107 : memref<1x1x60x128xi32, #tpu.memory_space<hbm>> -> memref<60x128xi32, #tpu.memory_space<hbm>>
      %dma_wait3A_109 = arith.constant 0 : i32
      %dma_wait3A_110 = arith.constant 0 : i32
      %dma_wait3A_111 = tpu.memref_slice %arg4[%add3A, %run_scoped3A_59, %dma_wait3A_109, %dma_wait3A_110] : memref<32x2x60x128xi32, #tpu.memory_space<hbm>> -> memref<1x1x60x128xi32, #tpu.memory_space<hbm>>
      %dma_wait3A_112 = tpu.memref_squeeze %dma_wait3A_111 : memref<1x1x60x128xi32, #tpu.memory_space<hbm>> -> memref<60x128xi32, #tpu.memory_space<hbm>>
      tpu.wait_dma2 semaphore(%run_scoped3A_97 : memref<!tpu.dma_semaphore, #tpu.memory_space<semaphore_mem>>) src(%dma_wait3A_112 : memref<60x128xi32, #tpu.memory_space<hbm>>) dst(%arg7 : memref<60x128xi32, #tpu.memory_space<vmem>>)
      tpu.yield
    }) : () -> ()
    %dma_start3A_60 = arith.constant 0 : i32
    %dma_start3A_61 = arith.constant 0 : i32
    %dma_start3A_62 = arith.constant 0 : i32
    %dma_start3A_63 = arith.constant 0 : i32
    %dma_start3A_64 = tpu.memref_slice %arg8[%dma_start3A_61, %dma_start3A_62, %dma_start3A_63] : memref<2x128x128xf32, #tpu.memory_space<vmem>> -> memref<1x128x128xf32, #tpu.memory_space<vmem>>
    %dma_start3A_65 = tpu.memref_squeeze %dma_start3A_64 : memref<1x128x128xf32, #tpu.memory_space<vmem>> -> memref<128x128xf32, #tpu.memory_space<vmem>>
    %dma_start3A_66 = arith.constant 0 : i32
    %dma_start3A_67 = tpu.memref_slice %arg6[%dma_start3A_60, %dma_start3A_66] : memref<60x128xi32, #tpu.memory_space<vmem>> -> memref<1x128xi32, #tpu.memory_space<vmem>>
    %dma_start3A_68 = tpu.memref_squeeze %dma_start3A_67 : memref<1x128xi32, #tpu.memory_space<vmem>> -> memref<128xi32, #tpu.memory_space<vmem>>
    %dma_start3A_69 = arith.constant 0 : i32
    %dma_start3A_70 = arith.constant 0 : i32
    %dma_start3A_71 = tpu.memref_slice %arg2[%dma_start3A_69, %dma_start3A_70] : memref<10000x128xf32, #tpu.memory_space<hbm>> -> memref<10000x128xf32, #tpu.memory_space<hbm>>
    tpu.enqueue_indirect_dma source(%dma_start3A_71 : memref<10000x128xf32, #tpu.memory_space<hbm>>) target(%dma_start3A_65 : memref<128x128xf32, #tpu.memory_space<vmem>>) offsets(%dma_start3A_68 : memref<128xi32, #tpu.memory_space<vmem>>) semaphore(%arg10 : memref<!tpu.dma_semaphore, #tpu.memory_space<semaphore_mem>>)
    %dma_start3A_72 = arith.constant 1 : i32
    %dma_start3A_73 = arith.constant 1 : i32
    %dma_start3A_74 = arith.constant 0 : i32
    %dma_start3A_75 = arith.constant 0 : i32
    %dma_start3A_76 = tpu.memref_slice %arg8[%dma_start3A_73, %dma_start3A_74, %dma_start3A_75] : memref<2x128x128xf32, #tpu.memory_space<vmem>> -> memref<1x128x128xf32, #tpu.memory_space<vmem>>
    %dma_start3A_77 = tpu.memref_squeeze %dma_start3A_76 : memref<1x128x128xf32, #tpu.memory_space<vmem>> -> memref<128x128xf32, #tpu.memory_space<vmem>>
    %dma_start3A_78 = arith.constant 0 : i32
    %dma_start3A_79 = tpu.memref_slice %arg6[%dma_start3A_72, %dma_start3A_78] : memref<60x128xi32, #tpu.memory_space<vmem>> -> memref<1x128xi32, #tpu.memory_space<vmem>>
    %dma_start3A_80 = tpu.memref_squeeze %dma_start3A_79 : memref<1x128xi32, #tpu.memory_space<vmem>> -> memref<128xi32, #tpu.memory_space<vmem>>
    %dma_start3A_81 = arith.constant 0 : i32
    %dma_start3A_82 = arith.constant 0 : i32
    %dma_start3A_83 = tpu.memref_slice %arg2[%dma_start3A_81, %dma_start3A_82] : memref<10000x128xf32, #tpu.memory_space<hbm>> -> memref<10000x128xf32, #tpu.memory_space<hbm>>
    tpu.enqueue_indirect_dma source(%dma_start3A_83 : memref<10000x128xf32, #tpu.memory_space<hbm>>) target(%dma_start3A_77 : memref<128x128xf32, #tpu.memory_space<vmem>>) offsets(%dma_start3A_80 : memref<128xi32, #tpu.memory_space<vmem>>) semaphore(%arg11 : memref<!tpu.dma_semaphore, #tpu.memory_space<semaphore_mem>>)
    %while3A_84 = arith.constant 0 : i32
    %while3A_85 = arith.constant 0 : i32
    %while3A_86 = arith.subi %select_n3A, %while3A_85 : i32
    %while3A_87 = arith.addi %while3A_85, %while3A_86 : i32
    %while3A_88 = arith.constant 1 : i32
    %while3A_89 = arith.divsi %while3A_86, %while3A_88 : i32
    %while3A_90 = arith.muli %while3A_89, %while3A_88 : i32
    %while3A_91 = arith.addi %while3A_85, %while3A_90 : i32
    %while3A_92 = arith.constant 1 : i32
    scf.for %while3A_97 = %while3A_85 to %while3A_91 step %while3A_92  : i32 {
      %mul3A_98 = arith.constant 2 : i32
      %mul3A_99 = arith.muli %mul3A_98, %while3A_97 : i32
      %dma_wait3A = arith.constant 0 : i32
      %dma_wait3A_100 = arith.constant 0 : i32
      %dma_wait3A_101 = arith.constant 0 : i32
      %dma_wait3A_102 = tpu.memref_slice %arg8[%dma_wait3A, %dma_wait3A_100, %dma_wait3A_101] : memref<2x128x128xf32, #tpu.memory_space<vmem>> -> memref<1x128x128xf32, #tpu.memory_space<vmem>>
      %dma_wait3A_103 = tpu.memref_squeeze %dma_wait3A_102 : memref<1x128x128xf32, #tpu.memory_space<vmem>> -> memref<128x128xf32, #tpu.memory_space<vmem>>
      %dma_wait3A_104 = arith.constant 0 : i32
      %dma_wait3A_105 = tpu.memref_slice %arg6[%mul3A_99, %dma_wait3A_104] : memref<60x128xi32, #tpu.memory_space<vmem>> -> memref<1x128xi32, #tpu.memory_space<vmem>>
      %dma_wait3A_106 = tpu.memref_squeeze %dma_wait3A_105 : memref<1x128xi32, #tpu.memory_space<vmem>> -> memref<128xi32, #tpu.memory_space<vmem>>
      %dma_wait3A_107 = arith.constant 0 : i32
      %dma_wait3A_108 = arith.constant 0 : i32
      %dma_wait3A_109 = tpu.memref_slice %arg2[%dma_wait3A_107, %dma_wait3A_108] : memref<10000x128xf32, #tpu.memory_space<hbm>> -> memref<10000x128xf32, #tpu.memory_space<hbm>>
      tpu.wait_indirect_dma semaphore(%arg10 : memref<!tpu.dma_semaphore, #tpu.memory_space<semaphore_mem>>) src(%dma_wait3A_109 : memref<10000x128xf32, #tpu.memory_space<hbm>>) dst(%dma_wait3A_103 : memref<128x128xf32, #tpu.memory_space<vmem>>)
      %run_scoped3A_110 = arith.constant 0 : i32
      "tpu.region"() ({
        %run_scoped3A_135 = tpu.sem_alloc : memref<!tpu.dma_semaphore, #tpu.memory_space<semaphore_mem>>
        %dma_start3A_136 = arith.constant 0 : i32
        %dma_start3A_137 = arith.constant 0 : i32
        %dma_start3A_138 = tpu.memref_slice %arg8[%run_scoped3A_110, %dma_start3A_136, %dma_start3A_137] : memref<2x128x128xf32, #tpu.memory_space<vmem>> -> memref<1x128x128xf32, #tpu.memory_space<vmem>>
        %dma_start3A_139 = tpu.memref_squeeze %dma_start3A_138 : memref<1x128x128xf32, #tpu.memory_space<vmem>> -> memref<128x128xf32, #tpu.memory_space<vmem>>
        %dma_start3A_140 = arith.constant 0 : i32
        %dma_start3A_141 = tpu.memref_slice %arg7[%mul3A_99, %dma_start3A_140] : memref<60x128xi32, #tpu.memory_space<vmem>> -> memref<1x128xi32, #tpu.memory_space<vmem>>
        %dma_start3A_142 = tpu.memref_squeeze %dma_start3A_141 : memref<1x128xi32, #tpu.memory_space<vmem>> -> memref<128xi32, #tpu.memory_space<vmem>>
        %dma_start3A_143 = arith.constant 0 : i32
        %dma_start3A_144 = arith.constant 0 : i32
        %dma_start3A_145 = tpu.memref_slice %arg9[%dma_start3A_143, %dma_start3A_144] : memref<10240x128xf32, #tpu.memory_space<vmem_shared>> -> memref<10240x128xf32, #tpu.memory_space<vmem_shared>>
        tpu.enqueue_indirect_dma source(%dma_start3A_139 : memref<128x128xf32, #tpu.memory_space<vmem>>) target(%dma_start3A_145 : memref<10240x128xf32, #tpu.memory_space<vmem_shared>>) offsets(%dma_start3A_142 : memref<128xi32, #tpu.memory_space<vmem>>) semaphore(%run_scoped3A_135 : memref<!tpu.dma_semaphore, #tpu.memory_space<semaphore_mem>>) {add = true}
        %dma_wait3A_146 = arith.constant 0 : i32
        %dma_wait3A_147 = arith.constant 0 : i32
        %dma_wait3A_148 = tpu.memref_slice %arg8[%run_scoped3A_110, %dma_wait3A_146, %dma_wait3A_147] : memref<2x128x128xf32, #tpu.memory_space<vmem>> -> memref<1x128x128xf32, #tpu.memory_space<vmem>>
        %dma_wait3A_149 = tpu.memref_squeeze %dma_wait3A_148 : memref<1x128x128xf32, #tpu.memory_space<vmem>> -> memref<128x128xf32, #tpu.memory_space<vmem>>
        %dma_wait3A_150 = arith.constant 0 : i32
        %dma_wait3A_151 = tpu.memref_slice %arg7[%mul3A_99, %dma_wait3A_150] : memref<60x128xi32, #tpu.memory_space<vmem>> -> memref<1x128xi32, #tpu.memory_space<vmem>>
        %dma_wait3A_152 = tpu.memref_squeeze %dma_wait3A_151 : memref<1x128xi32, #tpu.memory_space<vmem>> -> memref<128xi32, #tpu.memory_space<vmem>>
        %dma_wait3A_153 = arith.constant 0 : i32
        %dma_wait3A_154 = arith.constant 0 : i32
        %dma_wait3A_155 = tpu.memref_slice %arg9[%dma_wait3A_153, %dma_wait3A_154] : memref<10240x128xf32, #tpu.memory_space<vmem_shared>> -> memref<10240x128xf32, #tpu.memory_space<vmem_shared>>
        tpu.wait_indirect_dma semaphore(%run_scoped3A_135 : memref<!tpu.dma_semaphore, #tpu.memory_space<semaphore_mem>>) src(%dma_wait3A_149 : memref<128x128xf32, #tpu.memory_space<vmem>>) dst(%dma_wait3A_155 : memref<10240x128xf32, #tpu.memory_space<vmem_shared>>)
        tpu.yield
      }) : () -> ()
      %sub3A = arith.constant 1 : i32
      %sub3A_111 = arith.subi %select_n3A, %sub3A : i32
      %lt3A = arith.cmpi slt, %while3A_97, %sub3A_111 : i32
      %convert_element_type3A = arith.extui %lt3A : i1 to i32
      %cond3A = arith.constant 0 : i32
      %cond3A_112 = arith.cmpi ne, %convert_element_type3A, %cond3A : i32
      scf.if %cond3A_112 {
        %add3A_135 = arith.constant 2 : i32
        %add3A_136 = arith.addi %mul3A_99, %add3A_135 : i32
        %dma_start3A_137 = arith.constant 0 : i32
        %dma_start3A_138 = arith.constant 0 : i32
        %dma_start3A_139 = arith.constant 0 : i32
        %dma_start3A_140 = tpu.memref_slice %arg8[%dma_start3A_137, %dma_start3A_138, %dma_start3A_139] : memref<2x128x128xf32, #tpu.memory_space<vmem>> -> memref<1x128x128xf32, #tpu.memory_space<vmem>>
        %dma_start3A_141 = tpu.memref_squeeze %dma_start3A_140 : memref<1x128x128xf32, #tpu.memory_space<vmem>> -> memref<128x128xf32, #tpu.memory_space<vmem>>
        %dma_start3A_142 = arith.constant 0 : i32
        %dma_start3A_143 = tpu.memref_slice %arg6[%add3A_136, %dma_start3A_142] : memref<60x128xi32, #tpu.memory_space<vmem>> -> memref<1x128xi32, #tpu.memory_space<vmem>>
        %dma_start3A_144 = tpu.memref_squeeze %dma_start3A_143 : memref<1x128xi32, #tpu.memory_space<vmem>> -> memref<128xi32, #tpu.memory_space<vmem>>
        %dma_start3A_145 = arith.constant 0 : i32
        %dma_start3A_146 = arith.constant 0 : i32
        %dma_start3A_147 = tpu.memref_slice %arg2[%dma_start3A_145, %dma_start3A_146] : memref<10000x128xf32, #tpu.memory_space<hbm>> -> memref<10000x128xf32, #tpu.memory_space<hbm>>
        tpu.enqueue_indirect_dma source(%dma_start3A_147 : memref<10000x128xf32, #tpu.memory_space<hbm>>) target(%dma_start3A_141 : memref<128x128xf32, #tpu.memory_space<vmem>>) offsets(%dma_start3A_144 : memref<128xi32, #tpu.memory_space<vmem>>) semaphore(%arg10 : memref<!tpu.dma_semaphore, #tpu.memory_space<semaphore_mem>>)
      } else {
      }
      %add3A_113 = arith.constant 1 : i32
      %add3A_114 = arith.addi %mul3A_99, %add3A_113 : i32
      %dma_wait3A_115 = arith.constant 1 : i32
      %dma_wait3A_116 = arith.constant 0 : i32
      %dma_wait3A_117 = arith.constant 0 : i32
      %dma_wait3A_118 = tpu.memref_slice %arg8[%dma_wait3A_115, %dma_wait3A_116, %dma_wait3A_117] : memref<2x128x128xf32, #tpu.memory_space<vmem>> -> memref<1x128x128xf32, #tpu.memory_space<vmem>>
      %dma_wait3A_119 = tpu.memref_squeeze %dma_wait3A_118 : memref<1x128x128xf32, #tpu.memory_space<vmem>> -> memref<128x128xf32, #tpu.memory_space<vmem>>
      %dma_wait3A_120 = arith.constant 0 : i32
      %dma_wait3A_121 = tpu.memref_slice %arg6[%add3A_114, %dma_wait3A_120] : memref<60x128xi32, #tpu.memory_space<vmem>> -> memref<1x128xi32, #tpu.memory_space<vmem>>
      %dma_wait3A_122 = tpu.memref_squeeze %dma_wait3A_121 : memref<1x128xi32, #tpu.memory_space<vmem>> -> memref<128xi32, #tpu.memory_space<vmem>>
      %dma_wait3A_123 = arith.constant 0 : i32
      %dma_wait3A_124 = arith.constant 0 : i32
      %dma_wait3A_125 = tpu.memref_slice %arg2[%dma_wait3A_123, %dma_wait3A_124] : memref<10000x128xf32, #tpu.memory_space<hbm>> -> memref<10000x128xf32, #tpu.memory_space<hbm>>
      tpu.wait_indirect_dma semaphore(%arg11 : memref<!tpu.dma_semaphore, #tpu.memory_space<semaphore_mem>>) src(%dma_wait3A_125 : memref<10000x128xf32, #tpu.memory_space<hbm>>) dst(%dma_wait3A_119 : memref<128x128xf32, #tpu.memory_space<vmem>>)
      %add3A_126 = arith.constant 1 : i32
      %add3A_127 = arith.addi %mul3A_99, %add3A_126 : i32
      %run_scoped3A_128 = arith.constant 1 : i32
      "tpu.region"() ({
        %run_scoped3A_135 = tpu.sem_alloc : memref<!tpu.dma_semaphore, #tpu.memory_space<semaphore_mem>>
        %dma_start3A_136 = arith.constant 0 : i32
        %dma_start3A_137 = arith.constant 0 : i32
        %dma_start3A_138 = tpu.memref_slice %arg8[%run_scoped3A_128, %dma_start3A_136, %dma_start3A_137] : memref<2x128x128xf32, #tpu.memory_space<vmem>> -> memref<1x128x128xf32, #tpu.memory_space<vmem>>
        %dma_start3A_139 = tpu.memref_squeeze %dma_start3A_138 : memref<1x128x128xf32, #tpu.memory_space<vmem>> -> memref<128x128xf32, #tpu.memory_space<vmem>>
        %dma_start3A_140 = arith.constant 0 : i32
        %dma_start3A_141 = tpu.memref_slice %arg7[%add3A_127, %dma_start3A_140] : memref<60x128xi32, #tpu.memory_space<vmem>> -> memref<1x128xi32, #tpu.memory_space<vmem>>
        %dma_start3A_142 = tpu.memref_squeeze %dma_start3A_141 : memref<1x128xi32, #tpu.memory_space<vmem>> -> memref<128xi32, #tpu.memory_space<vmem>>
        %dma_start3A_143 = arith.constant 0 : i32
        %dma_start3A_144 = arith.constant 0 : i32
        %dma_start3A_145 = tpu.memref_slice %arg9[%dma_start3A_143, %dma_start3A_144] : memref<10240x128xf32, #tpu.memory_space<vmem_shared>> -> memref<10240x128xf32, #tpu.memory_space<vmem_shared>>
        tpu.enqueue_indirect_dma source(%dma_start3A_139 : memref<128x128xf32, #tpu.memory_space<vmem>>) target(%dma_start3A_145 : memref<10240x128xf32, #tpu.memory_space<vmem_shared>>) offsets(%dma_start3A_142 : memref<128xi32, #tpu.memory_space<vmem>>) semaphore(%run_scoped3A_135 : memref<!tpu.dma_semaphore, #tpu.memory_space<semaphore_mem>>) {add = true}
        %dma_wait3A_146 = arith.constant 0 : i32
        %dma_wait3A_147 = arith.constant 0 : i32
        %dma_wait3A_148 = tpu.memref_slice %arg8[%run_scoped3A_128, %dma_wait3A_146, %dma_wait3A_147] : memref<2x128x128xf32, #tpu.memory_space<vmem>> -> memref<1x128x128xf32, #tpu.memory_space<vmem>>
        %dma_wait3A_149 = tpu.memref_squeeze %dma_wait3A_148 : memref<1x128x128xf32, #tpu.memory_space<vmem>> -> memref<128x128xf32, #tpu.memory_space<vmem>>
        %dma_wait3A_150 = arith.constant 0 : i32
        %dma_wait3A_151 = tpu.memref_slice %arg7[%add3A_127, %dma_wait3A_150] : memref<60x128xi32, #tpu.memory_space<vmem>> -> memref<1x128xi32, #tpu.memory_space<vmem>>
        %dma_wait3A_152 = tpu.memref_squeeze %dma_wait3A_151 : memref<1x128xi32, #tpu.memory_space<vmem>> -> memref<128xi32, #tpu.memory_space<vmem>>
        %dma_wait3A_153 = arith.constant 0 : i32
        %dma_wait3A_154 = arith.constant 0 : i32
        %dma_wait3A_155 = tpu.memref_slice %arg9[%dma_wait3A_153, %dma_wait3A_154] : memref<10240x128xf32, #tpu.memory_space<vmem_shared>> -> memref<10240x128xf32, #tpu.memory_space<vmem_shared>>
        tpu.wait_indirect_dma semaphore(%run_scoped3A_135 : memref<!tpu.dma_semaphore, #tpu.memory_space<semaphore_mem>>) src(%dma_wait3A_149 : memref<128x128xf32, #tpu.memory_space<vmem>>) dst(%dma_wait3A_155 : memref<10240x128xf32, #tpu.memory_space<vmem_shared>>)
        tpu.yield
      }) : () -> ()
      %sub3A_129 = arith.constant 1 : i32
      %sub3A_130 = arith.subi %select_n3A, %sub3A_129 : i32
      %lt3A_131 = arith.cmpi slt, %while3A_97, %sub3A_130 : i32
      %convert_element_type3A_132 = arith.extui %lt3A_131 : i1 to i32
      %cond3A_133 = arith.constant 0 : i32
      %cond3A_134 = arith.cmpi ne, %convert_element_type3A_132, %cond3A_133 : i32
      scf.if %cond3A_134 {
        %add3A_135 = arith.constant 3 : i32
        %add3A_136 = arith.addi %mul3A_99, %add3A_135 : i32
        %dma_start3A_137 = arith.constant 1 : i32
        %dma_start3A_138 = arith.constant 0 : i32
        %dma_start3A_139 = arith.constant 0 : i32
        %dma_start3A_140 = tpu.memref_slice %arg8[%dma_start3A_137, %dma_start3A_138, %dma_start3A_139] : memref<2x128x128xf32, #tpu.memory_space<vmem>> -> memref<1x128x128xf32, #tpu.memory_space<vmem>>
        %dma_start3A_141 = tpu.memref_squeeze %dma_start3A_140 : memref<1x128x128xf32, #tpu.memory_space<vmem>> -> memref<128x128xf32, #tpu.memory_space<vmem>>
        %dma_start3A_142 = arith.constant 0 : i32
        %dma_start3A_143 = tpu.memref_slice %arg6[%add3A_136, %dma_start3A_142] : memref<60x128xi32, #tpu.memory_space<vmem>> -> memref<1x128xi32, #tpu.memory_space<vmem>>
        %dma_start3A_144 = tpu.memref_squeeze %dma_start3A_143 : memref<1x128xi32, #tpu.memory_space<vmem>> -> memref<128xi32, #tpu.memory_space<vmem>>
        %dma_start3A_145 = arith.constant 0 : i32
        %dma_start3A_146 = arith.constant 0 : i32
        %dma_start3A_147 = tpu.memref_slice %arg2[%dma_start3A_145, %dma_start3A_146] : memref<10000x128xf32, #tpu.memory_space<hbm>> -> memref<10000x128xf32, #tpu.memory_space<hbm>>
        tpu.enqueue_indirect_dma source(%dma_start3A_147 : memref<10000x128xf32, #tpu.memory_space<hbm>>) target(%dma_start3A_141 : memref<128x128xf32, #tpu.memory_space<vmem>>) offsets(%dma_start3A_144 : memref<128xi32, #tpu.memory_space<vmem>>) semaphore(%arg11 : memref<!tpu.dma_semaphore, #tpu.memory_space<semaphore_mem>>)
      } else {
      }
    }
    %while3A_93 = arith.constant 1 : i32
    scf.for %while3A_97 = %while3A_91 to %while3A_87 step %while3A_93  : i32 {
      %mul3A_98 = arith.constant 2 : i32
      %mul3A_99 = arith.muli %mul3A_98, %while3A_97 : i32
      %dma_wait3A = arith.constant 0 : i32
      %dma_wait3A_100 = arith.constant 0 : i32
      %dma_wait3A_101 = arith.constant 0 : i32
      %dma_wait3A_102 = tpu.memref_slice %arg8[%dma_wait3A, %dma_wait3A_100, %dma_wait3A_101] : memref<2x128x128xf32, #tpu.memory_space<vmem>> -> memref<1x128x128xf32, #tpu.memory_space<vmem>>
      %dma_wait3A_103 = tpu.memref_squeeze %dma_wait3A_102 : memref<1x128x128xf32, #tpu.memory_space<vmem>> -> memref<128x128xf32, #tpu.memory_space<vmem>>
      %dma_wait3A_104 = arith.constant 0 : i32
      %dma_wait3A_105 = tpu.memref_slice %arg6[%mul3A_99, %dma_wait3A_104] : memref<60x128xi32, #tpu.memory_space<vmem>> -> memref<1x128xi32, #tpu.memory_space<vmem>>
      %dma_wait3A_106 = tpu.memref_squeeze %dma_wait3A_105 : memref<1x128xi32, #tpu.memory_space<vmem>> -> memref<128xi32, #tpu.memory_space<vmem>>
      %dma_wait3A_107 = arith.constant 0 : i32
      %dma_wait3A_108 = arith.constant 0 : i32
      %dma_wait3A_109 = tpu.memref_slice %arg2[%dma_wait3A_107, %dma_wait3A_108] : memref<10000x128xf32, #tpu.memory_space<hbm>> -> memref<10000x128xf32, #tpu.memory_space<hbm>>
      tpu.wait_indirect_dma semaphore(%arg10 : memref<!tpu.dma_semaphore, #tpu.memory_space<semaphore_mem>>) src(%dma_wait3A_109 : memref<10000x128xf32, #tpu.memory_space<hbm>>) dst(%dma_wait3A_103 : memref<128x128xf32, #tpu.memory_space<vmem>>)
      %run_scoped3A_110 = arith.constant 0 : i32
      "tpu.region"() ({
        %run_scoped3A_135 = tpu.sem_alloc : memref<!tpu.dma_semaphore, #tpu.memory_space<semaphore_mem>>
        %dma_start3A_136 = arith.constant 0 : i32
        %dma_start3A_137 = arith.constant 0 : i32
        %dma_start3A_138 = tpu.memref_slice %arg8[%run_scoped3A_110, %dma_start3A_136, %dma_start3A_137] : memref<2x128x128xf32, #tpu.memory_space<vmem>> -> memref<1x128x128xf32, #tpu.memory_space<vmem>>
        %dma_start3A_139 = tpu.memref_squeeze %dma_start3A_138 : memref<1x128x128xf32, #tpu.memory_space<vmem>> -> memref<128x128xf32, #tpu.memory_space<vmem>>
        %dma_start3A_140 = arith.constant 0 : i32
        %dma_start3A_141 = tpu.memref_slice %arg7[%mul3A_99, %dma_start3A_140] : memref<60x128xi32, #tpu.memory_space<vmem>> -> memref<1x128xi32, #tpu.memory_space<vmem>>
        %dma_start3A_142 = tpu.memref_squeeze %dma_start3A_141 : memref<1x128xi32, #tpu.memory_space<vmem>> -> memref<128xi32, #tpu.memory_space<vmem>>
        %dma_start3A_143 = arith.constant 0 : i32
        %dma_start3A_144 = arith.constant 0 : i32
        %dma_start3A_145 = tpu.memref_slice %arg9[%dma_start3A_143, %dma_start3A_144] : memref<10240x128xf32, #tpu.memory_space<vmem_shared>> -> memref<10240x128xf32, #tpu.memory_space<vmem_shared>>
        tpu.enqueue_indirect_dma source(%dma_start3A_139 : memref<128x128xf32, #tpu.memory_space<vmem>>) target(%dma_start3A_145 : memref<10240x128xf32, #tpu.memory_space<vmem_shared>>) offsets(%dma_start3A_142 : memref<128xi32, #tpu.memory_space<vmem>>) semaphore(%run_scoped3A_135 : memref<!tpu.dma_semaphore, #tpu.memory_space<semaphore_mem>>) {add = true}
        %dma_wait3A_146 = arith.constant 0 : i32
        %dma_wait3A_147 = arith.constant 0 : i32
        %dma_wait3A_148 = tpu.memref_slice %arg8[%run_scoped3A_110, %dma_wait3A_146, %dma_wait3A_147] : memref<2x128x128xf32, #tpu.memory_space<vmem>> -> memref<1x128x128xf32, #tpu.memory_space<vmem>>
        %dma_wait3A_149 = tpu.memref_squeeze %dma_wait3A_148 : memref<1x128x128xf32, #tpu.memory_space<vmem>> -> memref<128x128xf32, #tpu.memory_space<vmem>>
        %dma_wait3A_150 = arith.constant 0 : i32
        %dma_wait3A_151 = tpu.memref_slice %arg7[%mul3A_99, %dma_wait3A_150] : memref<60x128xi32, #tpu.memory_space<vmem>> -> memref<1x128xi32, #tpu.memory_space<vmem>>
        %dma_wait3A_152 = tpu.memref_squeeze %dma_wait3A_151 : memref<1x128xi32, #tpu.memory_space<vmem>> -> memref<128xi32, #tpu.memory_space<vmem>>
        %dma_wait3A_153 = arith.constant 0 : i32
        %dma_wait3A_154 = arith.constant 0 : i32
        %dma_wait3A_155 = tpu.memref_slice %arg9[%dma_wait3A_153, %dma_wait3A_154] : memref<10240x128xf32, #tpu.memory_space<vmem_shared>> -> memref<10240x128xf32, #tpu.memory_space<vmem_shared>>
        tpu.wait_indirect_dma semaphore(%run_scoped3A_135 : memref<!tpu.dma_semaphore, #tpu.memory_space<semaphore_mem>>) src(%dma_wait3A_149 : memref<128x128xf32, #tpu.memory_space<vmem>>) dst(%dma_wait3A_155 : memref<10240x128xf32, #tpu.memory_space<vmem_shared>>)
        tpu.yield
      }) : () -> ()
      %sub3A = arith.constant 1 : i32
      %sub3A_111 = arith.subi %select_n3A, %sub3A : i32
      %lt3A = arith.cmpi slt, %while3A_97, %sub3A_111 : i32
      %convert_element_type3A = arith.extui %lt3A : i1 to i32
      %cond3A = arith.constant 0 : i32
      %cond3A_112 = arith.cmpi ne, %convert_element_type3A, %cond3A : i32
      scf.if %cond3A_112 {
        %add3A_135 = arith.constant 2 : i32
        %add3A_136 = arith.addi %mul3A_99, %add3A_135 : i32
        %dma_start3A_137 = arith.constant 0 : i32
        %dma_start3A_138 = arith.constant 0 : i32
        %dma_start3A_139 = arith.constant 0 : i32
        %dma_start3A_140 = tpu.memref_slice %arg8[%dma_start3A_137, %dma_start3A_138, %dma_start3A_139] : memref<2x128x128xf32, #tpu.memory_space<vmem>> -> memref<1x128x128xf32, #tpu.memory_space<vmem>>
        %dma_start3A_141 = tpu.memref_squeeze %dma_start3A_140 : memref<1x128x128xf32, #tpu.memory_space<vmem>> -> memref<128x128xf32, #tpu.memory_space<vmem>>
        %dma_start3A_142 = arith.constant 0 : i32
        %dma_start3A_143 = tpu.memref_slice %arg6[%add3A_136, %dma_start3A_142] : memref<60x128xi32, #tpu.memory_space<vmem>> -> memref<1x128xi32, #tpu.memory_space<vmem>>
        %dma_start3A_144 = tpu.memref_squeeze %dma_start3A_143 : memref<1x128xi32, #tpu.memory_space<vmem>> -> memref<128xi32, #tpu.memory_space<vmem>>
        %dma_start3A_145 = arith.constant 0 : i32
        %dma_start3A_146 = arith.constant 0 : i32
        %dma_start3A_147 = tpu.memref_slice %arg2[%dma_start3A_145, %dma_start3A_146] : memref<10000x128xf32, #tpu.memory_space<hbm>> -> memref<10000x128xf32, #tpu.memory_space<hbm>>
        tpu.enqueue_indirect_dma source(%dma_start3A_147 : memref<10000x128xf32, #tpu.memory_space<hbm>>) target(%dma_start3A_141 : memref<128x128xf32, #tpu.memory_space<vmem>>) offsets(%dma_start3A_144 : memref<128xi32, #tpu.memory_space<vmem>>) semaphore(%arg10 : memref<!tpu.dma_semaphore, #tpu.memory_space<semaphore_mem>>)
      } else {
      }
      %add3A_113 = arith.constant 1 : i32
      %add3A_114 = arith.addi %mul3A_99, %add3A_113 : i32
      %dma_wait3A_115 = arith.constant 1 : i32
      %dma_wait3A_116 = arith.constant 0 : i32
      %dma_wait3A_117 = arith.constant 0 : i32
      %dma_wait3A_118 = tpu.memref_slice %arg8[%dma_wait3A_115, %dma_wait3A_116, %dma_wait3A_117] : memref<2x128x128xf32, #tpu.memory_space<vmem>> -> memref<1x128x128xf32, #tpu.memory_space<vmem>>
      %dma_wait3A_119 = tpu.memref_squeeze %dma_wait3A_118 : memref<1x128x128xf32, #tpu.memory_space<vmem>> -> memref<128x128xf32, #tpu.memory_space<vmem>>
      %dma_wait3A_120 = arith.constant 0 : i32
      %dma_wait3A_121 = tpu.memref_slice %arg6[%add3A_114, %dma_wait3A_120] : memref<60x128xi32, #tpu.memory_space<vmem>> -> memref<1x128xi32, #tpu.memory_space<vmem>>
      %dma_wait3A_122 = tpu.memref_squeeze %dma_wait3A_121 : memref<1x128xi32, #tpu.memory_space<vmem>> -> memref<128xi32, #tpu.memory_space<vmem>>
      %dma_wait3A_123 = arith.constant 0 : i32
      %dma_wait3A_124 = arith.constant 0 : i32
      %dma_wait3A_125 = tpu.memref_slice %arg2[%dma_wait3A_123, %dma_wait3A_124] : memref<10000x128xf32, #tpu.memory_space<hbm>> -> memref<10000x128xf32, #tpu.memory_space<hbm>>
      tpu.wait_indirect_dma semaphore(%arg11 : memref<!tpu.dma_semaphore, #tpu.memory_space<semaphore_mem>>) src(%dma_wait3A_125 : memref<10000x128xf32, #tpu.memory_space<hbm>>) dst(%dma_wait3A_119 : memref<128x128xf32, #tpu.memory_space<vmem>>)
      %add3A_126 = arith.constant 1 : i32
      %add3A_127 = arith.addi %mul3A_99, %add3A_126 : i32
      %run_scoped3A_128 = arith.constant 1 : i32
      "tpu.region"() ({
        %run_scoped3A_135 = tpu.sem_alloc : memref<!tpu.dma_semaphore, #tpu.memory_space<semaphore_mem>>
        %dma_start3A_136 = arith.constant 0 : i32
        %dma_start3A_137 = arith.constant 0 : i32
        %dma_start3A_138 = tpu.memref_slice %arg8[%run_scoped3A_128, %dma_start3A_136, %dma_start3A_137] : memref<2x128x128xf32, #tpu.memory_space<vmem>> -> memref<1x128x128xf32, #tpu.memory_space<vmem>>
        %dma_start3A_139 = tpu.memref_squeeze %dma_start3A_138 : memref<1x128x128xf32, #tpu.memory_space<vmem>> -> memref<128x128xf32, #tpu.memory_space<vmem>>
        %dma_start3A_140 = arith.constant 0 : i32
        %dma_start3A_141 = tpu.memref_slice %arg7[%add3A_127, %dma_start3A_140] : memref<60x128xi32, #tpu.memory_space<vmem>> -> memref<1x128xi32, #tpu.memory_space<vmem>>
        %dma_start3A_142 = tpu.memref_squeeze %dma_start3A_141 : memref<1x128xi32, #tpu.memory_space<vmem>> -> memref<128xi32, #tpu.memory_space<vmem>>
        %dma_start3A_143 = arith.constant 0 : i32
        %dma_start3A_144 = arith.constant 0 : i32
        %dma_start3A_145 = tpu.memref_slice %arg9[%dma_start3A_143, %dma_start3A_144] : memref<10240x128xf32, #tpu.memory_space<vmem_shared>> -> memref<10240x128xf32, #tpu.memory_space<vmem_shared>>
        tpu.enqueue_indirect_dma source(%dma_start3A_139 : memref<128x128xf32, #tpu.memory_space<vmem>>) target(%dma_start3A_145 : memref<10240x128xf32, #tpu.memory_space<vmem_shared>>) offsets(%dma_start3A_142 : memref<128xi32, #tpu.memory_space<vmem>>) semaphore(%run_scoped3A_135 : memref<!tpu.dma_semaphore, #tpu.memory_space<semaphore_mem>>) {add = true}
        %dma_wait3A_146 = arith.constant 0 : i32
        %dma_wait3A_147 = arith.constant 0 : i32
        %dma_wait3A_148 = tpu.memref_slice %arg8[%run_scoped3A_128, %dma_wait3A_146, %dma_wait3A_147] : memref<2x128x128xf32, #tpu.memory_space<vmem>> -> memref<1x128x128xf32, #tpu.memory_space<vmem>>
        %dma_wait3A_149 = tpu.memref_squeeze %dma_wait3A_148 : memref<1x128x128xf32, #tpu.memory_space<vmem>> -> memref<128x128xf32, #tpu.memory_space<vmem>>
        %dma_wait3A_150 = arith.constant 0 : i32
        %dma_wait3A_151 = tpu.memref_slice %arg7[%add3A_127, %dma_wait3A_150] : memref<60x128xi32, #tpu.memory_space<vmem>> -> memref<1x128xi32, #tpu.memory_space<vmem>>
        %dma_wait3A_152 = tpu.memref_squeeze %dma_wait3A_151 : memref<1x128xi32, #tpu.memory_space<vmem>> -> memref<128xi32, #tpu.memory_space<vmem>>
        %dma_wait3A_153 = arith.constant 0 : i32
        %dma_wait3A_154 = arith.constant 0 : i32
        %dma_wait3A_155 = tpu.memref_slice %arg9[%dma_wait3A_153, %dma_wait3A_154] : memref<10240x128xf32, #tpu.memory_space<vmem_shared>> -> memref<10240x128xf32, #tpu.memory_space<vmem_shared>>
        tpu.wait_indirect_dma semaphore(%run_scoped3A_135 : memref<!tpu.dma_semaphore, #tpu.memory_space<semaphore_mem>>) src(%dma_wait3A_149 : memref<128x128xf32, #tpu.memory_space<vmem>>) dst(%dma_wait3A_155 : memref<10240x128xf32, #tpu.memory_space<vmem_shared>>)
        tpu.yield
      }) : () -> ()
      %sub3A_129 = arith.constant 1 : i32
      %sub3A_130 = arith.subi %select_n3A, %sub3A_129 : i32
      %lt3A_131 = arith.cmpi slt, %while3A_97, %sub3A_130 : i32
      %convert_element_type3A_132 = arith.extui %lt3A_131 : i1 to i32
      %cond3A_133 = arith.constant 0 : i32
      %cond3A_134 = arith.cmpi ne, %convert_element_type3A_132, %cond3A_133 : i32
      scf.if %cond3A_134 {
        %add3A_135 = arith.constant 3 : i32
        %add3A_136 = arith.addi %mul3A_99, %add3A_135 : i32
        %dma_start3A_137 = arith.constant 1 : i32
        %dma_start3A_138 = arith.constant 0 : i32
        %dma_start3A_139 = arith.constant 0 : i32
        %dma_start3A_140 = tpu.memref_slice %arg8[%dma_start3A_137, %dma_start3A_138, %dma_start3A_139] : memref<2x128x128xf32, #tpu.memory_space<vmem>> -> memref<1x128x128xf32, #tpu.memory_space<vmem>>
        %dma_start3A_141 = tpu.memref_squeeze %dma_start3A_140 : memref<1x128x128xf32, #tpu.memory_space<vmem>> -> memref<128x128xf32, #tpu.memory_space<vmem>>
        %dma_start3A_142 = arith.constant 0 : i32
        %dma_start3A_143 = tpu.memref_slice %arg6[%add3A_136, %dma_start3A_142] : memref<60x128xi32, #tpu.memory_space<vmem>> -> memref<1x128xi32, #tpu.memory_space<vmem>>
        %dma_start3A_144 = tpu.memref_squeeze %dma_start3A_143 : memref<1x128xi32, #tpu.memory_space<vmem>> -> memref<128xi32, #tpu.memory_space<vmem>>
        %dma_start3A_145 = arith.constant 0 : i32
        %dma_start3A_146 = arith.constant 0 : i32
        %dma_start3A_147 = tpu.memref_slice %arg2[%dma_start3A_145, %dma_start3A_146] : memref<10000x128xf32, #tpu.memory_space<hbm>> -> memref<10000x128xf32, #tpu.memory_space<hbm>>
        tpu.enqueue_indirect_dma source(%dma_start3A_147 : memref<10000x128xf32, #tpu.memory_space<hbm>>) target(%dma_start3A_141 : memref<128x128xf32, #tpu.memory_space<vmem>>) offsets(%dma_start3A_144 : memref<128xi32, #tpu.memory_space<vmem>>) semaphore(%arg11 : memref<!tpu.dma_semaphore, #tpu.memory_space<semaphore_mem>>)
      } else {
      }
    }
    %barrier3A_94 = arith.constant 0 : index
    tpu.barrier barrier_id(%barrier3A_94)
    %mul3A_95 = arith.constant 640 : i32
    %mul3A_96 = arith.muli %arg1, %mul3A_95 : i32
    "tpu.region"() ({
      %run_scoped3A_97 = tpu.sem_alloc : memref<!tpu.dma_semaphore, #tpu.memory_space<semaphore_mem>>
      %dma_start3A_98 = arith.constant 0 : i32
      %dma_start3A_99 = tpu.memref_slice %arg5[%arg0, %mul3A_96, %dma_start3A_98] : memref<2x10240x128xf32, #tpu.memory_space<hbm>> -> memref<1x640x128xf32, #tpu.memory_space<hbm>>
      %dma_start3A_100 = tpu.memref_squeeze %dma_start3A_99 : memref<1x640x128xf32, #tpu.memory_space<hbm>> -> memref<640x128xf32, #tpu.memory_space<hbm>>
      %dma_start3A_101 = arith.constant 0 : i32
      %dma_start3A_102 = tpu.memref_slice %arg9[%mul3A_96, %dma_start3A_101] : memref<10240x128xf32, #tpu.memory_space<vmem_shared>> -> memref<640x128xf32, #tpu.memory_space<vmem_shared>>
      tpu.enqueue_dma source(%dma_start3A_102 : memref<640x128xf32, #tpu.memory_space<vmem_shared>>) target(%dma_start3A_100 : memref<640x128xf32, #tpu.memory_space<hbm>>) target_semaphore(%run_scoped3A_97 : memref<!tpu.dma_semaphore, #tpu.memory_space<semaphore_mem>>)
      %dma_wait3A = arith.constant 0 : i32
      %dma_wait3A_103 = tpu.memref_slice %arg5[%arg0, %mul3A_96, %dma_wait3A] : memref<2x10240x128xf32, #tpu.memory_space<hbm>> -> memref<1x640x128xf32, #tpu.memory_space<hbm>>
      %dma_wait3A_104 = tpu.memref_squeeze %dma_wait3A_103 : memref<1x640x128xf32, #tpu.memory_space<hbm>> -> memref<640x128xf32, #tpu.memory_space<hbm>>
      %dma_wait3A_105 = arith.constant 0 : i32
      %dma_wait3A_106 = tpu.memref_slice %arg9[%mul3A_96, %dma_wait3A_105] : memref<10240x128xf32, #tpu.memory_space<vmem_shared>> -> memref<640x128xf32, #tpu.memory_space<vmem_shared>>
      tpu.wait_dma2 semaphore(%run_scoped3A_97 : memref<!tpu.dma_semaphore, #tpu.memory_space<semaphore_mem>>) src(%dma_wait3A_106 : memref<640x128xf32, #tpu.memory_space<vmem_shared>>) dst(%dma_wait3A_104 : memref<640x128xf32, #tpu.memory_space<hbm>>)
      tpu.yield
    }) : () -> ()
    return
  }
}

#map = affine_map<(d0, d1) -> (0, 0)>
#map1 = affine_map<(d0, d1) -> (0, 0, 0, 0)>
#map2 = affine_map<(d0, d1) -> (0, 0, 0)>
module attributes {stable_mosaic.version = 14 : i64} {
  func.func @agg(%arg0: i32, %arg1: i32, %arg2: memref<10240x128xf32, #tpu.memory_space<hbm>>, %arg3: memref<32x2x60x128xi32, #tpu.memory_space<hbm>>, %arg4: memref<32x2x60x128xi32, #tpu.memory_space<hbm>>, %arg5: memref<2x10240x128xf32, #tpu.memory_space<hbm>>, %arg6: memref<60x128xi32, #tpu.memory_space<vmem>>, %arg7: memref<60x128xi32, #tpu.memory_space<vmem>>, %arg8: memref<2x128x128xf32, #tpu.memory_space<vmem>>, %arg9: memref<10240x128xf32, #tpu.memory_space<vmem_shared>>, %arg10: memref<!tpu.dma_semaphore, #tpu.memory_space<semaphore_mem>>, %arg11: memref<!tpu.dma_semaphore, #tpu.memory_space<semaphore_mem>>) attributes {dimension_semantics = [#tpu.dimension_semantics<core_parallel>, #tpu.dimension_semantics<subcore_parallel>], iteration_bounds = array<i64: 2, 16>, scalar_prefetch = 0 : i64, scratch_operands = 6 : i64, tpu.core_type = #tpu.core_type<sc_vector_subcore>, window_params = [{transform_indices = #map}, {transform_indices = #map1}, {transform_indices = #map1}, {transform_indices = #map2}]} {
    %mul3A = arith.constant 16 : i32
    %mul3A_0 = arith.muli %arg0, %mul3A : i32
    %add3A = arith.addi %mul3A_0, %arg1 : i32
    %eq3A = arith.constant 0 : i32
    %eq3A_1 = arith.cmpi eq, %arg0, %eq3A : i32
    %jit3A = arith.constant 30 : i32
    %jit3A_2 = arith.constant 10 : i32
    %select_n3A = arith.select %eq3A_1, %jit3A, %jit3A_2 : i32
    %scan3A = arith.constant 0 : i32
    %scan3A_3 = arith.constant 0 : i32
    %scan3A_4 = arith.constant 1024 : i32
    %scan3A_5 = arith.addi %scan3A_3, %scan3A_4 : i32
    %scan3A_6 = arith.constant 1 : i32
    scf.for %scan3A_97 = %scan3A_3 to %scan3A_5 step %scan3A_6  : i32 {
      %jit3A_98 = arith.constant 8 : i32
      %div3A = arith.divsi %scan3A_97, %jit3A_98 : i32
      %sign3A = arith.constant 0 : i32
      %sign3A_99 = arith.cmpi sgt, %scan3A_97, %sign3A : i32
      %sign3A_100 = arith.extui %sign3A_99 : i1 to i32
      %sign3A_101 = arith.constant 0 : i32
      %sign3A_102 = arith.cmpi slt, %scan3A_97, %sign3A_101 : i32
      %sign3A_103 = arith.extui %sign3A_102 : i1 to i32
      %sign3A_104 = arith.subi %sign3A_100, %sign3A_103 : i32
      %sign3A_105 = arith.constant 0 : i32
      %sign3A_106 = arith.cmpi sgt, %jit3A_98, %sign3A_105 : i32
      %sign3A_107 = arith.extui %sign3A_106 : i1 to i32
      %sign3A_108 = arith.constant 0 : i32
      %sign3A_109 = arith.cmpi slt, %jit3A_98, %sign3A_108 : i32
      %sign3A_110 = arith.extui %sign3A_109 : i1 to i32
      %sign3A_111 = arith.subi %sign3A_107, %sign3A_110 : i32
      %ne3A = arith.cmpi ne, %sign3A_104, %sign3A_111 : i32
      %rem3A = arith.remsi %scan3A_97, %jit3A_98 : i32
      %ne3A_112 = arith.constant 0 : i32
      %ne3A_113 = arith.cmpi ne, %rem3A, %ne3A_112 : i32
      %and3A = arith.andi %ne3A, %ne3A_113 : i1
      %sub3A = arith.constant 1 : i32
      %sub3A_114 = arith.subi %div3A, %sub3A : i32
      %select_n3A_115 = arith.select %and3A, %sub3A_114, %div3A : i32
      %jit3A_116 = arith.constant 8 : i32
      %eq3A_117 = arith.constant 0 : i32
      %eq3A_118 = arith.cmpi eq, %jit3A_116, %eq3A_117 : i32
      %jit3A_119 = arith.constant 1 : i32
      %select_n3A_120 = arith.select %eq3A_118, %jit3A_119, %jit3A_116 : i32
      %rem3A_121 = arith.remsi %scan3A_97, %select_n3A_120 : i32
      %ne3A_122 = arith.constant 0 : i32
      %ne3A_123 = arith.cmpi ne, %rem3A_121, %ne3A_122 : i32
      %lt3A = arith.constant 0 : i32
      %lt3A_124 = arith.cmpi slt, %rem3A_121, %lt3A : i32
      %lt3A_125 = arith.constant 0 : i32
      %lt3A_126 = arith.cmpi slt, %select_n3A_120, %lt3A_125 : i32
      %ne3A_127 = arith.xori %lt3A_124, %lt3A_126 : i1
      %and3A_128 = arith.andi %ne3A_127, %ne3A_123 : i1
      %add3A_129 = arith.addi %rem3A_121, %select_n3A_120 : i32
      %select_n3A_130 = arith.select %and3A_128, %add3A_129, %rem3A_121 : i32
      %mul3A_131 = arith.constant 16 : i32
      %mul3A_132 = arith.muli %select_n3A_130, %mul3A_131 : i32
      %broadcast_in_dim3A = arith.constant 0.000000e+00 : f32
      %broadcast_in_dim3A_133 = vector.broadcast %broadcast_in_dim3A : f32 to vector<16xf32>
      %swap3A = arith.constant 0 : i32
      %swap3A_134 = arith.index_cast %swap3A : i32 to index
      %swap3A_135 = arith.index_cast %select_n3A_115 : i32 to index
      %swap3A_136 = arith.index_cast %mul3A_132 : i32 to index
      %swap3A_137 = tpu.vector_load %arg8[%swap3A_134, %swap3A_135, %swap3A_136] {strides = array<i32>} : memref<2x128x128xf32, #tpu.memory_space<vmem>>, vector<1x1x16xf32>,
      %swap3A_138 = vector.shape_cast %swap3A_137 : vector<1x1x16xf32> to vector<16xf32>
      %swap3A_139 = vector.shape_cast %broadcast_in_dim3A_133 : vector<16xf32> to vector<1x1x16xf32>
      tpu.vector_store %arg8[%swap3A_134, %swap3A_135, %swap3A_136], %swap3A_139 {strides = array<i32>} : memref<2x128x128xf32, #tpu.memory_space<vmem>>, vector<1x1x16xf32>,
    }
    %scan3A_7 = arith.constant 1024 : i32
    %mul3A_8 = arith.constant 640 : i32
    %mul3A_9 = arith.muli %arg1, %mul3A_8 : i32
    %add3A_10 = arith.constant 0 : i32
    %add3A_11 = arith.addi %mul3A_9, %add3A_10 : i32
    %run_scoped3A = arith.constant 0 : i32
    "tpu.region"() ({
      %run_scoped3A_97 = tpu.sem_alloc : memref<!tpu.dma_semaphore, #tpu.memory_space<semaphore_mem>>
      %dma_start3A_98 = arith.constant 0 : i32
      %dma_start3A_99 = arith.constant 0 : i32
      %dma_start3A_100 = tpu.memref_slice %arg8[%run_scoped3A, %dma_start3A_98, %dma_start3A_99] : memref<2x128x128xf32, #tpu.memory_space<vmem>> -> memref<1x128x128xf32, #tpu.memory_space<vmem>>
      %dma_start3A_101 = tpu.memref_squeeze %dma_start3A_100 : memref<1x128x128xf32, #tpu.memory_space<vmem>> -> memref<128x128xf32, #tpu.memory_space<vmem>>
      %dma_start3A_102 = arith.constant 0 : i32
      %dma_start3A_103 = tpu.memref_slice %arg9[%add3A_11, %dma_start3A_102] : memref<10240x128xf32, #tpu.memory_space<vmem_shared>> -> memref<128x128xf32, #tpu.memory_space<vmem_shared>>
      %dma_start3A_104 = arith.constant 0 : i32
      %dma_start3A_105 = tpu.memref_slice %arg9[%add3A_11, %dma_start3A_104] : memref<10240x128xf32, #tpu.memory_space<vmem_shared>> -> memref<128x128xf32, #tpu.memory_space<vmem_shared>>
      %dma_start3A_106 = arith.constant 0 : i32
      %dma_start3A_107 = arith.constant 0 : i32
      %dma_start3A_108 = tpu.memref_slice %arg8[%run_scoped3A, %dma_start3A_106, %dma_start3A_107] : memref<2x128x128xf32, #tpu.memory_space<vmem>> -> memref<1x128x128xf32, #tpu.memory_space<vmem>>
      %dma_start3A_109 = tpu.memref_squeeze %dma_start3A_108 : memref<1x128x128xf32, #tpu.memory_space<vmem>> -> memref<128x128xf32, #tpu.memory_space<vmem>>
      tpu.enqueue_dma source(%dma_start3A_109 : memref<128x128xf32, #tpu.memory_space<vmem>>) target(%dma_start3A_105 : memref<128x128xf32, #tpu.memory_space<vmem_shared>>) target_semaphore(%run_scoped3A_97 : memref<!tpu.dma_semaphore, #tpu.memory_space<semaphore_mem>>)
      %dma_wait3A = arith.constant 0 : i32
      %dma_wait3A_110 = arith.constant 0 : i32
      %dma_wait3A_111 = tpu.memref_slice %arg8[%run_scoped3A, %dma_wait3A, %dma_wait3A_110] : memref<2x128x128xf32, #tpu.memory_space<vmem>> -> memref<1x128x128xf32, #tpu.memory_space<vmem>>
      %dma_wait3A_112 = tpu.memref_squeeze %dma_wait3A_111 : memref<1x128x128xf32, #tpu.memory_space<vmem>> -> memref<128x128xf32, #tpu.memory_space<vmem>>
      %dma_wait3A_113 = arith.constant 0 : i32
      %dma_wait3A_114 = tpu.memref_slice %arg9[%add3A_11, %dma_wait3A_113] : memref<10240x128xf32, #tpu.memory_space<vmem_shared>> -> memref<128x128xf32, #tpu.memory_space<vmem_shared>>
      %dma_wait3A_115 = arith.constant 0 : i32
      %dma_wait3A_116 = tpu.memref_slice %arg9[%add3A_11, %dma_wait3A_115] : memref<10240x128xf32, #tpu.memory_space<vmem_shared>> -> memref<128x128xf32, #tpu.memory_space<vmem_shared>>
      %dma_wait3A_117 = arith.constant 0 : i32
      %dma_wait3A_118 = arith.constant 0 : i32
      %dma_wait3A_119 = tpu.memref_slice %arg8[%run_scoped3A, %dma_wait3A_117, %dma_wait3A_118] : memref<2x128x128xf32, #tpu.memory_space<vmem>> -> memref<1x128x128xf32, #tpu.memory_space<vmem>>
      %dma_wait3A_120 = tpu.memref_squeeze %dma_wait3A_119 : memref<1x128x128xf32, #tpu.memory_space<vmem>> -> memref<128x128xf32, #tpu.memory_space<vmem>>
      tpu.wait_dma2 semaphore(%run_scoped3A_97 : memref<!tpu.dma_semaphore, #tpu.memory_space<semaphore_mem>>) src(%dma_wait3A_120 : memref<128x128xf32, #tpu.memory_space<vmem>>) dst(%dma_wait3A_116 : memref<128x128xf32, #tpu.memory_space<vmem_shared>>)
      tpu.yield
    }) : () -> ()
    %add3A_12 = arith.constant 128 : i32
    %add3A_13 = arith.addi %mul3A_9, %add3A_12 : i32
    %run_scoped3A_14 = arith.constant 0 : i32
    "tpu.region"() ({
      %run_scoped3A_97 = tpu.sem_alloc : memref<!tpu.dma_semaphore, #tpu.memory_space<semaphore_mem>>
      %dma_start3A_98 = arith.constant 0 : i32
      %dma_start3A_99 = arith.constant 0 : i32
      %dma_start3A_100 = tpu.memref_slice %arg8[%run_scoped3A_14, %dma_start3A_98, %dma_start3A_99] : memref<2x128x128xf32, #tpu.memory_space<vmem>> -> memref<1x128x128xf32, #tpu.memory_space<vmem>>
      %dma_start3A_101 = tpu.memref_squeeze %dma_start3A_100 : memref<1x128x128xf32, #tpu.memory_space<vmem>> -> memref<128x128xf32, #tpu.memory_space<vmem>>
      %dma_start3A_102 = arith.constant 0 : i32
      %dma_start3A_103 = tpu.memref_slice %arg9[%add3A_13, %dma_start3A_102] : memref<10240x128xf32, #tpu.memory_space<vmem_shared>> -> memref<128x128xf32, #tpu.memory_space<vmem_shared>>
      %dma_start3A_104 = arith.constant 0 : i32
      %dma_start3A_105 = tpu.memref_slice %arg9[%add3A_13, %dma_start3A_104] : memref<10240x128xf32, #tpu.memory_space<vmem_shared>> -> memref<128x128xf32, #tpu.memory_space<vmem_shared>>
      %dma_start3A_106 = arith.constant 0 : i32
      %dma_start3A_107 = arith.constant 0 : i32
      %dma_start3A_108 = tpu.memref_slice %arg8[%run_scoped3A_14, %dma_start3A_106, %dma_start3A_107] : memref<2x128x128xf32, #tpu.memory_space<vmem>> -> memref<1x128x128xf32, #tpu.memory_space<vmem>>
      %dma_start3A_109 = tpu.memref_squeeze %dma_start3A_108 : memref<1x128x128xf32, #tpu.memory_space<vmem>> -> memref<128x128xf32, #tpu.memory_space<vmem>>
      tpu.enqueue_dma source(%dma_start3A_109 : memref<128x128xf32, #tpu.memory_space<vmem>>) target(%dma_start3A_105 : memref<128x128xf32, #tpu.memory_space<vmem_shared>>) target_semaphore(%run_scoped3A_97 : memref<!tpu.dma_semaphore, #tpu.memory_space<semaphore_mem>>)
      %dma_wait3A = arith.constant 0 : i32
      %dma_wait3A_110 = arith.constant 0 : i32
      %dma_wait3A_111 = tpu.memref_slice %arg8[%run_scoped3A_14, %dma_wait3A, %dma_wait3A_110] : memref<2x128x128xf32, #tpu.memory_space<vmem>> -> memref<1x128x128xf32, #tpu.memory_space<vmem>>
      %dma_wait3A_112 = tpu.memref_squeeze %dma_wait3A_111 : memref<1x128x128xf32, #tpu.memory_space<vmem>> -> memref<128x128xf32, #tpu.memory_space<vmem>>
      %dma_wait3A_113 = arith.constant 0 : i32
      %dma_wait3A_114 = tpu.memref_slice %arg9[%add3A_13, %dma_wait3A_113] : memref<10240x128xf32, #tpu.memory_space<vmem_shared>> -> memref<128x128xf32, #tpu.memory_space<vmem_shared>>
      %dma_wait3A_115 = arith.constant 0 : i32
      %dma_wait3A_116 = tpu.memref_slice %arg9[%add3A_13, %dma_wait3A_115] : memref<10240x128xf32, #tpu.memory_space<vmem_shared>> -> memref<128x128xf32, #tpu.memory_space<vmem_shared>>
      %dma_wait3A_117 = arith.constant 0 : i32
      %dma_wait3A_118 = arith.constant 0 : i32
      %dma_wait3A_119 = tpu.memref_slice %arg8[%run_scoped3A_14, %dma_wait3A_117, %dma_wait3A_118] : memref<2x128x128xf32, #tpu.memory_space<vmem>> -> memref<1x128x128xf32, #tpu.memory_space<vmem>>
      %dma_wait3A_120 = tpu.memref_squeeze %dma_wait3A_119 : memref<1x128x128xf32, #tpu.memory_space<vmem>> -> memref<128x128xf32, #tpu.memory_space<vmem>>
      tpu.wait_dma2 semaphore(%run_scoped3A_97 : memref<!tpu.dma_semaphore, #tpu.memory_space<semaphore_mem>>) src(%dma_wait3A_120 : memref<128x128xf32, #tpu.memory_space<vmem>>) dst(%dma_wait3A_116 : memref<128x128xf32, #tpu.memory_space<vmem_shared>>)
      tpu.yield
    }) : () -> ()
    %add3A_15 = arith.constant 256 : i32
    %add3A_16 = arith.addi %mul3A_9, %add3A_15 : i32
    %run_scoped3A_17 = arith.constant 0 : i32
    "tpu.region"() ({
      %run_scoped3A_97 = tpu.sem_alloc : memref<!tpu.dma_semaphore, #tpu.memory_space<semaphore_mem>>
      %dma_start3A_98 = arith.constant 0 : i32
      %dma_start3A_99 = arith.constant 0 : i32
      %dma_start3A_100 = tpu.memref_slice %arg8[%run_scoped3A_17, %dma_start3A_98, %dma_start3A_99] : memref<2x128x128xf32, #tpu.memory_space<vmem>> -> memref<1x128x128xf32, #tpu.memory_space<vmem>>
      %dma_start3A_101 = tpu.memref_squeeze %dma_start3A_100 : memref<1x128x128xf32, #tpu.memory_space<vmem>> -> memref<128x128xf32, #tpu.memory_space<vmem>>
      %dma_start3A_102 = arith.constant 0 : i32
      %dma_start3A_103 = tpu.memref_slice %arg9[%add3A_16, %dma_start3A_102] : memref<10240x128xf32, #tpu.memory_space<vmem_shared>> -> memref<128x128xf32, #tpu.memory_space<vmem_shared>>
      %dma_start3A_104 = arith.constant 0 : i32
      %dma_start3A_105 = tpu.memref_slice %arg9[%add3A_16, %dma_start3A_104] : memref<10240x128xf32, #tpu.memory_space<vmem_shared>> -> memref<128x128xf32, #tpu.memory_space<vmem_shared>>
      %dma_start3A_106 = arith.constant 0 : i32
      %dma_start3A_107 = arith.constant 0 : i32
      %dma_start3A_108 = tpu.memref_slice %arg8[%run_scoped3A_17, %dma_start3A_106, %dma_start3A_107] : memref<2x128x128xf32, #tpu.memory_space<vmem>> -> memref<1x128x128xf32, #tpu.memory_space<vmem>>
      %dma_start3A_109 = tpu.memref_squeeze %dma_start3A_108 : memref<1x128x128xf32, #tpu.memory_space<vmem>> -> memref<128x128xf32, #tpu.memory_space<vmem>>
      tpu.enqueue_dma source(%dma_start3A_109 : memref<128x128xf32, #tpu.memory_space<vmem>>) target(%dma_start3A_105 : memref<128x128xf32, #tpu.memory_space<vmem_shared>>) target_semaphore(%run_scoped3A_97 : memref<!tpu.dma_semaphore, #tpu.memory_space<semaphore_mem>>)
      %dma_wait3A = arith.constant 0 : i32
      %dma_wait3A_110 = arith.constant 0 : i32
      %dma_wait3A_111 = tpu.memref_slice %arg8[%run_scoped3A_17, %dma_wait3A, %dma_wait3A_110] : memref<2x128x128xf32, #tpu.memory_space<vmem>> -> memref<1x128x128xf32, #tpu.memory_space<vmem>>
      %dma_wait3A_112 = tpu.memref_squeeze %dma_wait3A_111 : memref<1x128x128xf32, #tpu.memory_space<vmem>> -> memref<128x128xf32, #tpu.memory_space<vmem>>
      %dma_wait3A_113 = arith.constant 0 : i32
      %dma_wait3A_114 = tpu.memref_slice %arg9[%add3A_16, %dma_wait3A_113] : memref<10240x128xf32, #tpu.memory_space<vmem_shared>> -> memref<128x128xf32, #tpu.memory_space<vmem_shared>>
      %dma_wait3A_115 = arith.constant 0 : i32
      %dma_wait3A_116 = tpu.memref_slice %arg9[%add3A_16, %dma_wait3A_115] : memref<10240x128xf32, #tpu.memory_space<vmem_shared>> -> memref<128x128xf32, #tpu.memory_space<vmem_shared>>
      %dma_wait3A_117 = arith.constant 0 : i32
      %dma_wait3A_118 = arith.constant 0 : i32
      %dma_wait3A_119 = tpu.memref_slice %arg8[%run_scoped3A_17, %dma_wait3A_117, %dma_wait3A_118] : memref<2x128x128xf32, #tpu.memory_space<vmem>> -> memref<1x128x128xf32, #tpu.memory_space<vmem>>
      %dma_wait3A_120 = tpu.memref_squeeze %dma_wait3A_119 : memref<1x128x128xf32, #tpu.memory_space<vmem>> -> memref<128x128xf32, #tpu.memory_space<vmem>>
      tpu.wait_dma2 semaphore(%run_scoped3A_97 : memref<!tpu.dma_semaphore, #tpu.memory_space<semaphore_mem>>) src(%dma_wait3A_120 : memref<128x128xf32, #tpu.memory_space<vmem>>) dst(%dma_wait3A_116 : memref<128x128xf32, #tpu.memory_space<vmem_shared>>)
      tpu.yield
    }) : () -> ()
    %add3A_18 = arith.constant 384 : i32
    %add3A_19 = arith.addi %mul3A_9, %add3A_18 : i32
    %run_scoped3A_20 = arith.constant 0 : i32
    "tpu.region"() ({
      %run_scoped3A_97 = tpu.sem_alloc : memref<!tpu.dma_semaphore, #tpu.memory_space<semaphore_mem>>
      %dma_start3A_98 = arith.constant 0 : i32
      %dma_start3A_99 = arith.constant 0 : i32
      %dma_start3A_100 = tpu.memref_slice %arg8[%run_scoped3A_20, %dma_start3A_98, %dma_start3A_99] : memref<2x128x128xf32, #tpu.memory_space<vmem>> -> memref<1x128x128xf32, #tpu.memory_space<vmem>>
      %dma_start3A_101 = tpu.memref_squeeze %dma_start3A_100 : memref<1x128x128xf32, #tpu.memory_space<vmem>> -> memref<128x128xf32, #tpu.memory_space<vmem>>
      %dma_start3A_102 = arith.constant 0 : i32
      %dma_start3A_103 = tpu.memref_slice %arg9[%add3A_19, %dma_start3A_102] : memref<10240x128xf32, #tpu.memory_space<vmem_shared>> -> memref<128x128xf32, #tpu.memory_space<vmem_shared>>
      %dma_start3A_104 = arith.constant 0 : i32
      %dma_start3A_105 = tpu.memref_slice %arg9[%add3A_19, %dma_start3A_104] : memref<10240x128xf32, #tpu.memory_space<vmem_shared>> -> memref<128x128xf32, #tpu.memory_space<vmem_shared>>
      %dma_start3A_106 = arith.constant 0 : i32
      %dma_start3A_107 = arith.constant 0 : i32
      %dma_start3A_108 = tpu.memref_slice %arg8[%run_scoped3A_20, %dma_start3A_106, %dma_start3A_107] : memref<2x128x128xf32, #tpu.memory_space<vmem>> -> memref<1x128x128xf32, #tpu.memory_space<vmem>>
      %dma_start3A_109 = tpu.memref_squeeze %dma_start3A_108 : memref<1x128x128xf32, #tpu.memory_space<vmem>> -> memref<128x128xf32, #tpu.memory_space<vmem>>
      tpu.enqueue_dma source(%dma_start3A_109 : memref<128x128xf32, #tpu.memory_space<vmem>>) target(%dma_start3A_105 : memref<128x128xf32, #tpu.memory_space<vmem_shared>>) target_semaphore(%run_scoped3A_97 : memref<!tpu.dma_semaphore, #tpu.memory_space<semaphore_mem>>)
      %dma_wait3A = arith.constant 0 : i32
      %dma_wait3A_110 = arith.constant 0 : i32
      %dma_wait3A_111 = tpu.memref_slice %arg8[%run_scoped3A_20, %dma_wait3A, %dma_wait3A_110] : memref<2x128x128xf32, #tpu.memory_space<vmem>> -> memref<1x128x128xf32, #tpu.memory_space<vmem>>
      %dma_wait3A_112 = tpu.memref_squeeze %dma_wait3A_111 : memref<1x128x128xf32, #tpu.memory_space<vmem>> -> memref<128x128xf32, #tpu.memory_space<vmem>>
      %dma_wait3A_113 = arith.constant 0 : i32
      %dma_wait3A_114 = tpu.memref_slice %arg9[%add3A_19, %dma_wait3A_113] : memref<10240x128xf32, #tpu.memory_space<vmem_shared>> -> memref<128x128xf32, #tpu.memory_space<vmem_shared>>
      %dma_wait3A_115 = arith.constant 0 : i32
      %dma_wait3A_116 = tpu.memref_slice %arg9[%add3A_19, %dma_wait3A_115] : memref<10240x128xf32, #tpu.memory_space<vmem_shared>> -> memref<128x128xf32, #tpu.memory_space<vmem_shared>>
      %dma_wait3A_117 = arith.constant 0 : i32
      %dma_wait3A_118 = arith.constant 0 : i32
      %dma_wait3A_119 = tpu.memref_slice %arg8[%run_scoped3A_20, %dma_wait3A_117, %dma_wait3A_118] : memref<2x128x128xf32, #tpu.memory_space<vmem>> -> memref<1x128x128xf32, #tpu.memory_space<vmem>>
      %dma_wait3A_120 = tpu.memref_squeeze %dma_wait3A_119 : memref<1x128x128xf32, #tpu.memory_space<vmem>> -> memref<128x128xf32, #tpu.memory_space<vmem>>
      tpu.wait_dma2 semaphore(%run_scoped3A_97 : memref<!tpu.dma_semaphore, #tpu.memory_space<semaphore_mem>>) src(%dma_wait3A_120 : memref<128x128xf32, #tpu.memory_space<vmem>>) dst(%dma_wait3A_116 : memref<128x128xf32, #tpu.memory_space<vmem_shared>>)
      tpu.yield
    }) : () -> ()
    %add3A_21 = arith.constant 512 : i32
    %add3A_22 = arith.addi %mul3A_9, %add3A_21 : i32
    %run_scoped3A_23 = arith.constant 0 : i32
    "tpu.region"() ({
      %run_scoped3A_97 = tpu.sem_alloc : memref<!tpu.dma_semaphore, #tpu.memory_space<semaphore_mem>>
      %dma_start3A_98 = arith.constant 0 : i32
      %dma_start3A_99 = arith.constant 0 : i32
      %dma_start3A_100 = tpu.memref_slice %arg8[%run_scoped3A_23, %dma_start3A_98, %dma_start3A_99] : memref<2x128x128xf32, #tpu.memory_space<vmem>> -> memref<1x128x128xf32, #tpu.memory_space<vmem>>
      %dma_start3A_101 = tpu.memref_squeeze %dma_start3A_100 : memref<1x128x128xf32, #tpu.memory_space<vmem>> -> memref<128x128xf32, #tpu.memory_space<vmem>>
      %dma_start3A_102 = arith.constant 0 : i32
      %dma_start3A_103 = tpu.memref_slice %arg9[%add3A_22, %dma_start3A_102] : memref<10240x128xf32, #tpu.memory_space<vmem_shared>> -> memref<128x128xf32, #tpu.memory_space<vmem_shared>>
      %dma_start3A_104 = arith.constant 0 : i32
      %dma_start3A_105 = tpu.memref_slice %arg9[%add3A_22, %dma_start3A_104] : memref<10240x128xf32, #tpu.memory_space<vmem_shared>> -> memref<128x128xf32, #tpu.memory_space<vmem_shared>>
      %dma_start3A_106 = arith.constant 0 : i32
      %dma_start3A_107 = arith.constant 0 : i32
      %dma_start3A_108 = tpu.memref_slice %arg8[%run_scoped3A_23, %dma_start3A_106, %dma_start3A_107] : memref<2x128x128xf32, #tpu.memory_space<vmem>> -> memref<1x128x128xf32, #tpu.memory_space<vmem>>
      %dma_start3A_109 = tpu.memref_squeeze %dma_start3A_108 : memref<1x128x128xf32, #tpu.memory_space<vmem>> -> memref<128x128xf32, #tpu.memory_space<vmem>>
      tpu.enqueue_dma source(%dma_start3A_109 : memref<128x128xf32, #tpu.memory_space<vmem>>) target(%dma_start3A_105 : memref<128x128xf32, #tpu.memory_space<vmem_shared>>) target_semaphore(%run_scoped3A_97 : memref<!tpu.dma_semaphore, #tpu.memory_space<semaphore_mem>>)
      %dma_wait3A = arith.constant 0 : i32
      %dma_wait3A_110 = arith.constant 0 : i32
      %dma_wait3A_111 = tpu.memref_slice %arg8[%run_scoped3A_23, %dma_wait3A, %dma_wait3A_110] : memref<2x128x128xf32, #tpu.memory_space<vmem>> -> memref<1x128x128xf32, #tpu.memory_space<vmem>>
      %dma_wait3A_112 = tpu.memref_squeeze %dma_wait3A_111 : memref<1x128x128xf32, #tpu.memory_space<vmem>> -> memref<128x128xf32, #tpu.memory_space<vmem>>
      %dma_wait3A_113 = arith.constant 0 : i32
      %dma_wait3A_114 = tpu.memref_slice %arg9[%add3A_22, %dma_wait3A_113] : memref<10240x128xf32, #tpu.memory_space<vmem_shared>> -> memref<128x128xf32, #tpu.memory_space<vmem_shared>>
      %dma_wait3A_115 = arith.constant 0 : i32
      %dma_wait3A_116 = tpu.memref_slice %arg9[%add3A_22, %dma_wait3A_115] : memref<10240x128xf32, #tpu.memory_space<vmem_shared>> -> memref<128x128xf32, #tpu.memory_space<vmem_shared>>
      %dma_wait3A_117 = arith.constant 0 : i32
      %dma_wait3A_118 = arith.constant 0 : i32
      %dma_wait3A_119 = tpu.memref_slice %arg8[%run_scoped3A_23, %dma_wait3A_117, %dma_wait3A_118] : memref<2x128x128xf32, #tpu.memory_space<vmem>> -> memref<1x128x128xf32, #tpu.memory_space<vmem>>
      %dma_wait3A_120 = tpu.memref_squeeze %dma_wait3A_119 : memref<1x128x128xf32, #tpu.memory_space<vmem>> -> memref<128x128xf32, #tpu.memory_space<vmem>>
      tpu.wait_dma2 semaphore(%run_scoped3A_97 : memref<!tpu.dma_semaphore, #tpu.memory_space<semaphore_mem>>) src(%dma_wait3A_120 : memref<128x128xf32, #tpu.memory_space<vmem>>) dst(%dma_wait3A_116 : memref<128x128xf32, #tpu.memory_space<vmem_shared>>)
      tpu.yield
    }) : () -> ()
    %barrier3A = arith.constant 0 : index
    tpu.barrier barrier_id(%barrier3A)
    %run_scoped3A_24 = arith.constant 0 : i32
    "tpu.region"() ({
      %run_scoped3A_97 = tpu.sem_alloc : memref<!tpu.dma_semaphore, #tpu.memory_space<semaphore_mem>>
      %dma_start3A_98 = arith.constant 0 : i32
      %dma_start3A_99 = arith.constant 0 : i32
      %dma_start3A_100 = tpu.memref_slice %arg3[%add3A, %run_scoped3A_24, %dma_start3A_98, %dma_start3A_99] : memref<32x2x60x128xi32, #tpu.memory_space<hbm>> -> memref<1x1x60x128xi32, #tpu.memory_space<hbm>>
      %dma_start3A_101 = tpu.memref_squeeze %dma_start3A_100 : memref<1x1x60x128xi32, #tpu.memory_space<hbm>> -> memref<60x128xi32, #tpu.memory_space<hbm>>
      %dma_start3A_102 = arith.constant 0 : i32
      %dma_start3A_103 = arith.constant 0 : i32
      %dma_start3A_104 = tpu.memref_slice %arg3[%add3A, %run_scoped3A_24, %dma_start3A_102, %dma_start3A_103] : memref<32x2x60x128xi32, #tpu.memory_space<hbm>> -> memref<1x1x60x128xi32, #tpu.memory_space<hbm>>
      %dma_start3A_105 = tpu.memref_squeeze %dma_start3A_104 : memref<1x1x60x128xi32, #tpu.memory_space<hbm>> -> memref<60x128xi32, #tpu.memory_space<hbm>>
      tpu.enqueue_dma source(%dma_start3A_105 : memref<60x128xi32, #tpu.memory_space<hbm>>) target(%arg6 : memref<60x128xi32, #tpu.memory_space<vmem>>) target_semaphore(%run_scoped3A_97 : memref<!tpu.dma_semaphore, #tpu.memory_space<semaphore_mem>>)
      %dma_wait3A = arith.constant 0 : i32
      %dma_wait3A_106 = arith.constant 0 : i32
      %dma_wait3A_107 = tpu.memref_slice %arg3[%add3A, %run_scoped3A_24, %dma_wait3A, %dma_wait3A_106] : memref<32x2x60x128xi32, #tpu.memory_space<hbm>> -> memref<1x1x60x128xi32, #tpu.memory_space<hbm>>
      %dma_wait3A_108 = tpu.memref_squeeze %dma_wait3A_107 : memref<1x1x60x128xi32, #tpu.memory_space<hbm>> -> memref<60x128xi32, #tpu.memory_space<hbm>>
      %dma_wait3A_109 = arith.constant 0 : i32
      %dma_wait3A_110 = arith.constant 0 : i32
      %dma_wait3A_111 = tpu.memref_slice %arg3[%add3A, %run_scoped3A_24, %dma_wait3A_109, %dma_wait3A_110] : memref<32x2x60x128xi32, #tpu.memory_space<hbm>> -> memref<1x1x60x128xi32, #tpu.memory_space<hbm>>
      %dma_wait3A_112 = tpu.memref_squeeze %dma_wait3A_111 : memref<1x1x60x128xi32, #tpu.memory_space<hbm>> -> memref<60x128xi32, #tpu.memory_space<hbm>>
      tpu.wait_dma2 semaphore(%run_scoped3A_97 : memref<!tpu.dma_semaphore, #tpu.memory_space<semaphore_mem>>) src(%dma_wait3A_112 : memref<60x128xi32, #tpu.memory_space<hbm>>) dst(%arg6 : memref<60x128xi32, #tpu.memory_space<vmem>>)
      tpu.yield
    }) : () -> ()
    %run_scoped3A_25 = arith.constant 0 : i32
    "tpu.region"() ({
      %run_scoped3A_97 = tpu.sem_alloc : memref<!tpu.dma_semaphore, #tpu.memory_space<semaphore_mem>>
      %dma_start3A_98 = arith.constant 0 : i32
      %dma_start3A_99 = arith.constant 0 : i32
      %dma_start3A_100 = tpu.memref_slice %arg4[%add3A, %run_scoped3A_25, %dma_start3A_98, %dma_start3A_99] : memref<32x2x60x128xi32, #tpu.memory_space<hbm>> -> memref<1x1x60x128xi32, #tpu.memory_space<hbm>>
      %dma_start3A_101 = tpu.memref_squeeze %dma_start3A_100 : memref<1x1x60x128xi32, #tpu.memory_space<hbm>> -> memref<60x128xi32, #tpu.memory_space<hbm>>
      %dma_start3A_102 = arith.constant 0 : i32
      %dma_start3A_103 = arith.constant 0 : i32
      %dma_start3A_104 = tpu.memref_slice %arg4[%add3A, %run_scoped3A_25, %dma_start3A_102, %dma_start3A_103] : memref<32x2x60x128xi32, #tpu.memory_space<hbm>> -> memref<1x1x60x128xi32, #tpu.memory_space<hbm>>
      %dma_start3A_105 = tpu.memref_squeeze %dma_start3A_104 : memref<1x1x60x128xi32, #tpu.memory_space<hbm>> -> memref<60x128xi32, #tpu.memory_space<hbm>>
      tpu.enqueue_dma source(%dma_start3A_105 : memref<60x128xi32, #tpu.memory_space<hbm>>) target(%arg7 : memref<60x128xi32, #tpu.memory_space<vmem>>) target_semaphore(%run_scoped3A_97 : memref<!tpu.dma_semaphore, #tpu.memory_space<semaphore_mem>>)
      %dma_wait3A = arith.constant 0 : i32
      %dma_wait3A_106 = arith.constant 0 : i32
      %dma_wait3A_107 = tpu.memref_slice %arg4[%add3A, %run_scoped3A_25, %dma_wait3A, %dma_wait3A_106] : memref<32x2x60x128xi32, #tpu.memory_space<hbm>> -> memref<1x1x60x128xi32, #tpu.memory_space<hbm>>
      %dma_wait3A_108 = tpu.memref_squeeze %dma_wait3A_107 : memref<1x1x60x128xi32, #tpu.memory_space<hbm>> -> memref<60x128xi32, #tpu.memory_space<hbm>>
      %dma_wait3A_109 = arith.constant 0 : i32
      %dma_wait3A_110 = arith.constant 0 : i32
      %dma_wait3A_111 = tpu.memref_slice %arg4[%add3A, %run_scoped3A_25, %dma_wait3A_109, %dma_wait3A_110] : memref<32x2x60x128xi32, #tpu.memory_space<hbm>> -> memref<1x1x60x128xi32, #tpu.memory_space<hbm>>
      %dma_wait3A_112 = tpu.memref_squeeze %dma_wait3A_111 : memref<1x1x60x128xi32, #tpu.memory_space<hbm>> -> memref<60x128xi32, #tpu.memory_space<hbm>>
      tpu.wait_dma2 semaphore(%run_scoped3A_97 : memref<!tpu.dma_semaphore, #tpu.memory_space<semaphore_mem>>) src(%dma_wait3A_112 : memref<60x128xi32, #tpu.memory_space<hbm>>) dst(%arg7 : memref<60x128xi32, #tpu.memory_space<vmem>>)
      tpu.yield
    }) : () -> ()
    %dma_start3A = arith.constant 0 : i32
    %dma_start3A_26 = arith.constant 0 : i32
    %dma_start3A_27 = arith.constant 0 : i32
    %dma_start3A_28 = arith.constant 0 : i32
    %dma_start3A_29 = tpu.memref_slice %arg8[%dma_start3A_26, %dma_start3A_27, %dma_start3A_28] : memref<2x128x128xf32, #tpu.memory_space<vmem>> -> memref<1x128x128xf32, #tpu.memory_space<vmem>>
    %dma_start3A_30 = tpu.memref_squeeze %dma_start3A_29 : memref<1x128x128xf32, #tpu.memory_space<vmem>> -> memref<128x128xf32, #tpu.memory_space<vmem>>
    %dma_start3A_31 = arith.constant 0 : i32
    %dma_start3A_32 = tpu.memref_slice %arg6[%dma_start3A, %dma_start3A_31] : memref<60x128xi32, #tpu.memory_space<vmem>> -> memref<1x128xi32, #tpu.memory_space<vmem>>
    %dma_start3A_33 = tpu.memref_squeeze %dma_start3A_32 : memref<1x128xi32, #tpu.memory_space<vmem>> -> memref<128xi32, #tpu.memory_space<vmem>>
    %dma_start3A_34 = arith.constant 0 : i32
    %dma_start3A_35 = arith.constant 0 : i32
    %dma_start3A_36 = tpu.memref_slice %arg2[%dma_start3A_34, %dma_start3A_35] : memref<10240x128xf32, #tpu.memory_space<hbm>> -> memref<10240x128xf32, #tpu.memory_space<hbm>>
    tpu.enqueue_indirect_dma source(%dma_start3A_36 : memref<10240x128xf32, #tpu.memory_space<hbm>>) target(%dma_start3A_30 : memref<128x128xf32, #tpu.memory_space<vmem>>) offsets(%dma_start3A_33 : memref<128xi32, #tpu.memory_space<vmem>>) semaphore(%arg10 : memref<!tpu.dma_semaphore, #tpu.memory_space<semaphore_mem>>)
    %dma_start3A_37 = arith.constant 1 : i32
    %dma_start3A_38 = arith.constant 1 : i32
    %dma_start3A_39 = arith.constant 0 : i32
    %dma_start3A_40 = arith.constant 0 : i32
    %dma_start3A_41 = tpu.memref_slice %arg8[%dma_start3A_38, %dma_start3A_39, %dma_start3A_40] : memref<2x128x128xf32, #tpu.memory_space<vmem>> -> memref<1x128x128xf32, #tpu.memory_space<vmem>>
    %dma_start3A_42 = tpu.memref_squeeze %dma_start3A_41 : memref<1x128x128xf32, #tpu.memory_space<vmem>> -> memref<128x128xf32, #tpu.memory_space<vmem>>
    %dma_start3A_43 = arith.constant 0 : i32
    %dma_start3A_44 = tpu.memref_slice %arg6[%dma_start3A_37, %dma_start3A_43] : memref<60x128xi32, #tpu.memory_space<vmem>> -> memref<1x128xi32, #tpu.memory_space<vmem>>
    %dma_start3A_45 = tpu.memref_squeeze %dma_start3A_44 : memref<1x128xi32, #tpu.memory_space<vmem>> -> memref<128xi32, #tpu.memory_space<vmem>>
    %dma_start3A_46 = arith.constant 0 : i32
    %dma_start3A_47 = arith.constant 0 : i32
    %dma_start3A_48 = tpu.memref_slice %arg2[%dma_start3A_46, %dma_start3A_47] : memref<10240x128xf32, #tpu.memory_space<hbm>> -> memref<10240x128xf32, #tpu.memory_space<hbm>>
    tpu.enqueue_indirect_dma source(%dma_start3A_48 : memref<10240x128xf32, #tpu.memory_space<hbm>>) target(%dma_start3A_42 : memref<128x128xf32, #tpu.memory_space<vmem>>) offsets(%dma_start3A_45 : memref<128xi32, #tpu.memory_space<vmem>>) semaphore(%arg11 : memref<!tpu.dma_semaphore, #tpu.memory_space<semaphore_mem>>)
    %while3A = arith.constant 0 : i32
    %while3A_49 = arith.constant 0 : i32
    %while3A_50 = arith.subi %select_n3A, %while3A_49 : i32
    %while3A_51 = arith.addi %while3A_49, %while3A_50 : i32
    %while3A_52 = arith.constant 1 : i32
    %while3A_53 = arith.divsi %while3A_50, %while3A_52 : i32
    %while3A_54 = arith.muli %while3A_53, %while3A_52 : i32
    %while3A_55 = arith.addi %while3A_49, %while3A_54 : i32
    %while3A_56 = arith.constant 1 : i32
    scf.for %while3A_97 = %while3A_49 to %while3A_55 step %while3A_56  : i32 {
      %mul3A_98 = arith.constant 2 : i32
      %mul3A_99 = arith.muli %mul3A_98, %while3A_97 : i32
      %dma_wait3A = arith.constant 0 : i32
      %dma_wait3A_100 = arith.constant 0 : i32
      %dma_wait3A_101 = arith.constant 0 : i32
      %dma_wait3A_102 = tpu.memref_slice %arg8[%dma_wait3A, %dma_wait3A_100, %dma_wait3A_101] : memref<2x128x128xf32, #tpu.memory_space<vmem>> -> memref<1x128x128xf32, #tpu.memory_space<vmem>>
      %dma_wait3A_103 = tpu.memref_squeeze %dma_wait3A_102 : memref<1x128x128xf32, #tpu.memory_space<vmem>> -> memref<128x128xf32, #tpu.memory_space<vmem>>
      %dma_wait3A_104 = arith.constant 0 : i32
      %dma_wait3A_105 = tpu.memref_slice %arg6[%mul3A_99, %dma_wait3A_104] : memref<60x128xi32, #tpu.memory_space<vmem>> -> memref<1x128xi32, #tpu.memory_space<vmem>>
      %dma_wait3A_106 = tpu.memref_squeeze %dma_wait3A_105 : memref<1x128xi32, #tpu.memory_space<vmem>> -> memref<128xi32, #tpu.memory_space<vmem>>
      %dma_wait3A_107 = arith.constant 0 : i32
      %dma_wait3A_108 = arith.constant 0 : i32
      %dma_wait3A_109 = tpu.memref_slice %arg2[%dma_wait3A_107, %dma_wait3A_108] : memref<10240x128xf32, #tpu.memory_space<hbm>> -> memref<10240x128xf32, #tpu.memory_space<hbm>>
      tpu.wait_indirect_dma semaphore(%arg10 : memref<!tpu.dma_semaphore, #tpu.memory_space<semaphore_mem>>) src(%dma_wait3A_109 : memref<10240x128xf32, #tpu.memory_space<hbm>>) dst(%dma_wait3A_103 : memref<128x128xf32, #tpu.memory_space<vmem>>)
      %run_scoped3A_110 = arith.constant 0 : i32
      "tpu.region"() ({
        %run_scoped3A_135 = tpu.sem_alloc : memref<!tpu.dma_semaphore, #tpu.memory_space<semaphore_mem>>
        %dma_start3A_136 = arith.constant 0 : i32
        %dma_start3A_137 = arith.constant 0 : i32
        %dma_start3A_138 = tpu.memref_slice %arg8[%run_scoped3A_110, %dma_start3A_136, %dma_start3A_137] : memref<2x128x128xf32, #tpu.memory_space<vmem>> -> memref<1x128x128xf32, #tpu.memory_space<vmem>>
        %dma_start3A_139 = tpu.memref_squeeze %dma_start3A_138 : memref<1x128x128xf32, #tpu.memory_space<vmem>> -> memref<128x128xf32, #tpu.memory_space<vmem>>
        %dma_start3A_140 = arith.constant 0 : i32
        %dma_start3A_141 = tpu.memref_slice %arg7[%mul3A_99, %dma_start3A_140] : memref<60x128xi32, #tpu.memory_space<vmem>> -> memref<1x128xi32, #tpu.memory_space<vmem>>
        %dma_start3A_142 = tpu.memref_squeeze %dma_start3A_141 : memref<1x128xi32, #tpu.memory_space<vmem>> -> memref<128xi32, #tpu.memory_space<vmem>>
        %dma_start3A_143 = arith.constant 0 : i32
        %dma_start3A_144 = arith.constant 0 : i32
        %dma_start3A_145 = tpu.memref_slice %arg9[%dma_start3A_143, %dma_start3A_144] : memref<10240x128xf32, #tpu.memory_space<vmem_shared>> -> memref<10240x128xf32, #tpu.memory_space<vmem_shared>>
        tpu.enqueue_indirect_dma source(%dma_start3A_139 : memref<128x128xf32, #tpu.memory_space<vmem>>) target(%dma_start3A_145 : memref<10240x128xf32, #tpu.memory_space<vmem_shared>>) offsets(%dma_start3A_142 : memref<128xi32, #tpu.memory_space<vmem>>) semaphore(%run_scoped3A_135 : memref<!tpu.dma_semaphore, #tpu.memory_space<semaphore_mem>>) {add = true}
        %dma_wait3A_146 = arith.constant 0 : i32
        %dma_wait3A_147 = arith.constant 0 : i32
        %dma_wait3A_148 = tpu.memref_slice %arg8[%run_scoped3A_110, %dma_wait3A_146, %dma_wait3A_147] : memref<2x128x128xf32, #tpu.memory_space<vmem>> -> memref<1x128x128xf32, #tpu.memory_space<vmem>>
        %dma_wait3A_149 = tpu.memref_squeeze %dma_wait3A_148 : memref<1x128x128xf32, #tpu.memory_space<vmem>> -> memref<128x128xf32, #tpu.memory_space<vmem>>
        %dma_wait3A_150 = arith.constant 0 : i32
        %dma_wait3A_151 = tpu.memref_slice %arg7[%mul3A_99, %dma_wait3A_150] : memref<60x128xi32, #tpu.memory_space<vmem>> -> memref<1x128xi32, #tpu.memory_space<vmem>>
        %dma_wait3A_152 = tpu.memref_squeeze %dma_wait3A_151 : memref<1x128xi32, #tpu.memory_space<vmem>> -> memref<128xi32, #tpu.memory_space<vmem>>
        %dma_wait3A_153 = arith.constant 0 : i32
        %dma_wait3A_154 = arith.constant 0 : i32
        %dma_wait3A_155 = tpu.memref_slice %arg9[%dma_wait3A_153, %dma_wait3A_154] : memref<10240x128xf32, #tpu.memory_space<vmem_shared>> -> memref<10240x128xf32, #tpu.memory_space<vmem_shared>>
        tpu.wait_indirect_dma semaphore(%run_scoped3A_135 : memref<!tpu.dma_semaphore, #tpu.memory_space<semaphore_mem>>) src(%dma_wait3A_149 : memref<128x128xf32, #tpu.memory_space<vmem>>) dst(%dma_wait3A_155 : memref<10240x128xf32, #tpu.memory_space<vmem_shared>>)
        tpu.yield
      }) : () -> ()
      %sub3A = arith.constant 1 : i32
      %sub3A_111 = arith.subi %select_n3A, %sub3A : i32
      %lt3A = arith.cmpi slt, %while3A_97, %sub3A_111 : i32
      %convert_element_type3A = arith.extui %lt3A : i1 to i32
      %cond3A = arith.constant 0 : i32
      %cond3A_112 = arith.cmpi ne, %convert_element_type3A, %cond3A : i32
      scf.if %cond3A_112 {
        %add3A_135 = arith.constant 2 : i32
        %add3A_136 = arith.addi %mul3A_99, %add3A_135 : i32
        %dma_start3A_137 = arith.constant 0 : i32
        %dma_start3A_138 = arith.constant 0 : i32
        %dma_start3A_139 = arith.constant 0 : i32
        %dma_start3A_140 = tpu.memref_slice %arg8[%dma_start3A_137, %dma_start3A_138, %dma_start3A_139] : memref<2x128x128xf32, #tpu.memory_space<vmem>> -> memref<1x128x128xf32, #tpu.memory_space<vmem>>
        %dma_start3A_141 = tpu.memref_squeeze %dma_start3A_140 : memref<1x128x128xf32, #tpu.memory_space<vmem>> -> memref<128x128xf32, #tpu.memory_space<vmem>>
        %dma_start3A_142 = arith.constant 0 : i32
        %dma_start3A_143 = tpu.memref_slice %arg6[%add3A_136, %dma_start3A_142] : memref<60x128xi32, #tpu.memory_space<vmem>> -> memref<1x128xi32, #tpu.memory_space<vmem>>
        %dma_start3A_144 = tpu.memref_squeeze %dma_start3A_143 : memref<1x128xi32, #tpu.memory_space<vmem>> -> memref<128xi32, #tpu.memory_space<vmem>>
        %dma_start3A_145 = arith.constant 0 : i32
        %dma_start3A_146 = arith.constant 0 : i32
        %dma_start3A_147 = tpu.memref_slice %arg2[%dma_start3A_145, %dma_start3A_146] : memref<10240x128xf32, #tpu.memory_space<hbm>> -> memref<10240x128xf32, #tpu.memory_space<hbm>>
        tpu.enqueue_indirect_dma source(%dma_start3A_147 : memref<10240x128xf32, #tpu.memory_space<hbm>>) target(%dma_start3A_141 : memref<128x128xf32, #tpu.memory_space<vmem>>) offsets(%dma_start3A_144 : memref<128xi32, #tpu.memory_space<vmem>>) semaphore(%arg10 : memref<!tpu.dma_semaphore, #tpu.memory_space<semaphore_mem>>)
      } else {
      }
      %add3A_113 = arith.constant 1 : i32
      %add3A_114 = arith.addi %mul3A_99, %add3A_113 : i32
      %dma_wait3A_115 = arith.constant 1 : i32
      %dma_wait3A_116 = arith.constant 0 : i32
      %dma_wait3A_117 = arith.constant 0 : i32
      %dma_wait3A_118 = tpu.memref_slice %arg8[%dma_wait3A_115, %dma_wait3A_116, %dma_wait3A_117] : memref<2x128x128xf32, #tpu.memory_space<vmem>> -> memref<1x128x128xf32, #tpu.memory_space<vmem>>
      %dma_wait3A_119 = tpu.memref_squeeze %dma_wait3A_118 : memref<1x128x128xf32, #tpu.memory_space<vmem>> -> memref<128x128xf32, #tpu.memory_space<vmem>>
      %dma_wait3A_120 = arith.constant 0 : i32
      %dma_wait3A_121 = tpu.memref_slice %arg6[%add3A_114, %dma_wait3A_120] : memref<60x128xi32, #tpu.memory_space<vmem>> -> memref<1x128xi32, #tpu.memory_space<vmem>>
      %dma_wait3A_122 = tpu.memref_squeeze %dma_wait3A_121 : memref<1x128xi32, #tpu.memory_space<vmem>> -> memref<128xi32, #tpu.memory_space<vmem>>
      %dma_wait3A_123 = arith.constant 0 : i32
      %dma_wait3A_124 = arith.constant 0 : i32
      %dma_wait3A_125 = tpu.memref_slice %arg2[%dma_wait3A_123, %dma_wait3A_124] : memref<10240x128xf32, #tpu.memory_space<hbm>> -> memref<10240x128xf32, #tpu.memory_space<hbm>>
      tpu.wait_indirect_dma semaphore(%arg11 : memref<!tpu.dma_semaphore, #tpu.memory_space<semaphore_mem>>) src(%dma_wait3A_125 : memref<10240x128xf32, #tpu.memory_space<hbm>>) dst(%dma_wait3A_119 : memref<128x128xf32, #tpu.memory_space<vmem>>)
      %add3A_126 = arith.constant 1 : i32
      %add3A_127 = arith.addi %mul3A_99, %add3A_126 : i32
      %run_scoped3A_128 = arith.constant 1 : i32
      "tpu.region"() ({
        %run_scoped3A_135 = tpu.sem_alloc : memref<!tpu.dma_semaphore, #tpu.memory_space<semaphore_mem>>
        %dma_start3A_136 = arith.constant 0 : i32
        %dma_start3A_137 = arith.constant 0 : i32
        %dma_start3A_138 = tpu.memref_slice %arg8[%run_scoped3A_128, %dma_start3A_136, %dma_start3A_137] : memref<2x128x128xf32, #tpu.memory_space<vmem>> -> memref<1x128x128xf32, #tpu.memory_space<vmem>>
        %dma_start3A_139 = tpu.memref_squeeze %dma_start3A_138 : memref<1x128x128xf32, #tpu.memory_space<vmem>> -> memref<128x128xf32, #tpu.memory_space<vmem>>
        %dma_start3A_140 = arith.constant 0 : i32
        %dma_start3A_141 = tpu.memref_slice %arg7[%add3A_127, %dma_start3A_140] : memref<60x128xi32, #tpu.memory_space<vmem>> -> memref<1x128xi32, #tpu.memory_space<vmem>>
        %dma_start3A_142 = tpu.memref_squeeze %dma_start3A_141 : memref<1x128xi32, #tpu.memory_space<vmem>> -> memref<128xi32, #tpu.memory_space<vmem>>
        %dma_start3A_143 = arith.constant 0 : i32
        %dma_start3A_144 = arith.constant 0 : i32
        %dma_start3A_145 = tpu.memref_slice %arg9[%dma_start3A_143, %dma_start3A_144] : memref<10240x128xf32, #tpu.memory_space<vmem_shared>> -> memref<10240x128xf32, #tpu.memory_space<vmem_shared>>
        tpu.enqueue_indirect_dma source(%dma_start3A_139 : memref<128x128xf32, #tpu.memory_space<vmem>>) target(%dma_start3A_145 : memref<10240x128xf32, #tpu.memory_space<vmem_shared>>) offsets(%dma_start3A_142 : memref<128xi32, #tpu.memory_space<vmem>>) semaphore(%run_scoped3A_135 : memref<!tpu.dma_semaphore, #tpu.memory_space<semaphore_mem>>) {add = true}
        %dma_wait3A_146 = arith.constant 0 : i32
        %dma_wait3A_147 = arith.constant 0 : i32
        %dma_wait3A_148 = tpu.memref_slice %arg8[%run_scoped3A_128, %dma_wait3A_146, %dma_wait3A_147] : memref<2x128x128xf32, #tpu.memory_space<vmem>> -> memref<1x128x128xf32, #tpu.memory_space<vmem>>
        %dma_wait3A_149 = tpu.memref_squeeze %dma_wait3A_148 : memref<1x128x128xf32, #tpu.memory_space<vmem>> -> memref<128x128xf32, #tpu.memory_space<vmem>>
        %dma_wait3A_150 = arith.constant 0 : i32
        %dma_wait3A_151 = tpu.memref_slice %arg7[%add3A_127, %dma_wait3A_150] : memref<60x128xi32, #tpu.memory_space<vmem>> -> memref<1x128xi32, #tpu.memory_space<vmem>>
        %dma_wait3A_152 = tpu.memref_squeeze %dma_wait3A_151 : memref<1x128xi32, #tpu.memory_space<vmem>> -> memref<128xi32, #tpu.memory_space<vmem>>
        %dma_wait3A_153 = arith.constant 0 : i32
        %dma_wait3A_154 = arith.constant 0 : i32
        %dma_wait3A_155 = tpu.memref_slice %arg9[%dma_wait3A_153, %dma_wait3A_154] : memref<10240x128xf32, #tpu.memory_space<vmem_shared>> -> memref<10240x128xf32, #tpu.memory_space<vmem_shared>>
        tpu.wait_indirect_dma semaphore(%run_scoped3A_135 : memref<!tpu.dma_semaphore, #tpu.memory_space<semaphore_mem>>) src(%dma_wait3A_149 : memref<128x128xf32, #tpu.memory_space<vmem>>) dst(%dma_wait3A_155 : memref<10240x128xf32, #tpu.memory_space<vmem_shared>>)
        tpu.yield
      }) : () -> ()
      %sub3A_129 = arith.constant 1 : i32
      %sub3A_130 = arith.subi %select_n3A, %sub3A_129 : i32
      %lt3A_131 = arith.cmpi slt, %while3A_97, %sub3A_130 : i32
      %convert_element_type3A_132 = arith.extui %lt3A_131 : i1 to i32
      %cond3A_133 = arith.constant 0 : i32
      %cond3A_134 = arith.cmpi ne, %convert_element_type3A_132, %cond3A_133 : i32
      scf.if %cond3A_134 {
        %add3A_135 = arith.constant 3 : i32
        %add3A_136 = arith.addi %mul3A_99, %add3A_135 : i32
        %dma_start3A_137 = arith.constant 1 : i32
        %dma_start3A_138 = arith.constant 0 : i32
        %dma_start3A_139 = arith.constant 0 : i32
        %dma_start3A_140 = tpu.memref_slice %arg8[%dma_start3A_137, %dma_start3A_138, %dma_start3A_139] : memref<2x128x128xf32, #tpu.memory_space<vmem>> -> memref<1x128x128xf32, #tpu.memory_space<vmem>>
        %dma_start3A_141 = tpu.memref_squeeze %dma_start3A_140 : memref<1x128x128xf32, #tpu.memory_space<vmem>> -> memref<128x128xf32, #tpu.memory_space<vmem>>
        %dma_start3A_142 = arith.constant 0 : i32
        %dma_start3A_143 = tpu.memref_slice %arg6[%add3A_136, %dma_start3A_142] : memref<60x128xi32, #tpu.memory_space<vmem>> -> memref<1x128xi32, #tpu.memory_space<vmem>>
        %dma_start3A_144 = tpu.memref_squeeze %dma_start3A_143 : memref<1x128xi32, #tpu.memory_space<vmem>> -> memref<128xi32, #tpu.memory_space<vmem>>
        %dma_start3A_145 = arith.constant 0 : i32
        %dma_start3A_146 = arith.constant 0 : i32
        %dma_start3A_147 = tpu.memref_slice %arg2[%dma_start3A_145, %dma_start3A_146] : memref<10240x128xf32, #tpu.memory_space<hbm>> -> memref<10240x128xf32, #tpu.memory_space<hbm>>
        tpu.enqueue_indirect_dma source(%dma_start3A_147 : memref<10240x128xf32, #tpu.memory_space<hbm>>) target(%dma_start3A_141 : memref<128x128xf32, #tpu.memory_space<vmem>>) offsets(%dma_start3A_144 : memref<128xi32, #tpu.memory_space<vmem>>) semaphore(%arg11 : memref<!tpu.dma_semaphore, #tpu.memory_space<semaphore_mem>>)
      } else {
      }
    }
    %while3A_57 = arith.constant 1 : i32
    scf.for %while3A_97 = %while3A_55 to %while3A_51 step %while3A_57  : i32 {
      %mul3A_98 = arith.constant 2 : i32
      %mul3A_99 = arith.muli %mul3A_98, %while3A_97 : i32
      %dma_wait3A = arith.constant 0 : i32
      %dma_wait3A_100 = arith.constant 0 : i32
      %dma_wait3A_101 = arith.constant 0 : i32
      %dma_wait3A_102 = tpu.memref_slice %arg8[%dma_wait3A, %dma_wait3A_100, %dma_wait3A_101] : memref<2x128x128xf32, #tpu.memory_space<vmem>> -> memref<1x128x128xf32, #tpu.memory_space<vmem>>
      %dma_wait3A_103 = tpu.memref_squeeze %dma_wait3A_102 : memref<1x128x128xf32, #tpu.memory_space<vmem>> -> memref<128x128xf32, #tpu.memory_space<vmem>>
      %dma_wait3A_104 = arith.constant 0 : i32
      %dma_wait3A_105 = tpu.memref_slice %arg6[%mul3A_99, %dma_wait3A_104] : memref<60x128xi32, #tpu.memory_space<vmem>> -> memref<1x128xi32, #tpu.memory_space<vmem>>
      %dma_wait3A_106 = tpu.memref_squeeze %dma_wait3A_105 : memref<1x128xi32, #tpu.memory_space<vmem>> -> memref<128xi32, #tpu.memory_space<vmem>>
      %dma_wait3A_107 = arith.constant 0 : i32
      %dma_wait3A_108 = arith.constant 0 : i32
      %dma_wait3A_109 = tpu.memref_slice %arg2[%dma_wait3A_107, %dma_wait3A_108] : memref<10240x128xf32, #tpu.memory_space<hbm>> -> memref<10240x128xf32, #tpu.memory_space<hbm>>
      tpu.wait_indirect_dma semaphore(%arg10 : memref<!tpu.dma_semaphore, #tpu.memory_space<semaphore_mem>>) src(%dma_wait3A_109 : memref<10240x128xf32, #tpu.memory_space<hbm>>) dst(%dma_wait3A_103 : memref<128x128xf32, #tpu.memory_space<vmem>>)
      %run_scoped3A_110 = arith.constant 0 : i32
      "tpu.region"() ({
        %run_scoped3A_135 = tpu.sem_alloc : memref<!tpu.dma_semaphore, #tpu.memory_space<semaphore_mem>>
        %dma_start3A_136 = arith.constant 0 : i32
        %dma_start3A_137 = arith.constant 0 : i32
        %dma_start3A_138 = tpu.memref_slice %arg8[%run_scoped3A_110, %dma_start3A_136, %dma_start3A_137] : memref<2x128x128xf32, #tpu.memory_space<vmem>> -> memref<1x128x128xf32, #tpu.memory_space<vmem>>
        %dma_start3A_139 = tpu.memref_squeeze %dma_start3A_138 : memref<1x128x128xf32, #tpu.memory_space<vmem>> -> memref<128x128xf32, #tpu.memory_space<vmem>>
        %dma_start3A_140 = arith.constant 0 : i32
        %dma_start3A_141 = tpu.memref_slice %arg7[%mul3A_99, %dma_start3A_140] : memref<60x128xi32, #tpu.memory_space<vmem>> -> memref<1x128xi32, #tpu.memory_space<vmem>>
        %dma_start3A_142 = tpu.memref_squeeze %dma_start3A_141 : memref<1x128xi32, #tpu.memory_space<vmem>> -> memref<128xi32, #tpu.memory_space<vmem>>
        %dma_start3A_143 = arith.constant 0 : i32
        %dma_start3A_144 = arith.constant 0 : i32
        %dma_start3A_145 = tpu.memref_slice %arg9[%dma_start3A_143, %dma_start3A_144] : memref<10240x128xf32, #tpu.memory_space<vmem_shared>> -> memref<10240x128xf32, #tpu.memory_space<vmem_shared>>
        tpu.enqueue_indirect_dma source(%dma_start3A_139 : memref<128x128xf32, #tpu.memory_space<vmem>>) target(%dma_start3A_145 : memref<10240x128xf32, #tpu.memory_space<vmem_shared>>) offsets(%dma_start3A_142 : memref<128xi32, #tpu.memory_space<vmem>>) semaphore(%run_scoped3A_135 : memref<!tpu.dma_semaphore, #tpu.memory_space<semaphore_mem>>) {add = true}
        %dma_wait3A_146 = arith.constant 0 : i32
        %dma_wait3A_147 = arith.constant 0 : i32
        %dma_wait3A_148 = tpu.memref_slice %arg8[%run_scoped3A_110, %dma_wait3A_146, %dma_wait3A_147] : memref<2x128x128xf32, #tpu.memory_space<vmem>> -> memref<1x128x128xf32, #tpu.memory_space<vmem>>
        %dma_wait3A_149 = tpu.memref_squeeze %dma_wait3A_148 : memref<1x128x128xf32, #tpu.memory_space<vmem>> -> memref<128x128xf32, #tpu.memory_space<vmem>>
        %dma_wait3A_150 = arith.constant 0 : i32
        %dma_wait3A_151 = tpu.memref_slice %arg7[%mul3A_99, %dma_wait3A_150] : memref<60x128xi32, #tpu.memory_space<vmem>> -> memref<1x128xi32, #tpu.memory_space<vmem>>
        %dma_wait3A_152 = tpu.memref_squeeze %dma_wait3A_151 : memref<1x128xi32, #tpu.memory_space<vmem>> -> memref<128xi32, #tpu.memory_space<vmem>>
        %dma_wait3A_153 = arith.constant 0 : i32
        %dma_wait3A_154 = arith.constant 0 : i32
        %dma_wait3A_155 = tpu.memref_slice %arg9[%dma_wait3A_153, %dma_wait3A_154] : memref<10240x128xf32, #tpu.memory_space<vmem_shared>> -> memref<10240x128xf32, #tpu.memory_space<vmem_shared>>
        tpu.wait_indirect_dma semaphore(%run_scoped3A_135 : memref<!tpu.dma_semaphore, #tpu.memory_space<semaphore_mem>>) src(%dma_wait3A_149 : memref<128x128xf32, #tpu.memory_space<vmem>>) dst(%dma_wait3A_155 : memref<10240x128xf32, #tpu.memory_space<vmem_shared>>)
        tpu.yield
      }) : () -> ()
      %sub3A = arith.constant 1 : i32
      %sub3A_111 = arith.subi %select_n3A, %sub3A : i32
      %lt3A = arith.cmpi slt, %while3A_97, %sub3A_111 : i32
      %convert_element_type3A = arith.extui %lt3A : i1 to i32
      %cond3A = arith.constant 0 : i32
      %cond3A_112 = arith.cmpi ne, %convert_element_type3A, %cond3A : i32
      scf.if %cond3A_112 {
        %add3A_135 = arith.constant 2 : i32
        %add3A_136 = arith.addi %mul3A_99, %add3A_135 : i32
        %dma_start3A_137 = arith.constant 0 : i32
        %dma_start3A_138 = arith.constant 0 : i32
        %dma_start3A_139 = arith.constant 0 : i32
        %dma_start3A_140 = tpu.memref_slice %arg8[%dma_start3A_137, %dma_start3A_138, %dma_start3A_139] : memref<2x128x128xf32, #tpu.memory_space<vmem>> -> memref<1x128x128xf32, #tpu.memory_space<vmem>>
        %dma_start3A_141 = tpu.memref_squeeze %dma_start3A_140 : memref<1x128x128xf32, #tpu.memory_space<vmem>> -> memref<128x128xf32, #tpu.memory_space<vmem>>
        %dma_start3A_142 = arith.constant 0 : i32
        %dma_start3A_143 = tpu.memref_slice %arg6[%add3A_136, %dma_start3A_142] : memref<60x128xi32, #tpu.memory_space<vmem>> -> memref<1x128xi32, #tpu.memory_space<vmem>>
        %dma_start3A_144 = tpu.memref_squeeze %dma_start3A_143 : memref<1x128xi32, #tpu.memory_space<vmem>> -> memref<128xi32, #tpu.memory_space<vmem>>
        %dma_start3A_145 = arith.constant 0 : i32
        %dma_start3A_146 = arith.constant 0 : i32
        %dma_start3A_147 = tpu.memref_slice %arg2[%dma_start3A_145, %dma_start3A_146] : memref<10240x128xf32, #tpu.memory_space<hbm>> -> memref<10240x128xf32, #tpu.memory_space<hbm>>
        tpu.enqueue_indirect_dma source(%dma_start3A_147 : memref<10240x128xf32, #tpu.memory_space<hbm>>) target(%dma_start3A_141 : memref<128x128xf32, #tpu.memory_space<vmem>>) offsets(%dma_start3A_144 : memref<128xi32, #tpu.memory_space<vmem>>) semaphore(%arg10 : memref<!tpu.dma_semaphore, #tpu.memory_space<semaphore_mem>>)
      } else {
      }
      %add3A_113 = arith.constant 1 : i32
      %add3A_114 = arith.addi %mul3A_99, %add3A_113 : i32
      %dma_wait3A_115 = arith.constant 1 : i32
      %dma_wait3A_116 = arith.constant 0 : i32
      %dma_wait3A_117 = arith.constant 0 : i32
      %dma_wait3A_118 = tpu.memref_slice %arg8[%dma_wait3A_115, %dma_wait3A_116, %dma_wait3A_117] : memref<2x128x128xf32, #tpu.memory_space<vmem>> -> memref<1x128x128xf32, #tpu.memory_space<vmem>>
      %dma_wait3A_119 = tpu.memref_squeeze %dma_wait3A_118 : memref<1x128x128xf32, #tpu.memory_space<vmem>> -> memref<128x128xf32, #tpu.memory_space<vmem>>
      %dma_wait3A_120 = arith.constant 0 : i32
      %dma_wait3A_121 = tpu.memref_slice %arg6[%add3A_114, %dma_wait3A_120] : memref<60x128xi32, #tpu.memory_space<vmem>> -> memref<1x128xi32, #tpu.memory_space<vmem>>
      %dma_wait3A_122 = tpu.memref_squeeze %dma_wait3A_121 : memref<1x128xi32, #tpu.memory_space<vmem>> -> memref<128xi32, #tpu.memory_space<vmem>>
      %dma_wait3A_123 = arith.constant 0 : i32
      %dma_wait3A_124 = arith.constant 0 : i32
      %dma_wait3A_125 = tpu.memref_slice %arg2[%dma_wait3A_123, %dma_wait3A_124] : memref<10240x128xf32, #tpu.memory_space<hbm>> -> memref<10240x128xf32, #tpu.memory_space<hbm>>
      tpu.wait_indirect_dma semaphore(%arg11 : memref<!tpu.dma_semaphore, #tpu.memory_space<semaphore_mem>>) src(%dma_wait3A_125 : memref<10240x128xf32, #tpu.memory_space<hbm>>) dst(%dma_wait3A_119 : memref<128x128xf32, #tpu.memory_space<vmem>>)
      %add3A_126 = arith.constant 1 : i32
      %add3A_127 = arith.addi %mul3A_99, %add3A_126 : i32
      %run_scoped3A_128 = arith.constant 1 : i32
      "tpu.region"() ({
        %run_scoped3A_135 = tpu.sem_alloc : memref<!tpu.dma_semaphore, #tpu.memory_space<semaphore_mem>>
        %dma_start3A_136 = arith.constant 0 : i32
        %dma_start3A_137 = arith.constant 0 : i32
        %dma_start3A_138 = tpu.memref_slice %arg8[%run_scoped3A_128, %dma_start3A_136, %dma_start3A_137] : memref<2x128x128xf32, #tpu.memory_space<vmem>> -> memref<1x128x128xf32, #tpu.memory_space<vmem>>
        %dma_start3A_139 = tpu.memref_squeeze %dma_start3A_138 : memref<1x128x128xf32, #tpu.memory_space<vmem>> -> memref<128x128xf32, #tpu.memory_space<vmem>>
        %dma_start3A_140 = arith.constant 0 : i32
        %dma_start3A_141 = tpu.memref_slice %arg7[%add3A_127, %dma_start3A_140] : memref<60x128xi32, #tpu.memory_space<vmem>> -> memref<1x128xi32, #tpu.memory_space<vmem>>
        %dma_start3A_142 = tpu.memref_squeeze %dma_start3A_141 : memref<1x128xi32, #tpu.memory_space<vmem>> -> memref<128xi32, #tpu.memory_space<vmem>>
        %dma_start3A_143 = arith.constant 0 : i32
        %dma_start3A_144 = arith.constant 0 : i32
        %dma_start3A_145 = tpu.memref_slice %arg9[%dma_start3A_143, %dma_start3A_144] : memref<10240x128xf32, #tpu.memory_space<vmem_shared>> -> memref<10240x128xf32, #tpu.memory_space<vmem_shared>>
        tpu.enqueue_indirect_dma source(%dma_start3A_139 : memref<128x128xf32, #tpu.memory_space<vmem>>) target(%dma_start3A_145 : memref<10240x128xf32, #tpu.memory_space<vmem_shared>>) offsets(%dma_start3A_142 : memref<128xi32, #tpu.memory_space<vmem>>) semaphore(%run_scoped3A_135 : memref<!tpu.dma_semaphore, #tpu.memory_space<semaphore_mem>>) {add = true}
        %dma_wait3A_146 = arith.constant 0 : i32
        %dma_wait3A_147 = arith.constant 0 : i32
        %dma_wait3A_148 = tpu.memref_slice %arg8[%run_scoped3A_128, %dma_wait3A_146, %dma_wait3A_147] : memref<2x128x128xf32, #tpu.memory_space<vmem>> -> memref<1x128x128xf32, #tpu.memory_space<vmem>>
        %dma_wait3A_149 = tpu.memref_squeeze %dma_wait3A_148 : memref<1x128x128xf32, #tpu.memory_space<vmem>> -> memref<128x128xf32, #tpu.memory_space<vmem>>
        %dma_wait3A_150 = arith.constant 0 : i32
        %dma_wait3A_151 = tpu.memref_slice %arg7[%add3A_127, %dma_wait3A_150] : memref<60x128xi32, #tpu.memory_space<vmem>> -> memref<1x128xi32, #tpu.memory_space<vmem>>
        %dma_wait3A_152 = tpu.memref_squeeze %dma_wait3A_151 : memref<1x128xi32, #tpu.memory_space<vmem>> -> memref<128xi32, #tpu.memory_space<vmem>>
        %dma_wait3A_153 = arith.constant 0 : i32
        %dma_wait3A_154 = arith.constant 0 : i32
        %dma_wait3A_155 = tpu.memref_slice %arg9[%dma_wait3A_153, %dma_wait3A_154] : memref<10240x128xf32, #tpu.memory_space<vmem_shared>> -> memref<10240x128xf32, #tpu.memory_space<vmem_shared>>
        tpu.wait_indirect_dma semaphore(%run_scoped3A_135 : memref<!tpu.dma_semaphore, #tpu.memory_space<semaphore_mem>>) src(%dma_wait3A_149 : memref<128x128xf32, #tpu.memory_space<vmem>>) dst(%dma_wait3A_155 : memref<10240x128xf32, #tpu.memory_space<vmem_shared>>)
        tpu.yield
      }) : () -> ()
      %sub3A_129 = arith.constant 1 : i32
      %sub3A_130 = arith.subi %select_n3A, %sub3A_129 : i32
      %lt3A_131 = arith.cmpi slt, %while3A_97, %sub3A_130 : i32
      %convert_element_type3A_132 = arith.extui %lt3A_131 : i1 to i32
      %cond3A_133 = arith.constant 0 : i32
      %cond3A_134 = arith.cmpi ne, %convert_element_type3A_132, %cond3A_133 : i32
      scf.if %cond3A_134 {
        %add3A_135 = arith.constant 3 : i32
        %add3A_136 = arith.addi %mul3A_99, %add3A_135 : i32
        %dma_start3A_137 = arith.constant 1 : i32
        %dma_start3A_138 = arith.constant 0 : i32
        %dma_start3A_139 = arith.constant 0 : i32
        %dma_start3A_140 = tpu.memref_slice %arg8[%dma_start3A_137, %dma_start3A_138, %dma_start3A_139] : memref<2x128x128xf32, #tpu.memory_space<vmem>> -> memref<1x128x128xf32, #tpu.memory_space<vmem>>
        %dma_start3A_141 = tpu.memref_squeeze %dma_start3A_140 : memref<1x128x128xf32, #tpu.memory_space<vmem>> -> memref<128x128xf32, #tpu.memory_space<vmem>>
        %dma_start3A_142 = arith.constant 0 : i32
        %dma_start3A_143 = tpu.memref_slice %arg6[%add3A_136, %dma_start3A_142] : memref<60x128xi32, #tpu.memory_space<vmem>> -> memref<1x128xi32, #tpu.memory_space<vmem>>
        %dma_start3A_144 = tpu.memref_squeeze %dma_start3A_143 : memref<1x128xi32, #tpu.memory_space<vmem>> -> memref<128xi32, #tpu.memory_space<vmem>>
        %dma_start3A_145 = arith.constant 0 : i32
        %dma_start3A_146 = arith.constant 0 : i32
        %dma_start3A_147 = tpu.memref_slice %arg2[%dma_start3A_145, %dma_start3A_146] : memref<10240x128xf32, #tpu.memory_space<hbm>> -> memref<10240x128xf32, #tpu.memory_space<hbm>>
        tpu.enqueue_indirect_dma source(%dma_start3A_147 : memref<10240x128xf32, #tpu.memory_space<hbm>>) target(%dma_start3A_141 : memref<128x128xf32, #tpu.memory_space<vmem>>) offsets(%dma_start3A_144 : memref<128xi32, #tpu.memory_space<vmem>>) semaphore(%arg11 : memref<!tpu.dma_semaphore, #tpu.memory_space<semaphore_mem>>)
      } else {
      }
    }
    %run_scoped3A_58 = arith.constant 1 : i32
    "tpu.region"() ({
      %run_scoped3A_97 = tpu.sem_alloc : memref<!tpu.dma_semaphore, #tpu.memory_space<semaphore_mem>>
      %dma_start3A_98 = arith.constant 0 : i32
      %dma_start3A_99 = arith.constant 0 : i32
      %dma_start3A_100 = tpu.memref_slice %arg3[%add3A, %run_scoped3A_58, %dma_start3A_98, %dma_start3A_99] : memref<32x2x60x128xi32, #tpu.memory_space<hbm>> -> memref<1x1x60x128xi32, #tpu.memory_space<hbm>>
      %dma_start3A_101 = tpu.memref_squeeze %dma_start3A_100 : memref<1x1x60x128xi32, #tpu.memory_space<hbm>> -> memref<60x128xi32, #tpu.memory_space<hbm>>
      %dma_start3A_102 = arith.constant 0 : i32
      %dma_start3A_103 = arith.constant 0 : i32
      %dma_start3A_104 = tpu.memref_slice %arg3[%add3A, %run_scoped3A_58, %dma_start3A_102, %dma_start3A_103] : memref<32x2x60x128xi32, #tpu.memory_space<hbm>> -> memref<1x1x60x128xi32, #tpu.memory_space<hbm>>
      %dma_start3A_105 = tpu.memref_squeeze %dma_start3A_104 : memref<1x1x60x128xi32, #tpu.memory_space<hbm>> -> memref<60x128xi32, #tpu.memory_space<hbm>>
      tpu.enqueue_dma source(%dma_start3A_105 : memref<60x128xi32, #tpu.memory_space<hbm>>) target(%arg6 : memref<60x128xi32, #tpu.memory_space<vmem>>) target_semaphore(%run_scoped3A_97 : memref<!tpu.dma_semaphore, #tpu.memory_space<semaphore_mem>>)
      %dma_wait3A = arith.constant 0 : i32
      %dma_wait3A_106 = arith.constant 0 : i32
      %dma_wait3A_107 = tpu.memref_slice %arg3[%add3A, %run_scoped3A_58, %dma_wait3A, %dma_wait3A_106] : memref<32x2x60x128xi32, #tpu.memory_space<hbm>> -> memref<1x1x60x128xi32, #tpu.memory_space<hbm>>
      %dma_wait3A_108 = tpu.memref_squeeze %dma_wait3A_107 : memref<1x1x60x128xi32, #tpu.memory_space<hbm>> -> memref<60x128xi32, #tpu.memory_space<hbm>>
      %dma_wait3A_109 = arith.constant 0 : i32
      %dma_wait3A_110 = arith.constant 0 : i32
      %dma_wait3A_111 = tpu.memref_slice %arg3[%add3A, %run_scoped3A_58, %dma_wait3A_109, %dma_wait3A_110] : memref<32x2x60x128xi32, #tpu.memory_space<hbm>> -> memref<1x1x60x128xi32, #tpu.memory_space<hbm>>
      %dma_wait3A_112 = tpu.memref_squeeze %dma_wait3A_111 : memref<1x1x60x128xi32, #tpu.memory_space<hbm>> -> memref<60x128xi32, #tpu.memory_space<hbm>>
      tpu.wait_dma2 semaphore(%run_scoped3A_97 : memref<!tpu.dma_semaphore, #tpu.memory_space<semaphore_mem>>) src(%dma_wait3A_112 : memref<60x128xi32, #tpu.memory_space<hbm>>) dst(%arg6 : memref<60x128xi32, #tpu.memory_space<vmem>>)
      tpu.yield
    }) : () -> ()
    %run_scoped3A_59 = arith.constant 1 : i32
    "tpu.region"() ({
      %run_scoped3A_97 = tpu.sem_alloc : memref<!tpu.dma_semaphore, #tpu.memory_space<semaphore_mem>>
      %dma_start3A_98 = arith.constant 0 : i32
      %dma_start3A_99 = arith.constant 0 : i32
      %dma_start3A_100 = tpu.memref_slice %arg4[%add3A, %run_scoped3A_59, %dma_start3A_98, %dma_start3A_99] : memref<32x2x60x128xi32, #tpu.memory_space<hbm>> -> memref<1x1x60x128xi32, #tpu.memory_space<hbm>>
      %dma_start3A_101 = tpu.memref_squeeze %dma_start3A_100 : memref<1x1x60x128xi32, #tpu.memory_space<hbm>> -> memref<60x128xi32, #tpu.memory_space<hbm>>
      %dma_start3A_102 = arith.constant 0 : i32
      %dma_start3A_103 = arith.constant 0 : i32
      %dma_start3A_104 = tpu.memref_slice %arg4[%add3A, %run_scoped3A_59, %dma_start3A_102, %dma_start3A_103] : memref<32x2x60x128xi32, #tpu.memory_space<hbm>> -> memref<1x1x60x128xi32, #tpu.memory_space<hbm>>
      %dma_start3A_105 = tpu.memref_squeeze %dma_start3A_104 : memref<1x1x60x128xi32, #tpu.memory_space<hbm>> -> memref<60x128xi32, #tpu.memory_space<hbm>>
      tpu.enqueue_dma source(%dma_start3A_105 : memref<60x128xi32, #tpu.memory_space<hbm>>) target(%arg7 : memref<60x128xi32, #tpu.memory_space<vmem>>) target_semaphore(%run_scoped3A_97 : memref<!tpu.dma_semaphore, #tpu.memory_space<semaphore_mem>>)
      %dma_wait3A = arith.constant 0 : i32
      %dma_wait3A_106 = arith.constant 0 : i32
      %dma_wait3A_107 = tpu.memref_slice %arg4[%add3A, %run_scoped3A_59, %dma_wait3A, %dma_wait3A_106] : memref<32x2x60x128xi32, #tpu.memory_space<hbm>> -> memref<1x1x60x128xi32, #tpu.memory_space<hbm>>
      %dma_wait3A_108 = tpu.memref_squeeze %dma_wait3A_107 : memref<1x1x60x128xi32, #tpu.memory_space<hbm>> -> memref<60x128xi32, #tpu.memory_space<hbm>>
      %dma_wait3A_109 = arith.constant 0 : i32
      %dma_wait3A_110 = arith.constant 0 : i32
      %dma_wait3A_111 = tpu.memref_slice %arg4[%add3A, %run_scoped3A_59, %dma_wait3A_109, %dma_wait3A_110] : memref<32x2x60x128xi32, #tpu.memory_space<hbm>> -> memref<1x1x60x128xi32, #tpu.memory_space<hbm>>
      %dma_wait3A_112 = tpu.memref_squeeze %dma_wait3A_111 : memref<1x1x60x128xi32, #tpu.memory_space<hbm>> -> memref<60x128xi32, #tpu.memory_space<hbm>>
      tpu.wait_dma2 semaphore(%run_scoped3A_97 : memref<!tpu.dma_semaphore, #tpu.memory_space<semaphore_mem>>) src(%dma_wait3A_112 : memref<60x128xi32, #tpu.memory_space<hbm>>) dst(%arg7 : memref<60x128xi32, #tpu.memory_space<vmem>>)
      tpu.yield
    }) : () -> ()
    %dma_start3A_60 = arith.constant 0 : i32
    %dma_start3A_61 = arith.constant 0 : i32
    %dma_start3A_62 = arith.constant 0 : i32
    %dma_start3A_63 = arith.constant 0 : i32
    %dma_start3A_64 = tpu.memref_slice %arg8[%dma_start3A_61, %dma_start3A_62, %dma_start3A_63] : memref<2x128x128xf32, #tpu.memory_space<vmem>> -> memref<1x128x128xf32, #tpu.memory_space<vmem>>
    %dma_start3A_65 = tpu.memref_squeeze %dma_start3A_64 : memref<1x128x128xf32, #tpu.memory_space<vmem>> -> memref<128x128xf32, #tpu.memory_space<vmem>>
    %dma_start3A_66 = arith.constant 0 : i32
    %dma_start3A_67 = tpu.memref_slice %arg6[%dma_start3A_60, %dma_start3A_66] : memref<60x128xi32, #tpu.memory_space<vmem>> -> memref<1x128xi32, #tpu.memory_space<vmem>>
    %dma_start3A_68 = tpu.memref_squeeze %dma_start3A_67 : memref<1x128xi32, #tpu.memory_space<vmem>> -> memref<128xi32, #tpu.memory_space<vmem>>
    %dma_start3A_69 = arith.constant 0 : i32
    %dma_start3A_70 = arith.constant 0 : i32
    %dma_start3A_71 = tpu.memref_slice %arg2[%dma_start3A_69, %dma_start3A_70] : memref<10240x128xf32, #tpu.memory_space<hbm>> -> memref<10240x128xf32, #tpu.memory_space<hbm>>
    tpu.enqueue_indirect_dma source(%dma_start3A_71 : memref<10240x128xf32, #tpu.memory_space<hbm>>) target(%dma_start3A_65 : memref<128x128xf32, #tpu.memory_space<vmem>>) offsets(%dma_start3A_68 : memref<128xi32, #tpu.memory_space<vmem>>) semaphore(%arg10 : memref<!tpu.dma_semaphore, #tpu.memory_space<semaphore_mem>>)
    %dma_start3A_72 = arith.constant 1 : i32
    %dma_start3A_73 = arith.constant 1 : i32
    %dma_start3A_74 = arith.constant 0 : i32
    %dma_start3A_75 = arith.constant 0 : i32
    %dma_start3A_76 = tpu.memref_slice %arg8[%dma_start3A_73, %dma_start3A_74, %dma_start3A_75] : memref<2x128x128xf32, #tpu.memory_space<vmem>> -> memref<1x128x128xf32, #tpu.memory_space<vmem>>
    %dma_start3A_77 = tpu.memref_squeeze %dma_start3A_76 : memref<1x128x128xf32, #tpu.memory_space<vmem>> -> memref<128x128xf32, #tpu.memory_space<vmem>>
    %dma_start3A_78 = arith.constant 0 : i32
    %dma_start3A_79 = tpu.memref_slice %arg6[%dma_start3A_72, %dma_start3A_78] : memref<60x128xi32, #tpu.memory_space<vmem>> -> memref<1x128xi32, #tpu.memory_space<vmem>>
    %dma_start3A_80 = tpu.memref_squeeze %dma_start3A_79 : memref<1x128xi32, #tpu.memory_space<vmem>> -> memref<128xi32, #tpu.memory_space<vmem>>
    %dma_start3A_81 = arith.constant 0 : i32
    %dma_start3A_82 = arith.constant 0 : i32
    %dma_start3A_83 = tpu.memref_slice %arg2[%dma_start3A_81, %dma_start3A_82] : memref<10240x128xf32, #tpu.memory_space<hbm>> -> memref<10240x128xf32, #tpu.memory_space<hbm>>
    tpu.enqueue_indirect_dma source(%dma_start3A_83 : memref<10240x128xf32, #tpu.memory_space<hbm>>) target(%dma_start3A_77 : memref<128x128xf32, #tpu.memory_space<vmem>>) offsets(%dma_start3A_80 : memref<128xi32, #tpu.memory_space<vmem>>) semaphore(%arg11 : memref<!tpu.dma_semaphore, #tpu.memory_space<semaphore_mem>>)
    %while3A_84 = arith.constant 0 : i32
    %while3A_85 = arith.constant 0 : i32
    %while3A_86 = arith.subi %select_n3A, %while3A_85 : i32
    %while3A_87 = arith.addi %while3A_85, %while3A_86 : i32
    %while3A_88 = arith.constant 1 : i32
    %while3A_89 = arith.divsi %while3A_86, %while3A_88 : i32
    %while3A_90 = arith.muli %while3A_89, %while3A_88 : i32
    %while3A_91 = arith.addi %while3A_85, %while3A_90 : i32
    %while3A_92 = arith.constant 1 : i32
    scf.for %while3A_97 = %while3A_85 to %while3A_91 step %while3A_92  : i32 {
      %mul3A_98 = arith.constant 2 : i32
      %mul3A_99 = arith.muli %mul3A_98, %while3A_97 : i32
      %dma_wait3A = arith.constant 0 : i32
      %dma_wait3A_100 = arith.constant 0 : i32
      %dma_wait3A_101 = arith.constant 0 : i32
      %dma_wait3A_102 = tpu.memref_slice %arg8[%dma_wait3A, %dma_wait3A_100, %dma_wait3A_101] : memref<2x128x128xf32, #tpu.memory_space<vmem>> -> memref<1x128x128xf32, #tpu.memory_space<vmem>>
      %dma_wait3A_103 = tpu.memref_squeeze %dma_wait3A_102 : memref<1x128x128xf32, #tpu.memory_space<vmem>> -> memref<128x128xf32, #tpu.memory_space<vmem>>
      %dma_wait3A_104 = arith.constant 0 : i32
      %dma_wait3A_105 = tpu.memref_slice %arg6[%mul3A_99, %dma_wait3A_104] : memref<60x128xi32, #tpu.memory_space<vmem>> -> memref<1x128xi32, #tpu.memory_space<vmem>>
      %dma_wait3A_106 = tpu.memref_squeeze %dma_wait3A_105 : memref<1x128xi32, #tpu.memory_space<vmem>> -> memref<128xi32, #tpu.memory_space<vmem>>
      %dma_wait3A_107 = arith.constant 0 : i32
      %dma_wait3A_108 = arith.constant 0 : i32
      %dma_wait3A_109 = tpu.memref_slice %arg2[%dma_wait3A_107, %dma_wait3A_108] : memref<10240x128xf32, #tpu.memory_space<hbm>> -> memref<10240x128xf32, #tpu.memory_space<hbm>>
      tpu.wait_indirect_dma semaphore(%arg10 : memref<!tpu.dma_semaphore, #tpu.memory_space<semaphore_mem>>) src(%dma_wait3A_109 : memref<10240x128xf32, #tpu.memory_space<hbm>>) dst(%dma_wait3A_103 : memref<128x128xf32, #tpu.memory_space<vmem>>)
      %run_scoped3A_110 = arith.constant 0 : i32
      "tpu.region"() ({
        %run_scoped3A_135 = tpu.sem_alloc : memref<!tpu.dma_semaphore, #tpu.memory_space<semaphore_mem>>
        %dma_start3A_136 = arith.constant 0 : i32
        %dma_start3A_137 = arith.constant 0 : i32
        %dma_start3A_138 = tpu.memref_slice %arg8[%run_scoped3A_110, %dma_start3A_136, %dma_start3A_137] : memref<2x128x128xf32, #tpu.memory_space<vmem>> -> memref<1x128x128xf32, #tpu.memory_space<vmem>>
        %dma_start3A_139 = tpu.memref_squeeze %dma_start3A_138 : memref<1x128x128xf32, #tpu.memory_space<vmem>> -> memref<128x128xf32, #tpu.memory_space<vmem>>
        %dma_start3A_140 = arith.constant 0 : i32
        %dma_start3A_141 = tpu.memref_slice %arg7[%mul3A_99, %dma_start3A_140] : memref<60x128xi32, #tpu.memory_space<vmem>> -> memref<1x128xi32, #tpu.memory_space<vmem>>
        %dma_start3A_142 = tpu.memref_squeeze %dma_start3A_141 : memref<1x128xi32, #tpu.memory_space<vmem>> -> memref<128xi32, #tpu.memory_space<vmem>>
        %dma_start3A_143 = arith.constant 0 : i32
        %dma_start3A_144 = arith.constant 0 : i32
        %dma_start3A_145 = tpu.memref_slice %arg9[%dma_start3A_143, %dma_start3A_144] : memref<10240x128xf32, #tpu.memory_space<vmem_shared>> -> memref<10240x128xf32, #tpu.memory_space<vmem_shared>>
        tpu.enqueue_indirect_dma source(%dma_start3A_139 : memref<128x128xf32, #tpu.memory_space<vmem>>) target(%dma_start3A_145 : memref<10240x128xf32, #tpu.memory_space<vmem_shared>>) offsets(%dma_start3A_142 : memref<128xi32, #tpu.memory_space<vmem>>) semaphore(%run_scoped3A_135 : memref<!tpu.dma_semaphore, #tpu.memory_space<semaphore_mem>>) {add = true}
        %dma_wait3A_146 = arith.constant 0 : i32
        %dma_wait3A_147 = arith.constant 0 : i32
        %dma_wait3A_148 = tpu.memref_slice %arg8[%run_scoped3A_110, %dma_wait3A_146, %dma_wait3A_147] : memref<2x128x128xf32, #tpu.memory_space<vmem>> -> memref<1x128x128xf32, #tpu.memory_space<vmem>>
        %dma_wait3A_149 = tpu.memref_squeeze %dma_wait3A_148 : memref<1x128x128xf32, #tpu.memory_space<vmem>> -> memref<128x128xf32, #tpu.memory_space<vmem>>
        %dma_wait3A_150 = arith.constant 0 : i32
        %dma_wait3A_151 = tpu.memref_slice %arg7[%mul3A_99, %dma_wait3A_150] : memref<60x128xi32, #tpu.memory_space<vmem>> -> memref<1x128xi32, #tpu.memory_space<vmem>>
        %dma_wait3A_152 = tpu.memref_squeeze %dma_wait3A_151 : memref<1x128xi32, #tpu.memory_space<vmem>> -> memref<128xi32, #tpu.memory_space<vmem>>
        %dma_wait3A_153 = arith.constant 0 : i32
        %dma_wait3A_154 = arith.constant 0 : i32
        %dma_wait3A_155 = tpu.memref_slice %arg9[%dma_wait3A_153, %dma_wait3A_154] : memref<10240x128xf32, #tpu.memory_space<vmem_shared>> -> memref<10240x128xf32, #tpu.memory_space<vmem_shared>>
        tpu.wait_indirect_dma semaphore(%run_scoped3A_135 : memref<!tpu.dma_semaphore, #tpu.memory_space<semaphore_mem>>) src(%dma_wait3A_149 : memref<128x128xf32, #tpu.memory_space<vmem>>) dst(%dma_wait3A_155 : memref<10240x128xf32, #tpu.memory_space<vmem_shared>>)
        tpu.yield
      }) : () -> ()
      %sub3A = arith.constant 1 : i32
      %sub3A_111 = arith.subi %select_n3A, %sub3A : i32
      %lt3A = arith.cmpi slt, %while3A_97, %sub3A_111 : i32
      %convert_element_type3A = arith.extui %lt3A : i1 to i32
      %cond3A = arith.constant 0 : i32
      %cond3A_112 = arith.cmpi ne, %convert_element_type3A, %cond3A : i32
      scf.if %cond3A_112 {
        %add3A_135 = arith.constant 2 : i32
        %add3A_136 = arith.addi %mul3A_99, %add3A_135 : i32
        %dma_start3A_137 = arith.constant 0 : i32
        %dma_start3A_138 = arith.constant 0 : i32
        %dma_start3A_139 = arith.constant 0 : i32
        %dma_start3A_140 = tpu.memref_slice %arg8[%dma_start3A_137, %dma_start3A_138, %dma_start3A_139] : memref<2x128x128xf32, #tpu.memory_space<vmem>> -> memref<1x128x128xf32, #tpu.memory_space<vmem>>
        %dma_start3A_141 = tpu.memref_squeeze %dma_start3A_140 : memref<1x128x128xf32, #tpu.memory_space<vmem>> -> memref<128x128xf32, #tpu.memory_space<vmem>>
        %dma_start3A_142 = arith.constant 0 : i32
        %dma_start3A_143 = tpu.memref_slice %arg6[%add3A_136, %dma_start3A_142] : memref<60x128xi32, #tpu.memory_space<vmem>> -> memref<1x128xi32, #tpu.memory_space<vmem>>
        %dma_start3A_144 = tpu.memref_squeeze %dma_start3A_143 : memref<1x128xi32, #tpu.memory_space<vmem>> -> memref<128xi32, #tpu.memory_space<vmem>>
        %dma_start3A_145 = arith.constant 0 : i32
        %dma_start3A_146 = arith.constant 0 : i32
        %dma_start3A_147 = tpu.memref_slice %arg2[%dma_start3A_145, %dma_start3A_146] : memref<10240x128xf32, #tpu.memory_space<hbm>> -> memref<10240x128xf32, #tpu.memory_space<hbm>>
        tpu.enqueue_indirect_dma source(%dma_start3A_147 : memref<10240x128xf32, #tpu.memory_space<hbm>>) target(%dma_start3A_141 : memref<128x128xf32, #tpu.memory_space<vmem>>) offsets(%dma_start3A_144 : memref<128xi32, #tpu.memory_space<vmem>>) semaphore(%arg10 : memref<!tpu.dma_semaphore, #tpu.memory_space<semaphore_mem>>)
      } else {
      }
      %add3A_113 = arith.constant 1 : i32
      %add3A_114 = arith.addi %mul3A_99, %add3A_113 : i32
      %dma_wait3A_115 = arith.constant 1 : i32
      %dma_wait3A_116 = arith.constant 0 : i32
      %dma_wait3A_117 = arith.constant 0 : i32
      %dma_wait3A_118 = tpu.memref_slice %arg8[%dma_wait3A_115, %dma_wait3A_116, %dma_wait3A_117] : memref<2x128x128xf32, #tpu.memory_space<vmem>> -> memref<1x128x128xf32, #tpu.memory_space<vmem>>
      %dma_wait3A_119 = tpu.memref_squeeze %dma_wait3A_118 : memref<1x128x128xf32, #tpu.memory_space<vmem>> -> memref<128x128xf32, #tpu.memory_space<vmem>>
      %dma_wait3A_120 = arith.constant 0 : i32
      %dma_wait3A_121 = tpu.memref_slice %arg6[%add3A_114, %dma_wait3A_120] : memref<60x128xi32, #tpu.memory_space<vmem>> -> memref<1x128xi32, #tpu.memory_space<vmem>>
      %dma_wait3A_122 = tpu.memref_squeeze %dma_wait3A_121 : memref<1x128xi32, #tpu.memory_space<vmem>> -> memref<128xi32, #tpu.memory_space<vmem>>
      %dma_wait3A_123 = arith.constant 0 : i32
      %dma_wait3A_124 = arith.constant 0 : i32
      %dma_wait3A_125 = tpu.memref_slice %arg2[%dma_wait3A_123, %dma_wait3A_124] : memref<10240x128xf32, #tpu.memory_space<hbm>> -> memref<10240x128xf32, #tpu.memory_space<hbm>>
      tpu.wait_indirect_dma semaphore(%arg11 : memref<!tpu.dma_semaphore, #tpu.memory_space<semaphore_mem>>) src(%dma_wait3A_125 : memref<10240x128xf32, #tpu.memory_space<hbm>>) dst(%dma_wait3A_119 : memref<128x128xf32, #tpu.memory_space<vmem>>)
      %add3A_126 = arith.constant 1 : i32
      %add3A_127 = arith.addi %mul3A_99, %add3A_126 : i32
      %run_scoped3A_128 = arith.constant 1 : i32
      "tpu.region"() ({
        %run_scoped3A_135 = tpu.sem_alloc : memref<!tpu.dma_semaphore, #tpu.memory_space<semaphore_mem>>
        %dma_start3A_136 = arith.constant 0 : i32
        %dma_start3A_137 = arith.constant 0 : i32
        %dma_start3A_138 = tpu.memref_slice %arg8[%run_scoped3A_128, %dma_start3A_136, %dma_start3A_137] : memref<2x128x128xf32, #tpu.memory_space<vmem>> -> memref<1x128x128xf32, #tpu.memory_space<vmem>>
        %dma_start3A_139 = tpu.memref_squeeze %dma_start3A_138 : memref<1x128x128xf32, #tpu.memory_space<vmem>> -> memref<128x128xf32, #tpu.memory_space<vmem>>
        %dma_start3A_140 = arith.constant 0 : i32
        %dma_start3A_141 = tpu.memref_slice %arg7[%add3A_127, %dma_start3A_140] : memref<60x128xi32, #tpu.memory_space<vmem>> -> memref<1x128xi32, #tpu.memory_space<vmem>>
        %dma_start3A_142 = tpu.memref_squeeze %dma_start3A_141 : memref<1x128xi32, #tpu.memory_space<vmem>> -> memref<128xi32, #tpu.memory_space<vmem>>
        %dma_start3A_143 = arith.constant 0 : i32
        %dma_start3A_144 = arith.constant 0 : i32
        %dma_start3A_145 = tpu.memref_slice %arg9[%dma_start3A_143, %dma_start3A_144] : memref<10240x128xf32, #tpu.memory_space<vmem_shared>> -> memref<10240x128xf32, #tpu.memory_space<vmem_shared>>
        tpu.enqueue_indirect_dma source(%dma_start3A_139 : memref<128x128xf32, #tpu.memory_space<vmem>>) target(%dma_start3A_145 : memref<10240x128xf32, #tpu.memory_space<vmem_shared>>) offsets(%dma_start3A_142 : memref<128xi32, #tpu.memory_space<vmem>>) semaphore(%run_scoped3A_135 : memref<!tpu.dma_semaphore, #tpu.memory_space<semaphore_mem>>) {add = true}
        %dma_wait3A_146 = arith.constant 0 : i32
        %dma_wait3A_147 = arith.constant 0 : i32
        %dma_wait3A_148 = tpu.memref_slice %arg8[%run_scoped3A_128, %dma_wait3A_146, %dma_wait3A_147] : memref<2x128x128xf32, #tpu.memory_space<vmem>> -> memref<1x128x128xf32, #tpu.memory_space<vmem>>
        %dma_wait3A_149 = tpu.memref_squeeze %dma_wait3A_148 : memref<1x128x128xf32, #tpu.memory_space<vmem>> -> memref<128x128xf32, #tpu.memory_space<vmem>>
        %dma_wait3A_150 = arith.constant 0 : i32
        %dma_wait3A_151 = tpu.memref_slice %arg7[%add3A_127, %dma_wait3A_150] : memref<60x128xi32, #tpu.memory_space<vmem>> -> memref<1x128xi32, #tpu.memory_space<vmem>>
        %dma_wait3A_152 = tpu.memref_squeeze %dma_wait3A_151 : memref<1x128xi32, #tpu.memory_space<vmem>> -> memref<128xi32, #tpu.memory_space<vmem>>
        %dma_wait3A_153 = arith.constant 0 : i32
        %dma_wait3A_154 = arith.constant 0 : i32
        %dma_wait3A_155 = tpu.memref_slice %arg9[%dma_wait3A_153, %dma_wait3A_154] : memref<10240x128xf32, #tpu.memory_space<vmem_shared>> -> memref<10240x128xf32, #tpu.memory_space<vmem_shared>>
        tpu.wait_indirect_dma semaphore(%run_scoped3A_135 : memref<!tpu.dma_semaphore, #tpu.memory_space<semaphore_mem>>) src(%dma_wait3A_149 : memref<128x128xf32, #tpu.memory_space<vmem>>) dst(%dma_wait3A_155 : memref<10240x128xf32, #tpu.memory_space<vmem_shared>>)
        tpu.yield
      }) : () -> ()
      %sub3A_129 = arith.constant 1 : i32
      %sub3A_130 = arith.subi %select_n3A, %sub3A_129 : i32
      %lt3A_131 = arith.cmpi slt, %while3A_97, %sub3A_130 : i32
      %convert_element_type3A_132 = arith.extui %lt3A_131 : i1 to i32
      %cond3A_133 = arith.constant 0 : i32
      %cond3A_134 = arith.cmpi ne, %convert_element_type3A_132, %cond3A_133 : i32
      scf.if %cond3A_134 {
        %add3A_135 = arith.constant 3 : i32
        %add3A_136 = arith.addi %mul3A_99, %add3A_135 : i32
        %dma_start3A_137 = arith.constant 1 : i32
        %dma_start3A_138 = arith.constant 0 : i32
        %dma_start3A_139 = arith.constant 0 : i32
        %dma_start3A_140 = tpu.memref_slice %arg8[%dma_start3A_137, %dma_start3A_138, %dma_start3A_139] : memref<2x128x128xf32, #tpu.memory_space<vmem>> -> memref<1x128x128xf32, #tpu.memory_space<vmem>>
        %dma_start3A_141 = tpu.memref_squeeze %dma_start3A_140 : memref<1x128x128xf32, #tpu.memory_space<vmem>> -> memref<128x128xf32, #tpu.memory_space<vmem>>
        %dma_start3A_142 = arith.constant 0 : i32
        %dma_start3A_143 = tpu.memref_slice %arg6[%add3A_136, %dma_start3A_142] : memref<60x128xi32, #tpu.memory_space<vmem>> -> memref<1x128xi32, #tpu.memory_space<vmem>>
        %dma_start3A_144 = tpu.memref_squeeze %dma_start3A_143 : memref<1x128xi32, #tpu.memory_space<vmem>> -> memref<128xi32, #tpu.memory_space<vmem>>
        %dma_start3A_145 = arith.constant 0 : i32
        %dma_start3A_146 = arith.constant 0 : i32
        %dma_start3A_147 = tpu.memref_slice %arg2[%dma_start3A_145, %dma_start3A_146] : memref<10240x128xf32, #tpu.memory_space<hbm>> -> memref<10240x128xf32, #tpu.memory_space<hbm>>
        tpu.enqueue_indirect_dma source(%dma_start3A_147 : memref<10240x128xf32, #tpu.memory_space<hbm>>) target(%dma_start3A_141 : memref<128x128xf32, #tpu.memory_space<vmem>>) offsets(%dma_start3A_144 : memref<128xi32, #tpu.memory_space<vmem>>) semaphore(%arg11 : memref<!tpu.dma_semaphore, #tpu.memory_space<semaphore_mem>>)
      } else {
      }
    }
    %while3A_93 = arith.constant 1 : i32
    scf.for %while3A_97 = %while3A_91 to %while3A_87 step %while3A_93  : i32 {
      %mul3A_98 = arith.constant 2 : i32
      %mul3A_99 = arith.muli %mul3A_98, %while3A_97 : i32
      %dma_wait3A = arith.constant 0 : i32
      %dma_wait3A_100 = arith.constant 0 : i32
      %dma_wait3A_101 = arith.constant 0 : i32
      %dma_wait3A_102 = tpu.memref_slice %arg8[%dma_wait3A, %dma_wait3A_100, %dma_wait3A_101] : memref<2x128x128xf32, #tpu.memory_space<vmem>> -> memref<1x128x128xf32, #tpu.memory_space<vmem>>
      %dma_wait3A_103 = tpu.memref_squeeze %dma_wait3A_102 : memref<1x128x128xf32, #tpu.memory_space<vmem>> -> memref<128x128xf32, #tpu.memory_space<vmem>>
      %dma_wait3A_104 = arith.constant 0 : i32
      %dma_wait3A_105 = tpu.memref_slice %arg6[%mul3A_99, %dma_wait3A_104] : memref<60x128xi32, #tpu.memory_space<vmem>> -> memref<1x128xi32, #tpu.memory_space<vmem>>
      %dma_wait3A_106 = tpu.memref_squeeze %dma_wait3A_105 : memref<1x128xi32, #tpu.memory_space<vmem>> -> memref<128xi32, #tpu.memory_space<vmem>>
      %dma_wait3A_107 = arith.constant 0 : i32
      %dma_wait3A_108 = arith.constant 0 : i32
      %dma_wait3A_109 = tpu.memref_slice %arg2[%dma_wait3A_107, %dma_wait3A_108] : memref<10240x128xf32, #tpu.memory_space<hbm>> -> memref<10240x128xf32, #tpu.memory_space<hbm>>
      tpu.wait_indirect_dma semaphore(%arg10 : memref<!tpu.dma_semaphore, #tpu.memory_space<semaphore_mem>>) src(%dma_wait3A_109 : memref<10240x128xf32, #tpu.memory_space<hbm>>) dst(%dma_wait3A_103 : memref<128x128xf32, #tpu.memory_space<vmem>>)
      %run_scoped3A_110 = arith.constant 0 : i32
      "tpu.region"() ({
        %run_scoped3A_135 = tpu.sem_alloc : memref<!tpu.dma_semaphore, #tpu.memory_space<semaphore_mem>>
        %dma_start3A_136 = arith.constant 0 : i32
        %dma_start3A_137 = arith.constant 0 : i32
        %dma_start3A_138 = tpu.memref_slice %arg8[%run_scoped3A_110, %dma_start3A_136, %dma_start3A_137] : memref<2x128x128xf32, #tpu.memory_space<vmem>> -> memref<1x128x128xf32, #tpu.memory_space<vmem>>
        %dma_start3A_139 = tpu.memref_squeeze %dma_start3A_138 : memref<1x128x128xf32, #tpu.memory_space<vmem>> -> memref<128x128xf32, #tpu.memory_space<vmem>>
        %dma_start3A_140 = arith.constant 0 : i32
        %dma_start3A_141 = tpu.memref_slice %arg7[%mul3A_99, %dma_start3A_140] : memref<60x128xi32, #tpu.memory_space<vmem>> -> memref<1x128xi32, #tpu.memory_space<vmem>>
        %dma_start3A_142 = tpu.memref_squeeze %dma_start3A_141 : memref<1x128xi32, #tpu.memory_space<vmem>> -> memref<128xi32, #tpu.memory_space<vmem>>
        %dma_start3A_143 = arith.constant 0 : i32
        %dma_start3A_144 = arith.constant 0 : i32
        %dma_start3A_145 = tpu.memref_slice %arg9[%dma_start3A_143, %dma_start3A_144] : memref<10240x128xf32, #tpu.memory_space<vmem_shared>> -> memref<10240x128xf32, #tpu.memory_space<vmem_shared>>
        tpu.enqueue_indirect_dma source(%dma_start3A_139 : memref<128x128xf32, #tpu.memory_space<vmem>>) target(%dma_start3A_145 : memref<10240x128xf32, #tpu.memory_space<vmem_shared>>) offsets(%dma_start3A_142 : memref<128xi32, #tpu.memory_space<vmem>>) semaphore(%run_scoped3A_135 : memref<!tpu.dma_semaphore, #tpu.memory_space<semaphore_mem>>) {add = true}
        %dma_wait3A_146 = arith.constant 0 : i32
        %dma_wait3A_147 = arith.constant 0 : i32
        %dma_wait3A_148 = tpu.memref_slice %arg8[%run_scoped3A_110, %dma_wait3A_146, %dma_wait3A_147] : memref<2x128x128xf32, #tpu.memory_space<vmem>> -> memref<1x128x128xf32, #tpu.memory_space<vmem>>
        %dma_wait3A_149 = tpu.memref_squeeze %dma_wait3A_148 : memref<1x128x128xf32, #tpu.memory_space<vmem>> -> memref<128x128xf32, #tpu.memory_space<vmem>>
        %dma_wait3A_150 = arith.constant 0 : i32
        %dma_wait3A_151 = tpu.memref_slice %arg7[%mul3A_99, %dma_wait3A_150] : memref<60x128xi32, #tpu.memory_space<vmem>> -> memref<1x128xi32, #tpu.memory_space<vmem>>
        %dma_wait3A_152 = tpu.memref_squeeze %dma_wait3A_151 : memref<1x128xi32, #tpu.memory_space<vmem>> -> memref<128xi32, #tpu.memory_space<vmem>>
        %dma_wait3A_153 = arith.constant 0 : i32
        %dma_wait3A_154 = arith.constant 0 : i32
        %dma_wait3A_155 = tpu.memref_slice %arg9[%dma_wait3A_153, %dma_wait3A_154] : memref<10240x128xf32, #tpu.memory_space<vmem_shared>> -> memref<10240x128xf32, #tpu.memory_space<vmem_shared>>
        tpu.wait_indirect_dma semaphore(%run_scoped3A_135 : memref<!tpu.dma_semaphore, #tpu.memory_space<semaphore_mem>>) src(%dma_wait3A_149 : memref<128x128xf32, #tpu.memory_space<vmem>>) dst(%dma_wait3A_155 : memref<10240x128xf32, #tpu.memory_space<vmem_shared>>)
        tpu.yield
      }) : () -> ()
      %sub3A = arith.constant 1 : i32
      %sub3A_111 = arith.subi %select_n3A, %sub3A : i32
      %lt3A = arith.cmpi slt, %while3A_97, %sub3A_111 : i32
      %convert_element_type3A = arith.extui %lt3A : i1 to i32
      %cond3A = arith.constant 0 : i32
      %cond3A_112 = arith.cmpi ne, %convert_element_type3A, %cond3A : i32
      scf.if %cond3A_112 {
        %add3A_135 = arith.constant 2 : i32
        %add3A_136 = arith.addi %mul3A_99, %add3A_135 : i32
        %dma_start3A_137 = arith.constant 0 : i32
        %dma_start3A_138 = arith.constant 0 : i32
        %dma_start3A_139 = arith.constant 0 : i32
        %dma_start3A_140 = tpu.memref_slice %arg8[%dma_start3A_137, %dma_start3A_138, %dma_start3A_139] : memref<2x128x128xf32, #tpu.memory_space<vmem>> -> memref<1x128x128xf32, #tpu.memory_space<vmem>>
        %dma_start3A_141 = tpu.memref_squeeze %dma_start3A_140 : memref<1x128x128xf32, #tpu.memory_space<vmem>> -> memref<128x128xf32, #tpu.memory_space<vmem>>
        %dma_start3A_142 = arith.constant 0 : i32
        %dma_start3A_143 = tpu.memref_slice %arg6[%add3A_136, %dma_start3A_142] : memref<60x128xi32, #tpu.memory_space<vmem>> -> memref<1x128xi32, #tpu.memory_space<vmem>>
        %dma_start3A_144 = tpu.memref_squeeze %dma_start3A_143 : memref<1x128xi32, #tpu.memory_space<vmem>> -> memref<128xi32, #tpu.memory_space<vmem>>
        %dma_start3A_145 = arith.constant 0 : i32
        %dma_start3A_146 = arith.constant 0 : i32
        %dma_start3A_147 = tpu.memref_slice %arg2[%dma_start3A_145, %dma_start3A_146] : memref<10240x128xf32, #tpu.memory_space<hbm>> -> memref<10240x128xf32, #tpu.memory_space<hbm>>
        tpu.enqueue_indirect_dma source(%dma_start3A_147 : memref<10240x128xf32, #tpu.memory_space<hbm>>) target(%dma_start3A_141 : memref<128x128xf32, #tpu.memory_space<vmem>>) offsets(%dma_start3A_144 : memref<128xi32, #tpu.memory_space<vmem>>) semaphore(%arg10 : memref<!tpu.dma_semaphore, #tpu.memory_space<semaphore_mem>>)
      } else {
      }
      %add3A_113 = arith.constant 1 : i32
      %add3A_114 = arith.addi %mul3A_99, %add3A_113 : i32
      %dma_wait3A_115 = arith.constant 1 : i32
      %dma_wait3A_116 = arith.constant 0 : i32
      %dma_wait3A_117 = arith.constant 0 : i32
      %dma_wait3A_118 = tpu.memref_slice %arg8[%dma_wait3A_115, %dma_wait3A_116, %dma_wait3A_117] : memref<2x128x128xf32, #tpu.memory_space<vmem>> -> memref<1x128x128xf32, #tpu.memory_space<vmem>>
      %dma_wait3A_119 = tpu.memref_squeeze %dma_wait3A_118 : memref<1x128x128xf32, #tpu.memory_space<vmem>> -> memref<128x128xf32, #tpu.memory_space<vmem>>
      %dma_wait3A_120 = arith.constant 0 : i32
      %dma_wait3A_121 = tpu.memref_slice %arg6[%add3A_114, %dma_wait3A_120] : memref<60x128xi32, #tpu.memory_space<vmem>> -> memref<1x128xi32, #tpu.memory_space<vmem>>
      %dma_wait3A_122 = tpu.memref_squeeze %dma_wait3A_121 : memref<1x128xi32, #tpu.memory_space<vmem>> -> memref<128xi32, #tpu.memory_space<vmem>>
      %dma_wait3A_123 = arith.constant 0 : i32
      %dma_wait3A_124 = arith.constant 0 : i32
      %dma_wait3A_125 = tpu.memref_slice %arg2[%dma_wait3A_123, %dma_wait3A_124] : memref<10240x128xf32, #tpu.memory_space<hbm>> -> memref<10240x128xf32, #tpu.memory_space<hbm>>
      tpu.wait_indirect_dma semaphore(%arg11 : memref<!tpu.dma_semaphore, #tpu.memory_space<semaphore_mem>>) src(%dma_wait3A_125 : memref<10240x128xf32, #tpu.memory_space<hbm>>) dst(%dma_wait3A_119 : memref<128x128xf32, #tpu.memory_space<vmem>>)
      %add3A_126 = arith.constant 1 : i32
      %add3A_127 = arith.addi %mul3A_99, %add3A_126 : i32
      %run_scoped3A_128 = arith.constant 1 : i32
      "tpu.region"() ({
        %run_scoped3A_135 = tpu.sem_alloc : memref<!tpu.dma_semaphore, #tpu.memory_space<semaphore_mem>>
        %dma_start3A_136 = arith.constant 0 : i32
        %dma_start3A_137 = arith.constant 0 : i32
        %dma_start3A_138 = tpu.memref_slice %arg8[%run_scoped3A_128, %dma_start3A_136, %dma_start3A_137] : memref<2x128x128xf32, #tpu.memory_space<vmem>> -> memref<1x128x128xf32, #tpu.memory_space<vmem>>
        %dma_start3A_139 = tpu.memref_squeeze %dma_start3A_138 : memref<1x128x128xf32, #tpu.memory_space<vmem>> -> memref<128x128xf32, #tpu.memory_space<vmem>>
        %dma_start3A_140 = arith.constant 0 : i32
        %dma_start3A_141 = tpu.memref_slice %arg7[%add3A_127, %dma_start3A_140] : memref<60x128xi32, #tpu.memory_space<vmem>> -> memref<1x128xi32, #tpu.memory_space<vmem>>
        %dma_start3A_142 = tpu.memref_squeeze %dma_start3A_141 : memref<1x128xi32, #tpu.memory_space<vmem>> -> memref<128xi32, #tpu.memory_space<vmem>>
        %dma_start3A_143 = arith.constant 0 : i32
        %dma_start3A_144 = arith.constant 0 : i32
        %dma_start3A_145 = tpu.memref_slice %arg9[%dma_start3A_143, %dma_start3A_144] : memref<10240x128xf32, #tpu.memory_space<vmem_shared>> -> memref<10240x128xf32, #tpu.memory_space<vmem_shared>>
        tpu.enqueue_indirect_dma source(%dma_start3A_139 : memref<128x128xf32, #tpu.memory_space<vmem>>) target(%dma_start3A_145 : memref<10240x128xf32, #tpu.memory_space<vmem_shared>>) offsets(%dma_start3A_142 : memref<128xi32, #tpu.memory_space<vmem>>) semaphore(%run_scoped3A_135 : memref<!tpu.dma_semaphore, #tpu.memory_space<semaphore_mem>>) {add = true}
        %dma_wait3A_146 = arith.constant 0 : i32
        %dma_wait3A_147 = arith.constant 0 : i32
        %dma_wait3A_148 = tpu.memref_slice %arg8[%run_scoped3A_128, %dma_wait3A_146, %dma_wait3A_147] : memref<2x128x128xf32, #tpu.memory_space<vmem>> -> memref<1x128x128xf32, #tpu.memory_space<vmem>>
        %dma_wait3A_149 = tpu.memref_squeeze %dma_wait3A_148 : memref<1x128x128xf32, #tpu.memory_space<vmem>> -> memref<128x128xf32, #tpu.memory_space<vmem>>
        %dma_wait3A_150 = arith.constant 0 : i32
        %dma_wait3A_151 = tpu.memref_slice %arg7[%add3A_127, %dma_wait3A_150] : memref<60x128xi32, #tpu.memory_space<vmem>> -> memref<1x128xi32, #tpu.memory_space<vmem>>
        %dma_wait3A_152 = tpu.memref_squeeze %dma_wait3A_151 : memref<1x128xi32, #tpu.memory_space<vmem>> -> memref<128xi32, #tpu.memory_space<vmem>>
        %dma_wait3A_153 = arith.constant 0 : i32
        %dma_wait3A_154 = arith.constant 0 : i32
        %dma_wait3A_155 = tpu.memref_slice %arg9[%dma_wait3A_153, %dma_wait3A_154] : memref<10240x128xf32, #tpu.memory_space<vmem_shared>> -> memref<10240x128xf32, #tpu.memory_space<vmem_shared>>
        tpu.wait_indirect_dma semaphore(%run_scoped3A_135 : memref<!tpu.dma_semaphore, #tpu.memory_space<semaphore_mem>>) src(%dma_wait3A_149 : memref<128x128xf32, #tpu.memory_space<vmem>>) dst(%dma_wait3A_155 : memref<10240x128xf32, #tpu.memory_space<vmem_shared>>)
        tpu.yield
      }) : () -> ()
      %sub3A_129 = arith.constant 1 : i32
      %sub3A_130 = arith.subi %select_n3A, %sub3A_129 : i32
      %lt3A_131 = arith.cmpi slt, %while3A_97, %sub3A_130 : i32
      %convert_element_type3A_132 = arith.extui %lt3A_131 : i1 to i32
      %cond3A_133 = arith.constant 0 : i32
      %cond3A_134 = arith.cmpi ne, %convert_element_type3A_132, %cond3A_133 : i32
      scf.if %cond3A_134 {
        %add3A_135 = arith.constant 3 : i32
        %add3A_136 = arith.addi %mul3A_99, %add3A_135 : i32
        %dma_start3A_137 = arith.constant 1 : i32
        %dma_start3A_138 = arith.constant 0 : i32
        %dma_start3A_139 = arith.constant 0 : i32
        %dma_start3A_140 = tpu.memref_slice %arg8[%dma_start3A_137, %dma_start3A_138, %dma_start3A_139] : memref<2x128x128xf32, #tpu.memory_space<vmem>> -> memref<1x128x128xf32, #tpu.memory_space<vmem>>
        %dma_start3A_141 = tpu.memref_squeeze %dma_start3A_140 : memref<1x128x128xf32, #tpu.memory_space<vmem>> -> memref<128x128xf32, #tpu.memory_space<vmem>>
        %dma_start3A_142 = arith.constant 0 : i32
        %dma_start3A_143 = tpu.memref_slice %arg6[%add3A_136, %dma_start3A_142] : memref<60x128xi32, #tpu.memory_space<vmem>> -> memref<1x128xi32, #tpu.memory_space<vmem>>
        %dma_start3A_144 = tpu.memref_squeeze %dma_start3A_143 : memref<1x128xi32, #tpu.memory_space<vmem>> -> memref<128xi32, #tpu.memory_space<vmem>>
        %dma_start3A_145 = arith.constant 0 : i32
        %dma_start3A_146 = arith.constant 0 : i32
        %dma_start3A_147 = tpu.memref_slice %arg2[%dma_start3A_145, %dma_start3A_146] : memref<10240x128xf32, #tpu.memory_space<hbm>> -> memref<10240x128xf32, #tpu.memory_space<hbm>>
        tpu.enqueue_indirect_dma source(%dma_start3A_147 : memref<10240x128xf32, #tpu.memory_space<hbm>>) target(%dma_start3A_141 : memref<128x128xf32, #tpu.memory_space<vmem>>) offsets(%dma_start3A_144 : memref<128xi32, #tpu.memory_space<vmem>>) semaphore(%arg11 : memref<!tpu.dma_semaphore, #tpu.memory_space<semaphore_mem>>)
      } else {
      }
    }
    %barrier3A_94 = arith.constant 0 : index
    tpu.barrier barrier_id(%barrier3A_94)
    %mul3A_95 = arith.constant 640 : i32
    %mul3A_96 = arith.muli %arg1, %mul3A_95 : i32
    "tpu.region"() ({
      %run_scoped3A_97 = tpu.sem_alloc : memref<!tpu.dma_semaphore, #tpu.memory_space<semaphore_mem>>
      %dma_start3A_98 = arith.constant 0 : i32
      %dma_start3A_99 = tpu.memref_slice %arg5[%arg0, %mul3A_96, %dma_start3A_98] : memref<2x10240x128xf32, #tpu.memory_space<hbm>> -> memref<1x640x128xf32, #tpu.memory_space<hbm>>
      %dma_start3A_100 = tpu.memref_squeeze %dma_start3A_99 : memref<1x640x128xf32, #tpu.memory_space<hbm>> -> memref<640x128xf32, #tpu.memory_space<hbm>>
      %dma_start3A_101 = arith.constant 0 : i32
      %dma_start3A_102 = tpu.memref_slice %arg9[%mul3A_96, %dma_start3A_101] : memref<10240x128xf32, #tpu.memory_space<vmem_shared>> -> memref<640x128xf32, #tpu.memory_space<vmem_shared>>
      tpu.enqueue_dma source(%dma_start3A_102 : memref<640x128xf32, #tpu.memory_space<vmem_shared>>) target(%dma_start3A_100 : memref<640x128xf32, #tpu.memory_space<hbm>>) target_semaphore(%run_scoped3A_97 : memref<!tpu.dma_semaphore, #tpu.memory_space<semaphore_mem>>)
      %dma_wait3A = arith.constant 0 : i32
      %dma_wait3A_103 = tpu.memref_slice %arg5[%arg0, %mul3A_96, %dma_wait3A] : memref<2x10240x128xf32, #tpu.memory_space<hbm>> -> memref<1x640x128xf32, #tpu.memory_space<hbm>>
      %dma_wait3A_104 = tpu.memref_squeeze %dma_wait3A_103 : memref<1x640x128xf32, #tpu.memory_space<hbm>> -> memref<640x128xf32, #tpu.memory_space<hbm>>
      %dma_wait3A_105 = arith.constant 0 : i32
      %dma_wait3A_106 = tpu.memref_slice %arg9[%mul3A_96, %dma_wait3A_105] : memref<10240x128xf32, #tpu.memory_space<vmem_shared>> -> memref<640x128xf32, #tpu.memory_space<vmem_shared>>
      tpu.wait_dma2 semaphore(%run_scoped3A_97 : memref<!tpu.dma_semaphore, #tpu.memory_space<semaphore_mem>>) src(%dma_wait3A_106 : memref<640x128xf32, #tpu.memory_space<vmem_shared>>) dst(%dma_wait3A_104 : memref<640x128xf32, #tpu.memory_space<hbm>>)
      tpu.yield
    }) : () -> ()
    return
  }
}

module attributes {stable_mosaic.version = 14 : i64} {
  func.func @_mm_body(%arg0: i32, %arg1: memref<2x1024x128xf32, #tpu.memory_space<vmem>>, %arg2: memref<128x128xf32, #tpu.memory_space<vmem>>, %arg3: memref<1x128xf32, #tpu.memory_space<vmem>>, %arg4: memref<1024x128xf32, #tpu.memory_space<vmem>>) attributes {dimension_semantics = [#tpu.dimension_semantics<arbitrary>], iteration_bounds = array<i64: 10>, scalar_prefetch = 0 : i64, scratch_operands = 0 : i64, tpu.core_type = #tpu.core_type<tc>, window_params = [{transform_indices = @transform_0, window_bounds = array<i64: 2, 1024, 128>}, {pipeline_mode = #tpu.pipeline_mode<synchronous>, transform_indices = @transform_1, window_bounds = array<i64: 128, 128>}, {pipeline_mode = #tpu.pipeline_mode<synchronous>, transform_indices = @transform_2, window_bounds = array<i64: 1, 128>}, {transform_indices = @transform_3, window_bounds = array<i64: 1024, 128>}]} {
    %get3A = arith.constant 0 : index
    %get3A_0 = arith.constant 0 : index
    %get3A_1 = arith.constant 0 : index
    %get3A_2 = vector.load %arg1[%get3A, %get3A_0, %get3A_1] : memref<2x1024x128xf32, #tpu.memory_space<vmem>>, vector<1x1024x128xf32>
    %get3A_3 = vector.shape_cast %get3A_2 : vector<1x1024x128xf32> to vector<1024x128xf32>
    %get3A_4 = arith.constant 1 : index
    %get3A_5 = arith.constant 0 : index
    %get3A_6 = arith.constant 0 : index
    %get3A_7 = vector.load %arg1[%get3A_4, %get3A_5, %get3A_6] : memref<2x1024x128xf32, #tpu.memory_space<vmem>>, vector<1x1024x128xf32>
    %get3A_8 = vector.shape_cast %get3A_7 : vector<1x1024x128xf32> to vector<1024x128xf32>
    %add3A = arith.addf %get3A_3, %get3A_8 : vector<1024x128xf32>
    %get3A_9 = arith.constant 0 : index
    %get3A_10 = arith.constant 0 : index
    %get3A_11 = vector.load %arg2[%get3A_9, %get3A_10] : memref<128x128xf32, #tpu.memory_space<vmem>>, vector<128x128xf32>
    %dot_general3A = arith.constant dense<0.000000e+00> : vector<1024x128xf32>
    %dot_general3A_12 = tpu.matmul %add3A, %get3A_11, %dot_general3A {dimension_numbers = #tpu.dot_dimension_numbers<[1], [0], [0], [1], [0, 0, 1, 1], [], []>, transpose_lhs_hint = false} : vector<1024x128xf32>, vector<128x128xf32>, vector<1024x128xf32> -> vector<1024x128xf32>
    %get3A_13 = arith.constant 0 : index
    %get3A_14 = arith.constant 0 : index
    %get3A_15 = vector.load %arg3[%get3A_13, %get3A_14] : memref<1x128xf32, #tpu.memory_space<vmem>>, vector<1x128xf32>
    %add3A_16 = vector.broadcast %get3A_15 : vector<1x128xf32> to vector<1024x128xf32>
    %add3A_17 = arith.addf %dot_general3A_12, %add3A_16 : vector<1024x128xf32>
    %max3A = arith.constant 0.000000e+00 : f32
    %max3A_18 = vector.broadcast %max3A : f32 to vector<1024x128xf32>
    %max3A_19 = arith.maximumf %add3A_17, %max3A_18 : vector<1024x128xf32>
    %swap3A = arith.constant 0 : index
    %swap3A_20 = arith.constant 0 : index
    %swap3A_21 = vector.load %arg4[%swap3A, %swap3A_20] : memref<1024x128xf32, #tpu.memory_space<vmem>>, vector<1024x128xf32>
    tpu.vector_store %arg4[%swap3A, %swap3A_20], %max3A_19 {strides = array<i32>} : memref<1024x128xf32, #tpu.memory_space<vmem>>, vector<1024x128xf32>,
    return
  }
  func.func @transform_0(%arg0: i32) -> (i32, i32, i32) {
    %c0_i32 = arith.constant 0 : i32
    %c0_i32_0 = arith.constant 0 : i32
    %c0_i32_1 = arith.constant 0 : i32
    return %c0_i32, %arg0, %c0_i32_0 : i32, i32, i32
  }
  func.func @transform_1(%arg0: i32) -> (i32, i32) {
    %c0_i32 = arith.constant 0 : i32
    %c0_i32_0 = arith.constant 0 : i32
    %c0_i32_1 = arith.constant 0 : i32
    return %c0_i32, %c0_i32_0 : i32, i32
  }
  func.func @transform_2(%arg0: i32) -> (i32, i32) {
    %c0_i32 = arith.constant 0 : i32
    %c0_i32_0 = arith.constant 0 : i32
    %c0_i32_1 = arith.constant 0 : i32
    return %c0_i32, %c0_i32_0 : i32, i32
  }
  func.func @transform_3(%arg0: i32) -> (i32, i32) {
    %c0_i32 = arith.constant 0 : i32
    %c0_i32_0 = arith.constant 0 : i32
    return %arg0, %c0_i32 : i32, i32
  }
}

module attributes {stable_mosaic.version = 14 : i64} {
  func.func @_mm_body(%arg0: i32, %arg1: memref<2x1024x128xf32, #tpu.memory_space<vmem>>, %arg2: memref<128x128xf32, #tpu.memory_space<vmem>>, %arg3: memref<1x128xf32, #tpu.memory_space<vmem>>, %arg4: memref<1024x128xf32, #tpu.memory_space<vmem>>) attributes {dimension_semantics = [#tpu.dimension_semantics<arbitrary>], iteration_bounds = array<i64: 10>, scalar_prefetch = 0 : i64, scratch_operands = 0 : i64, tpu.core_type = #tpu.core_type<tc>, window_params = [{transform_indices = @transform_0, window_bounds = array<i64: 2, 1024, 128>}, {pipeline_mode = #tpu.pipeline_mode<synchronous>, transform_indices = @transform_1, window_bounds = array<i64: 128, 128>}, {pipeline_mode = #tpu.pipeline_mode<synchronous>, transform_indices = @transform_2, window_bounds = array<i64: 1, 128>}, {transform_indices = @transform_3, window_bounds = array<i64: 1024, 128>}]} {
    %get3A = arith.constant 0 : index
    %get3A_0 = arith.constant 0 : index
    %get3A_1 = arith.constant 0 : index
    %get3A_2 = vector.load %arg1[%get3A, %get3A_0, %get3A_1] : memref<2x1024x128xf32, #tpu.memory_space<vmem>>, vector<1x1024x128xf32>
    %get3A_3 = vector.shape_cast %get3A_2 : vector<1x1024x128xf32> to vector<1024x128xf32>
    %get3A_4 = arith.constant 1 : index
    %get3A_5 = arith.constant 0 : index
    %get3A_6 = arith.constant 0 : index
    %get3A_7 = vector.load %arg1[%get3A_4, %get3A_5, %get3A_6] : memref<2x1024x128xf32, #tpu.memory_space<vmem>>, vector<1x1024x128xf32>
    %get3A_8 = vector.shape_cast %get3A_7 : vector<1x1024x128xf32> to vector<1024x128xf32>
    %add3A = arith.addf %get3A_3, %get3A_8 : vector<1024x128xf32>
    %get3A_9 = arith.constant 0 : index
    %get3A_10 = arith.constant 0 : index
    %get3A_11 = vector.load %arg2[%get3A_9, %get3A_10] : memref<128x128xf32, #tpu.memory_space<vmem>>, vector<128x128xf32>
    %dot_general3A = arith.constant dense<0.000000e+00> : vector<1024x128xf32>
    %dot_general3A_12 = tpu.matmul %add3A, %get3A_11, %dot_general3A {dimension_numbers = #tpu.dot_dimension_numbers<[1], [0], [0], [1], [0, 0, 1, 1], [], []>, transpose_lhs_hint = false} : vector<1024x128xf32>, vector<128x128xf32>, vector<1024x128xf32> -> vector<1024x128xf32>
    %get3A_13 = arith.constant 0 : index
    %get3A_14 = arith.constant 0 : index
    %get3A_15 = vector.load %arg3[%get3A_13, %get3A_14] : memref<1x128xf32, #tpu.memory_space<vmem>>, vector<1x128xf32>
    %add3A_16 = vector.broadcast %get3A_15 : vector<1x128xf32> to vector<1024x128xf32>
    %add3A_17 = arith.addf %dot_general3A_12, %add3A_16 : vector<1024x128xf32>
    %logistic3A = arith.negf %add3A_17 : vector<1024x128xf32>
    %logistic3A_18 = math.exp %logistic3A : vector<1024x128xf32>
    %logistic3A_19 = arith.constant 1.000000e+00 : f32
    %logistic3A_20 = vector.broadcast %logistic3A_19 : f32 to vector<1024x128xf32>
    %logistic3A_21 = arith.addf %logistic3A_20, %logistic3A_18 : vector<1024x128xf32>
    %logistic3A_22 = arith.divf %logistic3A_20, %logistic3A_21 : vector<1024x128xf32>
    %swap3A = arith.constant 0 : index
    %swap3A_23 = arith.constant 0 : index
    %swap3A_24 = vector.load %arg4[%swap3A, %swap3A_23] : memref<1024x128xf32, #tpu.memory_space<vmem>>, vector<1024x128xf32>
    tpu.vector_store %arg4[%swap3A, %swap3A_23], %logistic3A_22 {strides = array<i32>} : memref<1024x128xf32, #tpu.memory_space<vmem>>, vector<1024x128xf32>,
    return
  }
  func.func @transform_0(%arg0: i32) -> (i32, i32, i32) {
    %c0_i32 = arith.constant 0 : i32
    %c0_i32_0 = arith.constant 0 : i32
    %c0_i32_1 = arith.constant 0 : i32
    return %c0_i32, %arg0, %c0_i32_0 : i32, i32, i32
  }
  func.func @transform_1(%arg0: i32) -> (i32, i32) {
    %c0_i32 = arith.constant 0 : i32
    %c0_i32_0 = arith.constant 0 : i32
    %c0_i32_1 = arith.constant 0 : i32
    return %c0_i32, %c0_i32_0 : i32, i32
  }
  func.func @transform_2(%arg0: i32) -> (i32, i32) {
    %c0_i32 = arith.constant 0 : i32
    %c0_i32_0 = arith.constant 0 : i32
    %c0_i32_1 = arith.constant 0 : i32
    return %c0_i32, %c0_i32_0 : i32, i32
  }
  func.func @transform_3(%arg0: i32) -> (i32, i32) {
    %c0_i32 = arith.constant 0 : i32
    %c0_i32_0 = arith.constant 0 : i32
    return %arg0, %c0_i32 : i32, i32
  }
}

</mosaic_0001>

<sc_bundles>
// kernel: gather_offload_async_start.1
scs
__scs_entry_jumppad:
0x0: {  	(pc) =	sbr.rel $0x88, $3  }
0x1: {  	(tag) =	ssettag $0x0;
	lr =	simm.s32 $0x1  }
0x2: {  	[smem:$0x3F9B] =	sst lr;
	_ =	strace $0xD0000000  }
0x3: {  	_ = 	snop  }
0x4: {  	_ = 	snop  }
0x5: {  	_ = 	snop  }
0x6: {  	_ = 	snop  }
0x7: {  	_ = 	snop  }
__scs_overlays_trampoline_lowered:
0x8: {  	[smem:$0x3FAA] =	sst s0  }
0x9: {  	[smem:$0x3FAB] =	sst s1  }
0xa: {  	[smem:$0x3FAC] =	sst s2  }
0xb: {  	[smem:$0x3FAD] =	sst s3  }
0xc: {  	[smem:$0x3FAE] =	sst s4  }
0xd: {  	[smem:$0x3FAF] =	sst s5  }
0xe: {  	[smem:$0x3FB0] =	sst s6  }
0xf: {  	[smem:$0x3FB1] =	sst s7  }
0x10: {  	[smem:$0x3FB2] =	sst s8  }
0x11: {  	[smem:$0x3FB3] =	sst s9;
	s0 =	simm.s32 @!p0 $0x0  }
0x12: {  	s1 =	sld [smem:$0x3F99];
	s0 =	simm.s32 @p0 $0x1  }
0x13: {  	[smem:$0x3FB4] =	sst s0;
	s0 =	simm.s32 @!p1 $0x0  }
0x14: {  	s2 =	sld [smem:$0x3F98];
	s0 =	simm.s32 @p1 $0x1  }
0x15: {  	[smem:$0x3FB5] =	sst s0;
	s0 =	simm.s32 @!p2 $0x0  }
0x16: {  	s3 =	sld [smem:$0x3FDB];
	s0 =	simm.s32 @p2 $0x1  }
0x17: {  	s4 =	simm.s32 $0x1BF5;
	[smem:$0x3FB7] =	sst s0  }
0x18: {  	s0 =	sld [smem:$0x3F9A];
	_ =	swait.ge [sflag:s4], $0x0  }
0x19: {  	s7 =	sld [smem:$0x3F9B]  }
0x1a: {  	s8 =	sadd.s32 $0xFFFFE003, lr  }
0x1b: {  	s9 =	sadd.s32 $0xFFFFFEF7, lr;
	s5 =	simm.s32 $0xFFFFFFFF;
	p2 =	slt.u32 s8, $0xFFFFF086  }
0x1c: {  	p1 =	slt.u32 s9, $0xF7A;
	s5 =	simm.s32 @!p2 $0x0  }
0x1d: {  	s5 =	simm.s32 @p1 $0x1;
	p0 =	seq.s32 s7, s2  }
0x1e: {  	s7 =	smul.u32 @!p0 $0xF7A, s2;
	p2 =	seq.s32 @!p0 s5, $0x0  }
0x1f: {  	s9 =	smul.u32 $0xF7A, s1;
	s8 =	simm.s32 @!p0 $0x1BF5;
	p2 =	por !p2, p0  }
0x20: {  	[sflag:s8] =	ssyncset.s32 @!p0 $0xFFFFF086;
	s6 =	sadd.s32 @!p0 s3, s7;
	s7 =	simm.s32 @!p0 $0x108  }
0x21: {  	s3 =	sadd.s32 s3, s9;
	s6 =	sadd.s32 @!p0 $0x88, s6;
	s7 =	simm.s32 @p2 $0x1082  }
0x22: {  	[simem:s7], [sflag:s8] =	dma.local @!p0 [hbm:s6], $0xF7A  }
0x23: {  	s9 =	sor.u32 $0xD0000000, s2;
	s6 =	simm.s32 $0x108;
	_ =	swait.ge @!p0 [sflag:s8], $0x0  }
0x24: {  	s3 =	sadd.s32 $0x88, s3;
	s6 =	simm.s32 @!p1 $0x1082;
	[sflag:s4] =	ssyncset.s32 $0xFFFFF086  }
0x25: {  	[simem:s6], [sflag:s4] =	dma.local [hbm:s3], $0xF7A  }
0x26: {  	[smem:$0x3F9B] =	sst s1;
	(tag) =	ssettag s2;
	_ =	strace s9  }
0x27: {  	s1 =	sld [smem:$0x3FAB]  }
0x28: {  	s2 =	sld [smem:$0x3FAC]  }
0x29: {  	s4 =	sld [smem:$0x3FAE]  }
0x2a: {  	p0 =	seq.s32 s5, $0x0;
	s5 =	sld [smem:$0x3FAF]  }
0x2b: {  	s6 =	sld [smem:$0x3FB0]  }
0x2c: {  	s7 =	sld [smem:$0x3FB1]  }
0x2d: {  	s3 =	simm.s32 $0x108;
	s8 =	sld [smem:$0x3FB2]  }
0x2e: {  	s3 =	simm.s32 @!p0 $0x1082;
	s9 =	sld [smem:$0x3FB3]  }
0x2f: {  	lr =	sadd.s32 s0, s3;
	s0 =	sld [smem:$0x3FAA]  }
0x30: {  	s3 =	sld [smem:$0x3FAD]  }
0x31: {  	[smem:$0x3FB6] =	sst s10  }
0x32: {  	s10 =	sld [smem:$0x3FB4];
	_ =	sdelay $0x3  }
0x33: {  	p0 =	seq.s32 s10, $0x1;
	s10 =	sld [smem:$0x3FB6];
	_ =	sdelay $0x3  }
0x34: {  	[smem:$0x3FB6] =	sst s10  }
0x35: {  	s10 =	sld [smem:$0x3FB5];
	_ =	sdelay $0x3  }
0x36: {  	p1 =	seq.s32 s10, $0x1;
	s10 =	sld [smem:$0x3FB6];
	_ =	sdelay $0x3  }
0x37: {  	[smem:$0x3FB6] =	sst s10  }
0x38: {  	s10 =	sld [smem:$0x3FB7]  }
0x39: {  	_ = 	snop;
	(pc) =	sbr.ind lr, $3  }
0x3a: {  	_ = 	snop  }
0x3b: {  	_ = 	snop  }
0x3c: {  	p2 =	seq.s32 s10, $0x1;
	s10 =	sld [smem:$0x3FB6]  }
0x3d: {  	_ =	shalt  }
0x3e: {  	_ =	shalt  }
0x3f: {  	_ =	shalt  }
0x40: {  	_ =	shalt  }
0x41: {  	_ =	shalt  }
0x42: {  	_ =	shalt  }
0x43: {  	_ =	shalt  }
0x44: {  	_ =	shalt  }
0x45: {  	_ =	shalt  }
0x46: {  	_ =	shalt  }
0x47: {  	_ =	shalt  }
0x48: {  	_ =	shalt  }
0x49: {  	_ =	shalt  }
0x4a: {  	_ =	shalt  }
0x4b: {  	_ =	shalt  }
0x4c: {  	_ =	shalt  }
0x4d: {  	_ =	shalt  }
0x4e: {  	_ =	shalt  }
0x4f: {  	_ =	shalt  }
0x50: {  	_ =	shalt  }
0x51: {  	_ =	shalt  }
0x52: {  	_ =	shalt  }
0x53: {  	_ =	shalt  }
0x54: {  	_ =	shalt  }
0x55: {  	_ =	shalt  }
0x56: {  	_ =	shalt  }
0x57: {  	_ =	shalt  }
0x58: {  	_ =	shalt  }
0x59: {  	_ =	shalt  }
0x5a: {  	_ =	shalt  }
0x5b: {  	_ =	shalt  }
0x5c: {  	_ =	shalt  }
0x5d: {  	_ =	shalt  }
0x5e: {  	_ =	shalt  }
0x5f: {  	_ =	shalt  }
0x60: {  	_ =	shalt  }
0x61: {  	_ =	shalt  }
0x62: {  	_ =	shalt  }
0x63: {  	_ =	shalt  }
0x64: {  	_ =	shalt  }
0x65: {  	_ =	shalt  }
0x66: {  	_ =	shalt  }
0x67: {  	_ =	shalt  }
0x68: {  	_ =	shalt  }
0x69: {  	_ =	shalt  }
0x6a: {  	_ =	shalt  }
0x6b: {  	_ =	shalt  }
0x6c: {  	_ =	shalt  }
0x6d: {  	_ =	shalt  }
0x6e: {  	_ =	shalt  }
0x6f: {  	_ =	shalt  }
0x70: {  	_ =	shalt  }
0x71: {  	_ =	shalt  }
0x72: {  	_ =	shalt  }
0x73: {  	_ =	shalt  }
0x74: {  	_ =	shalt  }
0x75: {  	_ =	shalt  }
0x76: {  	_ =	shalt  }
0x77: {  	_ =	shalt  }
0x78: {  	_ =	shalt  }
0x79: {  	_ =	shalt  }
0x7a: {  	_ =	shalt  }
0x7b: {  	_ =	shalt  }
0x7c: {  	_ =	shalt  }
0x7d: {  	_ =	shalt  }
0x7e: {  	_ =	shalt  }
0x7f: {  	_ =	shalt  }
0x80: {  	_ =	shalt  }
0x81: {  	_ =	shalt  }
0x82: {  	_ =	shalt  }
0x83: {  	_ =	shalt  }
0x84: {  	_ =	shalt  }
0x85: {  	_ =	shalt  }
0x86: {  	_ =	shalt  }
0x87: {  	_ =	shalt  }
.Lfunc_end0:
.L_simem_size_0:
called_computation.1_lowered:
.L_overlay_start_0:
0x88: {  	s2 =	sld [smem:$0x3FD9]  }
0x89: {  	s3 =	sld [smem:$0x3FFE];
	_ =	sdelay $0x1  }
0x8a: {  	s1 =	srdreg.scid  }
0x8b: {  	s0 =	sand.u32 $0x1, s1  }
0x8c: {  	s17 =	sshll.u32 s0, $0xA;
	s2 =	sadd.s32 s3, s2  }
0x8d: {  	s2 =	sadd.s32 s2, s17  }
0x8e: {  	[smem:$0x3FC2] =	sst s2  }
0x8f: {  	_ = 	snop  }
0x90: {  	(tm) =	ssettm $0x1  }
0x91: {  	s18 =	sld [smem:$0x3FFB];
	_ =	sdelay $0x3  }
0x92: {  	_ =	strace s18  }
0x93: {  	s2 =	sld [smem:$0x3FFC];
	_ =	sdelay $0x3  }
0x94: {  	_ =	strace s2  }
0x95: {  	s2 =	sld [smem:$0x3FFD];
	_ =	sdelay $0x3  }
0x96: {  	_ =	strace s2  }
0x97: {  	_ =	strace $0x8FFFFFFF  }
0x98: {  	s19 =	sld [smem:$0x3FDB];
	_ =	sdelay $0x1  }
0x99: {  	s20 =	simm.s32 $_scs_section_size  }
0x9a: {  	s4 =	simm.s32 $_size__tile_overlayer_lowered;
	s5 =	simm.s32 $_tile_overlayer_lowered  }
0x9b: {  	s6 =	simm.s32 $0x1BFF;
	s21 =	sshll.u32 s5, $0x1;
	s3 =	sadd.s32 s20, s19  }
0x9c: {  	s22 =	simm.s32 $0x0;
	s4 =	sshll.u32 s4, $0x1;
	s5 =	sadd.s32 s21, s3  }
0x9d: {  	[timem:s22], [sflag:s6] =	dma.local [hbm:s5], s4  }
0x9e: {  	_ =	swait.ge [sflag:s6], s4  }
0x9f: {  	s4 =	ssub.s32 $0x0, s4;
	[sflag:s6] =	ssyncset.done $0x0  }
0xa0: {  	[sflag:s6] =	ssyncadd.s32 s4;
	_ =	sdelay $0x1  }
0xa1: {  	s23 =	simm.s32 $0x1B8B  }
0xa2: {  	_ =	swait.ge [sflag:s23], $0x1  }
0xa3: {  	[sflag:s23] =	ssyncset.done $0x0  }
0xa4: {  	[sflag:s23] =	ssyncadd.s32 $0xFFFFFFFF  }
0xa5: {  	s4 =	sld [smem:$0x0]  }
0xa6: {  	s5 =	sand.u32 $0xFFFFFFFE, s1  }
0xa7: {  	p0 =	sne.s32 s1, s5  }
0xa8: {  	s5 =	sshll.u32 @p0 s5, $0xE  }
0xa9: {  	s5 =	sadd.s32 @p0 $0x11B8D, s5;
	s6 =	sshll.u32 @p0 s4, $0x11  }
0xaa: {  	s5 =	sor.u32 @p0 s6, s5  }
0xab: {  	[sflag:s5] =	ssyncadd.remote.s32 @p0 $0x1;
	_ =	sdelay $0x1  }
0xac: {  	s5 =	simm.s32 @p0 $0x1B8D  }
0xad: {  	_ =	swait.eq @p0 [sflag:s5], $0x1  }
0xae: {  	[sflag:s5] =	ssyncadd.s32 @p0 $0xFFFFFFFF  }
0xaf: {  	s6 =	sshll.u32 @!p0 s1, $0xE  }
0xb0: {  	s6 =	sor.u32 @!p0 $0x4000, s6;
	s5 =	simm.s32 @!p0 $0x1B8D  }
0xb1: {  	s4 =	sshll.u32 @!p0 s4, $0x11;
	s6 =	sadd.s32 @!p0 $0x11B8D, s6;
	_ =	swait.eq @!p0 [sflag:s5], $0x1  }
0xb2: {  	s4 =	sor.u32 @!p0 s4, s6;
	[sflag:s5] =	ssyncadd.s32 @!p0 $0xFFFFFFFF  }
0xb3: {  	s25 =	simm.s32 $0x1B8E;
	s24 =	sld [smem:$0x3FFE];
	[sflag:s4] =	ssyncadd.remote.s32 @!p0 $0x1  }
0xb4: {  	s26 =	simm.s32 $execute0_lowered;
	[smem:$0x3FD2] =	sst s25  }
0xb5: {  	s5 =	sshll.u32 s26, $0x1;
	_ =	strace $0x80000049;
	[dreg:$0x1] =	wrdreg $0xFFFFFFFF  }
0xb6: {  	s28 =	simm.s32 $_size_execute0_lowered;
	s3 =	sadd.s32 s3, s5;
	[dreg:$0x0] =	wrdreg $0x0  }
0xb7: {  	s5 =	sshll.u32 s28, $0x1;
	[dreg:$0x2] =	wrdreg s3  }
0xb8: {  	[dreg:$0x3] =	wrdreg s5  }
0xb9: {  	[dreg:$0x4] =	wrdreg $0xC0  }
0xba: {  	_ =	task [dreg:s22], $0x5FFFF  }
0xbb: {  	[dreg:$0x1] =	wrdreg $0xFFFFFFFF  }
0xbc: {  	[dreg:$0x0] =	wrdreg $0x60  }
0xbd: {  	[dreg:$0x2] =	wrdreg s24  }
0xbe: {  	[dreg:$0x3] =	wrdreg $0xA  }
0xbf: {  	_ =	task.clear_ibuf [dreg:s22], $0x4FFFF;
	_ =	strace $0x90000049  }
0xc0: {  	s29 =	simm.s32 $0xA;
	_ =	strace $0x8000004B  }
0xc1: {  	_ =	swait.ge [sflag:s29], $0x1  }
0xc2: {  	[sflag:s29] =	ssyncadd.s32 $0xFFFFFFFF  }
0xc3: {  	_ =	strace $0x9000004B  }
0xc4: {  	_ =	sfence  }
0xc5: {  	s30 =	sld [smem:$0x0];
	_ =	sdelay $0x2  }
0xc6: {  	s31 =	sshll.u32 s1, $0xD;
	s1 =	sshrl.u32 s1, $0x2  }
0xc7: {  	s4 =	sand.u32 $0x4000, s31;
	s1 =	sadd.s32 s1, s30  }
0xc8: {  	s0 =	sor.u32 s4, s0;
	s1 =	sshll.u32 s1, $0x11  }
0xc9: {  	s0 =	sor.u32 s1, s0  }
0xca: {  	s0 =	sadd.s32 $0x8F2B, s0  }
0xcb: {  	[sflag:s0] =	ssyncadd.remote.s32 $0x1  }
0xcc: {  	_ =	sfence.sel $0xFFFF  }
0xcd: {  	[dreg:$0x0] =	wrdreg $0xFFFFFFFF;
	(pc) =	sbr.abs _section_cstart, $3  }
0xce: {  	[dreg:$0x1] =	wrdreg $0xFFFFFFFF  }
0xcf: {  	_ =	task.clear_ibuf [dreg:s22], $0x2FFFF;
	_ =	strace $0x9FFFFFFF  }
0xd0: {  	(tm) =	ssettm $0x7FFFFFFF  }
0xd1: {  	_ =	shalt  }
tec
execute0_lowered:
.L_overlay_start_1:
0x0: {  	(tag) =	ssettag $0x1  }
0x1: {  	s8 =	rddreg [dreg:$0x0];
	s1 =	stileid.u32  }
0x2: {  	s2 =	srdreg.scid;
	s0 =	rddreg [dreg:$0x1]  }
0x3: {  	_ =	strace $0x8000004A;
	s5 =	simm.s32 $0x1;
	s9 =	simm.s32 $0x1  }
0x4: {  	s10 =	simm.s32 $0x3;
	s2 =	sand.u32 $0x1, s2;
	s3 =	sshll.u32 s1, $0x1  }
0x5: {  	s13 =	simm.s32 $0x0;
	s12 =	simm.s32 $0x0;
	s6 =	sor.u32 s3, s2  }
0x6: {  	[sflag:s5] =	ssyncpa.u1 $0x0;
	s2 =	sadd.s32 $0x29A00, s8;
	s4 =	smul.u32 $0x3000, s6  }
0x7: {  	s3 =	sadd.s32 $0x1C00, s8;
	p0 =	slt.u32 s6, $0x9;
	s6 =	simm.s32 $0x60000  }
.Ltmp0:
0x8: {  	s6 =	simm.s32 @!p0 $0x0;
	s7 =	ssub.s32 $0x78000, s4;
	(pc) =	sbr.rel .LBB2_1-.Ltmp0, $4  }
0x9: {  	s9 =	simm.s32 @!p0 $0x0;
	p0 =	sne.s32 s7, s6;
	s7 =	simm.s32 $0x1  }
0xa: {  	s8 =	sadd.s32 $0x33C00, s8;
	s6 =	simm.s32 $0x2;
	s7 =	simm.s32 @!p0 $0x0  }
0xb: {  	s11 =	smov.u32 s4;
	[sflag:s6] =	ssyncpa.u1 $0x0;
	s7 =	sadd.s32 s9, s7  }
0xc: {  	vm0 =	vmmov $0xffff;
	[sflag:s10] =	ssyncpa.u1 $0x0;
	s10 =	simm.s32 $0x0;
	s9 =	sadd.s32 $0x1, s7  }
.LBB2_4:
0xd: {  	v2 =	vnsel vm1, $0x0, v2  }
0xe: {  	vm1 =	vgt.s32 v0, $0x0;
	v2 =	vmin.u32 v2, $0x50000  }
0xf: {  	v0 =	vnsel vm1, $0x0, v0  }
0x10: {  	v0 =	vmin.u32 v0, $0x50000  }
0x11: {  	[tilespmem:s18], [sflag:$0x1] =	stream.indirect_vreg.gather [hbm4b:s2+s10], $0x1, v1, vm0, $0x4038;
	[tilespmem:$0xC000] =	vst v63  }
0x12: {  	(ifvalue) =	ssetifvalue $0x7FFFFFFF  }
0x13: {  	[tilespmem:s15], [sflag:$0x1] =	stream.indirect_vreg.gather [hbm4b:s2+s10], $0x1, v2, vm0, $0x4038;
	[tilespmem:$0xC000] =	vst v63  }
0x14: {  	s29 =	sadd.s32 $0x10, s15;
	(ifvalue) =	ssetifvalue $0x7FFFFFFF  }
0x15: {  	[tilespmem:s29], [sflag:$0x1] =	stream.indirect_vreg.gather [hbm4b:s2+s10], $0x1, v0, vm0, $0x4038;
	[tilespmem:$0xC000] =	vst v63  }
0x16: {  	_ =	swait.ge [sflag:s5], $0x3000  }
0x17: {  	s30 =	sshrl.u32 s13, $0x3;
	[sflag:s5] =	ssyncset.done $0x0  }
0x18: {  	s31 =	sand.u32 $0x7, s13;
	s15 =	sadd.s32 s8, s30;
	[sflag:s5] =	ssyncadd.s32 $0xFFFFD000  }
0x19: {  	[hbm4b:s15+s31] =	stream.linear.scatter [tilespmem:s14], [sflag:$0x3], $0x3000, $0x38;
	[tilespmem:$0xC000] =	vst v63  }
.LBB2_5:
0x1a: {  	s15 =	sadd.s32 $0x60000, s11  }
0x1b: {  	p1 =	sgt.s32 s15, $0x77FFF  }
0x1c: {  	s15 =	smov.u32 @p1 s4;
	p1 =	sne.s32 s12, s9  }
.Ltmp1:
0x1d: {  	p0 =	slt.u32 s12, $0x2;
	(pc) =	sbr.rel @!p1 .LBB2_6-.Ltmp1, $4  }
0x1e: {  	s14 =	simm.s32 @!p0 $0x3  }
0x1f: {  	_ =	swait.ge @!p0 [sflag:s14], $0x3000  }
0x20: {  	s16 =	sadd.s32 $0x1, s12;
	s13 =	smov.u32 s11;
	[sflag:s14] =	ssyncset.done @!p0 $0x0  }
0x21: {  	s12 =	smov.u32 s16;
	s11 =	smov.u32 s15;
	[sflag:s14] =	ssyncadd.s32 @!p0 $0xFFFFD000  }
.LBB2_1:
0x22: {  	p0 =	sge.u32 s12, s7  }
0x23: {  	s14 =	sxor.u32 @!p0 $0x1, s12  }
0x24: {  	s14 =	smul.u32 @!p0 $0xC000, s14  }
0x25: {  	s31 =	sadd.s32 $0xFFFFFFFF, s12;
	s15 =	sshrl.u32 @!p0 s11, $0x3  }
0x26: {  	s16 =	sand.u32 @!p0 $0x7, s11;
	s15 =	sadd.s32 @!p0 s3, s15;
	s14 =	sshra.s32 @!p0 s14, $0x2  }
0x27: {  	[tilespmem:s14], [sflag:$0x2] =	stream.linear.gather @!p0 [hbm4b:s15+s16], $0x3000, $0x38;
	[tilespmem:$0xC000] =	vst v63  }
0x28: {  	p0 =	sge.u32 s31, s7  }
.Ltmp2:
0x29: {  	_ = 	snop;
	(pc) =	sbr.rel @p0 .LBB2_5-.Ltmp2, $1  }
0x2a: {  	_ =	sdelay $0x3  }
0x2b: {  	s14 =	sand.u32 $0x1, s12  }
0x2c: {  	_ =	swait.ge [sflag:s6], $0x3000;
	p0 =	seq.s32 s14, $0x1;
	s14 =	simm.s32 $0x3000  }
0x2d: {  	[sflag:s6] =	ssyncset.done $0x0;
	s14 =	simm.s32 @!p0 $0x0  }
0x2e: {  	[sflag:s6] =	ssyncadd.s32 $0xFFFFD000;
	(ifvalue) =	ssetifvalue $0x7FFFFFFF;
	v0 =	vld.msk [tilespmem:s14+$0x0 ss:$0x1], $0xffff;
	_ =	sdelay $0x4  }
0x2f: {  	s15 =	sadd.s32 $0x10, s14;
	vm1 =	vgt.s32 v0, $0x0  }
0x30: {  	v2 =	vld.msk [tilespmem:s15+$0x0 ss:$0x1], $0xffff;
	v1 =	vnsel vm1, $0x0, v0  }
0x31: {  	v1 =	vmin.u32 v1, $0x50000;
	_ =	sdelay $0x2  }
0x32: {  	s17 =	simm.s32 $0x20;
	s14 =	sadd.s32 $0x6000, s14;
	s16 =	sadd.s32 $0x10, s15  }
0x33: {  	s15 =	sadd.s32 $0x10, s14;
	s18 =	smov.u32 s14;
	v0 =	vld.msk [tilespmem:s16+$0x0 ss:$0x1], $0xffff;
	vm1 =	vgt.s32 v2, $0x0;
	(ifvalue) =	ssetifvalue $0x7FFFFFFF  }
.LBB2_3:
0x34: {  	[tilespmem:s18], [sflag:$0x1] =	stream.indirect_vreg.gather [hbm4b:s2+s10], $0x1, v1, vm0, $0x4038;
	[tilespmem:$0xC000] =	vst v63  }
0x35: {  	s17 =	sadd.s32 $0x10, s17  }
0x36: {  	v2 =	vnsel vm1, $0x0, v2;
	p0 =	slt.u32 s17, $0x2FF0  }
.Ltmp3:
0x37: {  	s18 =	smov.u32 s15;
	v1 =	vmin.u32 v2, $0x50000;
	(pc) =	sbr.rel @p0 .LBB2_3-.Ltmp3, $3  }
0x38: {  	_ =	sdelay $0x1  }
0x39: {  	s16 =	sadd.s32 $0x10, s16  }
0x3a: {  	vm1 =	vgt.s32 v0, $0x0;
	s15 =	sadd.s32 $0x10, s15;
	v2 =	vmov v0;
	(ifvalue) =	ssetifvalue $0x7FFFFFFF;
	v0 =	vld.msk [tilespmem:s16+$0x0 ss:$0x1], $0xffff  }
.Ltmp4:
0x3b: {  	_ = 	snop;
	(pc) =	sbr.rel .LBB2_4-.Ltmp4, $1  }
0x3c: {  	_ =	sdelay $0x3  }
.LBB2_6:
0x3d: {  	_ =	sfence.sel $0x180000  }
0x3e: {  	s2 =	simm.s32 $0x2;
	[bflag:$0x0] =	sbarrier.arrive $0xFFFF  }
0x3f: {  	s30 =	simm.s32 $0x3;
	[sflag:s2] =	ssyncpa.u1 $0x1  }
0x40: {  	s31 =	simm.s32 $0x1;
	[sflag:s30] =	ssyncpa.u1 $0x1  }
0x41: {  	[sflag:s31] =	ssyncpa.u1 $0x1  }
0x42: {  	p0 =	sne.s32 s1, $0x0;
	_ =	strace $0x9000004A  }
0x43: {  	s0 =	sadd.s32 @!p0 $0x100000, s0;
	[bflag:$0x2] =	sbarrier.arrive $0xFFFF  }
0x44: {  	[sflag:s0] =	ssyncadd.tile.s32 @!p0 $0x1;
	_ =	shalt  }
.Lfunc_end2:
_tile_overlayer_lowered:
.L_overlay_start_2:
0x45: {  	(tag) =	ssettag $0x2  }
0x46: {  	s0 =	rddreg [dreg:$0x0];
	s2 =	stileid.u32  }
0x47: {  	s1 =	rddreg [dreg:$0x1];
	p0 =	sne.s32 s2, $0x0  }
0x48: {  	s3 =	rddreg [dreg:$0x2];
	[bflag:$0x3] =	sbarrier.arrive $0xFFFF;
	s2 =	simm.s32 @!p0 $0x1C01  }
0x49: {  	[timem:s3], [sflag:s2] =	dma.local @!p0 [hbm:s0], s1  }
0x4a: {  	s0 =	simm.s32 @!p0 $0x1  }
0x4b: {  	_ =	swait.ge @!p0 [sflag:s0], s1  }
0x4c: {  	s1 =	ssub.s32 @!p0 $0x0, s1;
	[sflag:s0] =	ssyncset.done @!p0 $0x0  }
0x4d: {  	[sflag:s0] =	ssyncadd.s32 @!p0 s1  }
0x4e: {  	[bflag:$0x3] =	sbarrier.arrive $0xFFFF  }
0x4f: {  	_ =	shalt  }

// kernel: gather_offload_async_start
scs
__scs_entry_jumppad:
0x0: {  	(pc) =	sbr.rel $0x88, $3  }
0x1: {  	(tag) =	ssettag $0x0;
	lr =	simm.s32 $0x1  }
0x2: {  	[smem:$0x3F9B] =	sst lr;
	_ =	strace $0xD0000000  }
0x3: {  	_ = 	snop  }
0x4: {  	_ = 	snop  }
0x5: {  	_ = 	snop  }
0x6: {  	_ = 	snop  }
0x7: {  	_ = 	snop  }
__scs_overlays_trampoline_lowered:
0x8: {  	[smem:$0x3FAA] =	sst s0  }
0x9: {  	[smem:$0x3FAB] =	sst s1  }
0xa: {  	[smem:$0x3FAC] =	sst s2  }
0xb: {  	[smem:$0x3FAD] =	sst s3  }
0xc: {  	[smem:$0x3FAE] =	sst s4  }
0xd: {  	[smem:$0x3FAF] =	sst s5  }
0xe: {  	[smem:$0x3FB0] =	sst s6  }
0xf: {  	[smem:$0x3FB1] =	sst s7  }
0x10: {  	[smem:$0x3FB2] =	sst s8  }
0x11: {  	[smem:$0x3FB3] =	sst s9;
	s0 =	simm.s32 @!p0 $0x0  }
0x12: {  	s1 =	sld [smem:$0x3F99];
	s0 =	simm.s32 @p0 $0x1  }
0x13: {  	[smem:$0x3FB4] =	sst s0;
	s0 =	simm.s32 @!p1 $0x0  }
0x14: {  	s2 =	sld [smem:$0x3F98];
	s0 =	simm.s32 @p1 $0x1  }
0x15: {  	[smem:$0x3FB5] =	sst s0;
	s0 =	simm.s32 @!p2 $0x0  }
0x16: {  	s3 =	sld [smem:$0x3FDB];
	s0 =	simm.s32 @p2 $0x1  }
0x17: {  	s4 =	simm.s32 $0x1BF5;
	[smem:$0x3FB7] =	sst s0  }
0x18: {  	s0 =	sld [smem:$0x3F9A];
	_ =	swait.ge [sflag:s4], $0x0  }
0x19: {  	s7 =	sld [smem:$0x3F9B]  }
0x1a: {  	s8 =	sadd.s32 $0xFFFFE003, lr  }
0x1b: {  	s9 =	sadd.s32 $0xFFFFFEF7, lr;
	s5 =	simm.s32 $0xFFFFFFFF;
	p2 =	slt.u32 s8, $0xFFFFF086  }
0x1c: {  	p1 =	slt.u32 s9, $0xF7A;
	s5 =	simm.s32 @!p2 $0x0  }
0x1d: {  	s5 =	simm.s32 @p1 $0x1;
	p0 =	seq.s32 s7, s2  }
0x1e: {  	s7 =	smul.u32 @!p0 $0xF7A, s2;
	p2 =	seq.s32 @!p0 s5, $0x0  }
0x1f: {  	s9 =	smul.u32 $0xF7A, s1;
	s8 =	simm.s32 @!p0 $0x1BF5;
	p2 =	por !p2, p0  }
0x20: {  	[sflag:s8] =	ssyncset.s32 @!p0 $0xFFFFF086;
	s6 =	sadd.s32 @!p0 s3, s7;
	s7 =	simm.s32 @!p0 $0x108  }
0x21: {  	s3 =	sadd.s32 s3, s9;
	s6 =	sadd.s32 @!p0 $0x88, s6;
	s7 =	simm.s32 @p2 $0x1082  }
0x22: {  	[simem:s7], [sflag:s8] =	dma.local @!p0 [hbm:s6], $0xF7A  }
0x23: {  	s9 =	sor.u32 $0xD0000000, s2;
	s6 =	simm.s32 $0x108;
	_ =	swait.ge @!p0 [sflag:s8], $0x0  }
0x24: {  	s3 =	sadd.s32 $0x88, s3;
	s6 =	simm.s32 @!p1 $0x1082;
	[sflag:s4] =	ssyncset.s32 $0xFFFFF086  }
0x25: {  	[simem:s6], [sflag:s4] =	dma.local [hbm:s3], $0xF7A  }
0x26: {  	[smem:$0x3F9B] =	sst s1;
	(tag) =	ssettag s2;
	_ =	strace s9  }
0x27: {  	s1 =	sld [smem:$0x3FAB]  }
0x28: {  	s2 =	sld [smem:$0x3FAC]  }
0x29: {  	s4 =	sld [smem:$0x3FAE]  }
0x2a: {  	p0 =	seq.s32 s5, $0x0;
	s5 =	sld [smem:$0x3FAF]  }
0x2b: {  	s6 =	sld [smem:$0x3FB0]  }
0x2c: {  	s7 =	sld [smem:$0x3FB1]  }
0x2d: {  	s3 =	simm.s32 $0x108;
	s8 =	sld [smem:$0x3FB2]  }
0x2e: {  	s3 =	simm.s32 @!p0 $0x1082;
	s9 =	sld [smem:$0x3FB3]  }
0x2f: {  	lr =	sadd.s32 s0, s3;
	s0 =	sld [smem:$0x3FAA]  }
0x30: {  	s3 =	sld [smem:$0x3FAD]  }
0x31: {  	[smem:$0x3FB6] =	sst s10  }
0x32: {  	s10 =	sld [smem:$0x3FB4];
	_ =	sdelay $0x3  }
0x33: {  	p0 =	seq.s32 s10, $0x1;
	s10 =	sld [smem:$0x3FB6];
	_ =	sdelay $0x3  }
0x34: {  	[smem:$0x3FB6] =	sst s10  }
0x35: {  	s10 =	sld [smem:$0x3FB5];
	_ =	sdelay $0x3  }
0x36: {  	p1 =	seq.s32 s10, $0x1;
	s10 =	sld [smem:$0x3FB6];
	_ =	sdelay $0x3  }
0x37: {  	[smem:$0x3FB6] =	sst s10  }
0x38: {  	s10 =	sld [smem:$0x3FB7]  }
0x39: {  	_ = 	snop;
	(pc) =	sbr.ind lr, $3  }
0x3a: {  	_ = 	snop  }
0x3b: {  	_ = 	snop  }
0x3c: {  	p2 =	seq.s32 s10, $0x1;
	s10 =	sld [smem:$0x3FB6]  }
0x3d: {  	_ =	shalt  }
0x3e: {  	_ =	shalt  }
0x3f: {  	_ =	shalt  }
0x40: {  	_ =	shalt  }
0x41: {  	_ =	shalt  }
0x42: {  	_ =	shalt  }
0x43: {  	_ =	shalt  }
0x44: {  	_ =	shalt  }
0x45: {  	_ =	shalt  }
0x46: {  	_ =	shalt  }
0x47: {  	_ =	shalt  }
0x48: {  	_ =	shalt  }
0x49: {  	_ =	shalt  }
0x4a: {  	_ =	shalt  }
0x4b: {  	_ =	shalt  }
0x4c: {  	_ =	shalt  }
0x4d: {  	_ =	shalt  }
0x4e: {  	_ =	shalt  }
0x4f: {  	_ =	shalt  }
0x50: {  	_ =	shalt  }
0x51: {  	_ =	shalt  }
0x52: {  	_ =	shalt  }
0x53: {  	_ =	shalt  }
0x54: {  	_ =	shalt  }
0x55: {  	_ =	shalt  }
0x56: {  	_ =	shalt  }
0x57: {  	_ =	shalt  }
0x58: {  	_ =	shalt  }
0x59: {  	_ =	shalt  }
0x5a: {  	_ =	shalt  }
0x5b: {  	_ =	shalt  }
0x5c: {  	_ =	shalt  }
0x5d: {  	_ =	shalt  }
0x5e: {  	_ =	shalt  }
0x5f: {  	_ =	shalt  }
0x60: {  	_ =	shalt  }
0x61: {  	_ =	shalt  }
0x62: {  	_ =	shalt  }
0x63: {  	_ =	shalt  }
0x64: {  	_ =	shalt  }
0x65: {  	_ =	shalt  }
0x66: {  	_ =	shalt  }
0x67: {  	_ =	shalt  }
0x68: {  	_ =	shalt  }
0x69: {  	_ =	shalt  }
0x6a: {  	_ =	shalt  }
0x6b: {  	_ =	shalt  }
0x6c: {  	_ =	shalt  }
0x6d: {  	_ =	shalt  }
0x6e: {  	_ =	shalt  }
0x6f: {  	_ =	shalt  }
0x70: {  	_ =	shalt  }
0x71: {  	_ =	shalt  }
0x72: {  	_ =	shalt  }
0x73: {  	_ =	shalt  }
0x74: {  	_ =	shalt  }
0x75: {  	_ =	shalt  }
0x76: {  	_ =	shalt  }
0x77: {  	_ =	shalt  }
0x78: {  	_ =	shalt  }
0x79: {  	_ =	shalt  }
0x7a: {  	_ =	shalt  }
0x7b: {  	_ =	shalt  }
0x7c: {  	_ =	shalt  }
0x7d: {  	_ =	shalt  }
0x7e: {  	_ =	shalt  }
0x7f: {  	_ =	shalt  }
0x80: {  	_ =	shalt  }
0x81: {  	_ =	shalt  }
0x82: {  	_ =	shalt  }
0x83: {  	_ =	shalt  }
0x84: {  	_ =	shalt  }
0x85: {  	_ =	shalt  }
0x86: {  	_ =	shalt  }
0x87: {  	_ =	shalt  }
.Lfunc_end0:
.L_simem_size_0:
called_computation_lowered:
.L_overlay_start_0:
0x88: {  	s2 =	sld [smem:$0x3FD9]  }
0x89: {  	s3 =	sld [smem:$0x3FFE];
	_ =	sdelay $0x1  }
0x8a: {  	s1 =	srdreg.scid  }
0x8b: {  	s0 =	sand.u32 $0x1, s1  }
0x8c: {  	s17 =	sshll.u32 s0, $0xA;
	s2 =	sadd.s32 s3, s2  }
0x8d: {  	s2 =	sadd.s32 s2, s17  }
0x8e: {  	[smem:$0x3FC2] =	sst s2  }
0x8f: {  	_ = 	snop  }
0x90: {  	s2 =	sld [smem:$0x3FD0];
	(tm) =	ssettm $0x1  }
0x91: {  	s18 =	sld [smem:$0x3FFB];
	_ =	sdelay $0x3  }
0x92: {  	_ =	strace s18  }
0x93: {  	s3 =	sld [smem:$0x3FFC];
	_ =	sdelay $0x3  }
0x94: {  	_ =	strace s3  }
0x95: {  	s3 =	sld [smem:$0x3FFD];
	_ =	sdelay $0x3  }
0x96: {  	_ =	strace s3  }
0x97: {  	_ =	strace $0x8FFFFFFF  }
0x98: {  	s19 =	sld [smem:$0x3FDB];
	_ =	sdelay $0x1  }
0x99: {  	s4 =	simm.s32 $_scs_section_size  }
0x9a: {  	s5 =	simm.s32 $_size__tile_overlayer_lowered;
	s6 =	simm.s32 $_tile_overlayer_lowered  }
0x9b: {  	s22 =	simm.s32 $0x1BFF;
	s21 =	sshll.u32 s6, $0x1;
	s3 =	sadd.s32 s4, s19  }
0x9c: {  	s7 =	simm.s32 $0x0;
	s20 =	sshll.u32 s5, $0x1;
	s5 =	sadd.s32 s21, s3  }
0x9d: {  	[timem:s7], [sflag:s22] =	dma.local [hbm:s5], s20  }
0x9e: {  	_ =	swait.ge [sflag:s22], s20  }
0x9f: {  	s4 =	ssub.s32 $0x0, s20;
	[sflag:s22] =	ssyncset.done $0x0  }
0xa0: {  	[sflag:s22] =	ssyncadd.s32 s4;
	_ =	sdelay $0x1  }
0xa1: {  	s23 =	simm.s32 $0x1B8B  }
0xa2: {  	_ =	swait.ge [sflag:s23], $0x1  }
0xa3: {  	[sflag:s23] =	ssyncset.done $0x0  }
0xa4: {  	s25 =	simm.s32 $0x1B8E;
	s24 =	sld [smem:$0x3FFE];
	[sflag:s23] =	ssyncadd.s32 $0xFFFFFFFF  }
0xa5: {  	s26 =	simm.s32 $execute0_lowered;
	[smem:$0x3FD2] =	sst s25  }
0xa6: {  	s5 =	sshll.u32 s26, $0x1;
	_ =	strace $0x80000046;
	[dreg:$0x1] =	wrdreg $0xFFFFFFFF  }
0xa7: {  	s28 =	simm.s32 $_size_execute0_lowered;
	s3 =	sadd.s32 s3, s5;
	[dreg:$0x0] =	wrdreg $0x0  }
0xa8: {  	s5 =	sshll.u32 s28, $0x1;
	[dreg:$0x2] =	wrdreg s3  }
0xa9: {  	[dreg:$0x3] =	wrdreg s5  }
0xaa: {  	[dreg:$0x4] =	wrdreg $0xC0  }
0xab: {  	_ =	task [dreg:s7], $0x5FFFF  }
0xac: {  	[dreg:$0x1] =	wrdreg $0xFFFFFFFF  }
0xad: {  	[dreg:$0x0] =	wrdreg $0x60  }
0xae: {  	[dreg:$0x2] =	wrdreg s2  }
0xaf: {  	[dreg:$0x3] =	wrdreg s24  }
0xb0: {  	[dreg:$0x4] =	wrdreg $0x9  }
0xb1: {  	_ =	task.clear_ibuf [dreg:s7], $0x5FFFF;
	_ =	strace $0x90000046  }
0xb2: {  	s29 =	simm.s32 $0x9;
	_ =	strace $0x80000048  }
0xb3: {  	_ =	swait.ge [sflag:s29], $0x1  }
0xb4: {  	[sflag:s29] =	ssyncadd.s32 $0xFFFFFFFF  }
0xb5: {  	_ =	strace $0x90000048  }
0xb6: {  	_ =	sfence  }
0xb7: {  	s30 =	sld [smem:$0x0];
	_ =	sdelay $0x2  }
0xb8: {  	s31 =	sshll.u32 s1, $0xD;
	s1 =	sshrl.u32 s1, $0x2  }
0xb9: {  	s3 =	sand.u32 $0x4000, s31;
	s1 =	sadd.s32 s1, s30  }
0xba: {  	s0 =	sor.u32 s3, s0;
	s1 =	sshll.u32 s1, $0x11  }
0xbb: {  	s0 =	sor.u32 s1, s0  }
0xbc: {  	s0 =	sadd.s32 $0x8F2B, s0  }
0xbd: {  	[sflag:s0] =	ssyncadd.remote.s32 $0x1  }
0xbe: {  	_ =	sfence.sel $0xFFFF  }
0xbf: {  	[dreg:$0x0] =	wrdreg $0xFFFFFFFF;
	(pc) =	sbr.abs _section_cstart, $3  }
0xc0: {  	[dreg:$0x1] =	wrdreg $0xFFFFFFFF  }
0xc1: {  	_ =	task.clear_ibuf [dreg:s7], $0x2FFFF;
	_ =	strace $0x9FFFFFFF  }
0xc2: {  	(tm) =	ssettm $0x7FFFFFFF  }
0xc3: {  	_ =	shalt  }
tec
execute0_lowered:
.L_overlay_start_1:
0x0: {  	(tag) =	ssettag $0x1  }
0x1: {  	s2 =	rddreg [dreg:$0x0];
	s0 =	stileid.u32  }
0x2: {  	s1 =	srdreg.scid;
	s8 =	rddreg [dreg:$0x1]  }
0x3: {  	s5 =	simm.s32 $0x1;
	s9 =	simm.s32 $0x1;
	s10 =	simm.s32 $0x3  }
0x4: {  	s13 =	simm.s32 $0x0;
	s3 =	sand.u32 $0x1, s1;
	s4 =	sshll.u32 s0, $0x1  }
0x5: {  	s12 =	simm.s32 $0x0;
	s1 =	rddreg [dreg:$0x2];
	s6 =	sor.u32 s4, s3  }
0x6: {  	_ =	strace $0x80000047;
	s3 =	sadd.s32 $0x1C00, s8;
	s4 =	smul.u32 $0x3000, s6  }
0x7: {  	[sflag:s5] =	ssyncpa.u1 $0x0;
	p0 =	slt.u32 s6, $0x9;
	s6 =	simm.s32 $0x60000  }
.Ltmp0:
0x8: {  	s6 =	simm.s32 @!p0 $0x0;
	s7 =	ssub.s32 $0x78000, s4;
	(pc) =	sbr.rel .LBB2_1-.Ltmp0, $4  }
0x9: {  	s9 =	simm.s32 @!p0 $0x0;
	p0 =	sne.s32 s7, s6;
	s7 =	simm.s32 $0x1  }
0xa: {  	s8 =	sadd.s32 $0x1AA00, s8;
	s6 =	simm.s32 $0x2;
	s7 =	simm.s32 @!p0 $0x0  }
0xb: {  	s11 =	smov.u32 s4;
	[sflag:s6] =	ssyncpa.u1 $0x0;
	s7 =	sadd.s32 s9, s7  }
0xc: {  	vm0 =	vmmov $0xffff;
	[sflag:s10] =	ssyncpa.u1 $0x0;
	s10 =	simm.s32 $0x0;
	s9 =	sadd.s32 $0x1, s7  }
.LBB2_4:
0xd: {  	v2 =	vnsel vm1, $0x0, v2  }
0xe: {  	vm1 =	vgt.s32 v0, $0x0;
	v2 =	vmin.u32 v2, $0x50000  }
0xf: {  	v0 =	vnsel vm1, $0x0, v0  }
0x10: {  	v0 =	vmin.u32 v0, $0x50000  }
0x11: {  	[tilespmem:s18], [sflag:$0x1] =	stream.indirect_vreg.gather [hbm4b:s2+s10], $0x1, v1, vm0, $0x4038;
	[tilespmem:$0xC000] =	vst v63  }
0x12: {  	(ifvalue) =	ssetifvalue $0x7FFFFFFF  }
0x13: {  	[tilespmem:s15], [sflag:$0x1] =	stream.indirect_vreg.gather [hbm4b:s2+s10], $0x1, v2, vm0, $0x4038;
	[tilespmem:$0xC000] =	vst v63  }
0x14: {  	s29 =	sadd.s32 $0x10, s15;
	(ifvalue) =	ssetifvalue $0x7FFFFFFF  }
0x15: {  	[tilespmem:s29], [sflag:$0x1] =	stream.indirect_vreg.gather [hbm4b:s2+s10], $0x1, v0, vm0, $0x4038;
	[tilespmem:$0xC000] =	vst v63  }
0x16: {  	_ =	swait.ge [sflag:s5], $0x3000  }
0x17: {  	s30 =	sshrl.u32 s13, $0x3;
	[sflag:s5] =	ssyncset.done $0x0  }
0x18: {  	s31 =	sand.u32 $0x7, s13;
	s15 =	sadd.s32 s8, s30;
	[sflag:s5] =	ssyncadd.s32 $0xFFFFD000  }
0x19: {  	[hbm4b:s15+s31] =	stream.linear.scatter [tilespmem:s14], [sflag:$0x3], $0x3000, $0x38;
	[tilespmem:$0xC000] =	vst v63  }
.LBB2_5:
0x1a: {  	s15 =	sadd.s32 $0x60000, s11  }
0x1b: {  	p1 =	sgt.s32 s15, $0x77FFF  }
0x1c: {  	s15 =	smov.u32 @p1 s4;
	p1 =	sne.s32 s12, s9  }
.Ltmp1:
0x1d: {  	p0 =	slt.u32 s12, $0x2;
	(pc) =	sbr.rel @!p1 .LBB2_6-.Ltmp1, $4  }
0x1e: {  	s14 =	simm.s32 @!p0 $0x3  }
0x1f: {  	_ =	swait.ge @!p0 [sflag:s14], $0x3000  }
0x20: {  	s16 =	sadd.s32 $0x1, s12;
	s13 =	smov.u32 s11;
	[sflag:s14] =	ssyncset.done @!p0 $0x0  }
0x21: {  	s12 =	smov.u32 s16;
	s11 =	smov.u32 s15;
	[sflag:s14] =	ssyncadd.s32 @!p0 $0xFFFFD000  }
.LBB2_1:
0x22: {  	p0 =	sge.u32 s12, s7  }
0x23: {  	s14 =	sxor.u32 @!p0 $0x1, s12  }
0x24: {  	s14 =	smul.u32 @!p0 $0xC000, s14  }
0x25: {  	s31 =	sadd.s32 $0xFFFFFFFF, s12;
	s15 =	sshrl.u32 @!p0 s11, $0x3  }
0x26: {  	s16 =	sand.u32 @!p0 $0x7, s11;
	s15 =	sadd.s32 @!p0 s3, s15;
	s14 =	sshra.s32 @!p0 s14, $0x2  }
0x27: {  	[tilespmem:s14], [sflag:$0x2] =	stream.linear.gather @!p0 [hbm4b:s15+s16], $0x3000, $0x38;
	[tilespmem:$0xC000] =	vst v63  }
0x28: {  	p0 =	sge.u32 s31, s7  }
.Ltmp2:
0x29: {  	_ = 	snop;
	(pc) =	sbr.rel @p0 .LBB2_5-.Ltmp2, $1  }
0x2a: {  	_ =	sdelay $0x3  }
0x2b: {  	s14 =	sand.u32 $0x1, s12  }
0x2c: {  	_ =	swait.ge [sflag:s6], $0x3000;
	p0 =	seq.s32 s14, $0x1;
	s14 =	simm.s32 $0x3000  }
0x2d: {  	[sflag:s6] =	ssyncset.done $0x0;
	s14 =	simm.s32 @!p0 $0x0  }
0x2e: {  	[sflag:s6] =	ssyncadd.s32 $0xFFFFD000;
	(ifvalue) =	ssetifvalue $0x7FFFFFFF;
	v0 =	vld.msk [tilespmem:s14+$0x0 ss:$0x1], $0xffff;
	_ =	sdelay $0x4  }
0x2f: {  	s15 =	sadd.s32 $0x10, s14;
	vm1 =	vgt.s32 v0, $0x0  }
0x30: {  	v2 =	vld.msk [tilespmem:s15+$0x0 ss:$0x1], $0xffff;
	v1 =	vnsel vm1, $0x0, v0  }
0x31: {  	v1 =	vmin.u32 v1, $0x50000;
	_ =	sdelay $0x2  }
0x32: {  	s17 =	simm.s32 $0x20;
	s14 =	sadd.s32 $0x6000, s14;
	s16 =	sadd.s32 $0x10, s15  }
0x33: {  	s15 =	sadd.s32 $0x10, s14;
	s18 =	smov.u32 s14;
	v0 =	vld.msk [tilespmem:s16+$0x0 ss:$0x1], $0xffff;
	vm1 =	vgt.s32 v2, $0x0;
	(ifvalue) =	ssetifvalue $0x7FFFFFFF  }
.LBB2_3:
0x34: {  	[tilespmem:s18], [sflag:$0x1] =	stream.indirect_vreg.gather [hbm4b:s2+s10], $0x1, v1, vm0, $0x4038;
	[tilespmem:$0xC000] =	vst v63  }
0x35: {  	s17 =	sadd.s32 $0x10, s17  }
0x36: {  	v2 =	vnsel vm1, $0x0, v2;
	p0 =	slt.u32 s17, $0x2FF0  }
.Ltmp3:
0x37: {  	s18 =	smov.u32 s15;
	v1 =	vmin.u32 v2, $0x50000;
	(pc) =	sbr.rel @p0 .LBB2_3-.Ltmp3, $3  }
0x38: {  	_ =	sdelay $0x1  }
0x39: {  	s16 =	sadd.s32 $0x10, s16  }
0x3a: {  	vm1 =	vgt.s32 v0, $0x0;
	s15 =	sadd.s32 $0x10, s15;
	v2 =	vmov v0;
	(ifvalue) =	ssetifvalue $0x7FFFFFFF;
	v0 =	vld.msk [tilespmem:s16+$0x0 ss:$0x1], $0xffff  }
.Ltmp4:
0x3b: {  	_ = 	snop;
	(pc) =	sbr.rel .LBB2_4-.Ltmp4, $1  }
0x3c: {  	_ =	sdelay $0x3  }
.LBB2_6:
0x3d: {  	_ =	sfence.sel $0x180000  }
0x3e: {  	s2 =	simm.s32 $0x2;
	[bflag:$0x0] =	sbarrier.arrive $0xFFFF  }
0x3f: {  	s30 =	simm.s32 $0x3;
	[sflag:s2] =	ssyncpa.u1 $0x1  }
0x40: {  	s31 =	simm.s32 $0x1;
	[sflag:s30] =	ssyncpa.u1 $0x1  }
0x41: {  	[sflag:s31] =	ssyncpa.u1 $0x1  }
0x42: {  	p0 =	sne.s32 s0, $0x0;
	_ =	strace $0x90000047  }
0x43: {  	s0 =	sadd.s32 @!p0 $0x100000, s1;
	[bflag:$0x2] =	sbarrier.arrive $0xFFFF  }
0x44: {  	[sflag:s0] =	ssyncadd.tile.s32 @!p0 $0x1;
	_ =	shalt  }
.Lfunc_end2:
_tile_overlayer_lowered:
.L_overlay_start_2:
0x45: {  	(tag) =	ssettag $0x2  }
0x46: {  	s0 =	rddreg [dreg:$0x0];
	s2 =	stileid.u32  }
0x47: {  	s1 =	rddreg [dreg:$0x1];
	p0 =	sne.s32 s2, $0x0  }
0x48: {  	s3 =	rddreg [dreg:$0x2];
	[bflag:$0x3] =	sbarrier.arrive $0xFFFF;
	s2 =	simm.s32 @!p0 $0x1C01  }
0x49: {  	[timem:s3], [sflag:s2] =	dma.local @!p0 [hbm:s0], s1  }
0x4a: {  	s0 =	simm.s32 @!p0 $0x1  }
0x4b: {  	_ =	swait.ge @!p0 [sflag:s0], s1  }
0x4c: {  	s1 =	ssub.s32 @!p0 $0x0, s1;
	[sflag:s0] =	ssyncset.done @!p0 $0x0  }
0x4d: {  	[sflag:s0] =	ssyncadd.s32 @!p0 s1  }
0x4e: {  	[bflag:$0x3] =	sbarrier.arrive $0xFFFF  }
0x4f: {  	_ =	shalt  }

// kernel: kernel.6.cloned.1.call-start
scs
__scs_entry_jumppad:
0x0: {  	(pc) =	sbr.rel $0x88, $3  }
0x1: {  	(tag) =	ssettag $0x0;
	lr =	simm.s32 $0x1  }
0x2: {  	[smem:$0x3F9B] =	sst lr;
	_ =	strace $0xD0000000  }
0x3: {  	_ = 	snop  }
0x4: {  	_ = 	snop  }
0x5: {  	_ = 	snop  }
0x6: {  	_ = 	snop  }
0x7: {  	_ = 	snop  }
__scs_overlays_trampoline_lowered:
0x8: {  	[smem:$0x3FAA] =	sst s0  }
0x9: {  	[smem:$0x3FAB] =	sst s1  }
0xa: {  	[smem:$0x3FAC] =	sst s2  }
0xb: {  	[smem:$0x3FAD] =	sst s3  }
0xc: {  	[smem:$0x3FAE] =	sst s4  }
0xd: {  	[smem:$0x3FAF] =	sst s5  }
0xe: {  	[smem:$0x3FB0] =	sst s6  }
0xf: {  	[smem:$0x3FB1] =	sst s7  }
0x10: {  	[smem:$0x3FB2] =	sst s8  }
0x11: {  	[smem:$0x3FB3] =	sst s9;
	s0 =	simm.s32 @!p0 $0x0  }
0x12: {  	s1 =	sld [smem:$0x3F99];
	s0 =	simm.s32 @p0 $0x1  }
0x13: {  	[smem:$0x3FB4] =	sst s0;
	s0 =	simm.s32 @!p1 $0x0  }
0x14: {  	s2 =	sld [smem:$0x3F98];
	s0 =	simm.s32 @p1 $0x1  }
0x15: {  	[smem:$0x3FB5] =	sst s0;
	s0 =	simm.s32 @!p2 $0x0  }
0x16: {  	s3 =	sld [smem:$0x3FDB];
	s0 =	simm.s32 @p2 $0x1  }
0x17: {  	s4 =	simm.s32 $0x1BF5;
	[smem:$0x3FB7] =	sst s0  }
0x18: {  	s0 =	sld [smem:$0x3F9A];
	_ =	swait.ge [sflag:s4], $0x0  }
0x19: {  	s7 =	sld [smem:$0x3F9B]  }
0x1a: {  	s8 =	sadd.s32 $0xFFFFE003, lr  }
0x1b: {  	s9 =	sadd.s32 $0xFFFFFEF7, lr;
	s5 =	simm.s32 $0xFFFFFFFF;
	p2 =	slt.u32 s8, $0xFFFFF086  }
0x1c: {  	p1 =	slt.u32 s9, $0xF7A;
	s5 =	simm.s32 @!p2 $0x0  }
0x1d: {  	s5 =	simm.s32 @p1 $0x1;
	p0 =	seq.s32 s7, s2  }
0x1e: {  	s7 =	smul.u32 @!p0 $0xF7A, s2;
	p2 =	seq.s32 @!p0 s5, $0x0  }
0x1f: {  	s9 =	smul.u32 $0xF7A, s1;
	s8 =	simm.s32 @!p0 $0x1BF5;
	p2 =	por !p2, p0  }
0x20: {  	[sflag:s8] =	ssyncset.s32 @!p0 $0xFFFFF086;
	s6 =	sadd.s32 @!p0 s3, s7;
	s7 =	simm.s32 @!p0 $0x108  }
0x21: {  	s3 =	sadd.s32 s3, s9;
	s6 =	sadd.s32 @!p0 $0x88, s6;
	s7 =	simm.s32 @p2 $0x1082  }
0x22: {  	[simem:s7], [sflag:s8] =	dma.local @!p0 [hbm:s6], $0xF7A  }
0x23: {  	s9 =	sor.u32 $0xD0000000, s2;
	s6 =	simm.s32 $0x108;
	_ =	swait.ge @!p0 [sflag:s8], $0x0  }
0x24: {  	s3 =	sadd.s32 $0x88, s3;
	s6 =	simm.s32 @!p1 $0x1082;
	[sflag:s4] =	ssyncset.s32 $0xFFFFF086  }
0x25: {  	[simem:s6], [sflag:s4] =	dma.local [hbm:s3], $0xF7A  }
0x26: {  	[smem:$0x3F9B] =	sst s1;
	(tag) =	ssettag s2;
	_ =	strace s9  }
0x27: {  	s1 =	sld [smem:$0x3FAB]  }
0x28: {  	s2 =	sld [smem:$0x3FAC]  }
0x29: {  	s4 =	sld [smem:$0x3FAE]  }
0x2a: {  	p0 =	seq.s32 s5, $0x0;
	s5 =	sld [smem:$0x3FAF]  }
0x2b: {  	s6 =	sld [smem:$0x3FB0]  }
0x2c: {  	s7 =	sld [smem:$0x3FB1]  }
0x2d: {  	s3 =	simm.s32 $0x108;
	s8 =	sld [smem:$0x3FB2]  }
0x2e: {  	s3 =	simm.s32 @!p0 $0x1082;
	s9 =	sld [smem:$0x3FB3]  }
0x2f: {  	lr =	sadd.s32 s0, s3;
	s0 =	sld [smem:$0x3FAA]  }
0x30: {  	s3 =	sld [smem:$0x3FAD]  }
0x31: {  	[smem:$0x3FB6] =	sst s10  }
0x32: {  	s10 =	sld [smem:$0x3FB4];
	_ =	sdelay $0x3  }
0x33: {  	p0 =	seq.s32 s10, $0x1;
	s10 =	sld [smem:$0x3FB6];
	_ =	sdelay $0x3  }
0x34: {  	[smem:$0x3FB6] =	sst s10  }
0x35: {  	s10 =	sld [smem:$0x3FB5];
	_ =	sdelay $0x3  }
0x36: {  	p1 =	seq.s32 s10, $0x1;
	s10 =	sld [smem:$0x3FB6];
	_ =	sdelay $0x3  }
0x37: {  	[smem:$0x3FB6] =	sst s10  }
0x38: {  	s10 =	sld [smem:$0x3FB7]  }
0x39: {  	_ = 	snop;
	(pc) =	sbr.ind lr, $3  }
0x3a: {  	_ = 	snop  }
0x3b: {  	_ = 	snop  }
0x3c: {  	p2 =	seq.s32 s10, $0x1;
	s10 =	sld [smem:$0x3FB6]  }
0x3d: {  	_ =	shalt  }
0x3e: {  	_ =	shalt  }
0x3f: {  	_ =	shalt  }
0x40: {  	_ =	shalt  }
0x41: {  	_ =	shalt  }
0x42: {  	_ =	shalt  }
0x43: {  	_ =	shalt  }
0x44: {  	_ =	shalt  }
0x45: {  	_ =	shalt  }
0x46: {  	_ =	shalt  }
0x47: {  	_ =	shalt  }
0x48: {  	_ =	shalt  }
0x49: {  	_ =	shalt  }
0x4a: {  	_ =	shalt  }
0x4b: {  	_ =	shalt  }
0x4c: {  	_ =	shalt  }
0x4d: {  	_ =	shalt  }
0x4e: {  	_ =	shalt  }
0x4f: {  	_ =	shalt  }
0x50: {  	_ =	shalt  }
0x51: {  	_ =	shalt  }
0x52: {  	_ =	shalt  }
0x53: {  	_ =	shalt  }
0x54: {  	_ =	shalt  }
0x55: {  	_ =	shalt  }
0x56: {  	_ =	shalt  }
0x57: {  	_ =	shalt  }
0x58: {  	_ =	shalt  }
0x59: {  	_ =	shalt  }
0x5a: {  	_ =	shalt  }
0x5b: {  	_ =	shalt  }
0x5c: {  	_ =	shalt  }
0x5d: {  	_ =	shalt  }
0x5e: {  	_ =	shalt  }
0x5f: {  	_ =	shalt  }
0x60: {  	_ =	shalt  }
0x61: {  	_ =	shalt  }
0x62: {  	_ =	shalt  }
0x63: {  	_ =	shalt  }
0x64: {  	_ =	shalt  }
0x65: {  	_ =	shalt  }
0x66: {  	_ =	shalt  }
0x67: {  	_ =	shalt  }
0x68: {  	_ =	shalt  }
0x69: {  	_ =	shalt  }
0x6a: {  	_ =	shalt  }
0x6b: {  	_ =	shalt  }
0x6c: {  	_ =	shalt  }
0x6d: {  	_ =	shalt  }
0x6e: {  	_ =	shalt  }
0x6f: {  	_ =	shalt  }
0x70: {  	_ =	shalt  }
0x71: {  	_ =	shalt  }
0x72: {  	_ =	shalt  }
0x73: {  	_ =	shalt  }
0x74: {  	_ =	shalt  }
0x75: {  	_ =	shalt  }
0x76: {  	_ =	shalt  }
0x77: {  	_ =	shalt  }
0x78: {  	_ =	shalt  }
0x79: {  	_ =	shalt  }
0x7a: {  	_ =	shalt  }
0x7b: {  	_ =	shalt  }
0x7c: {  	_ =	shalt  }
0x7d: {  	_ =	shalt  }
0x7e: {  	_ =	shalt  }
0x7f: {  	_ =	shalt  }
0x80: {  	_ =	shalt  }
0x81: {  	_ =	shalt  }
0x82: {  	_ =	shalt  }
0x83: {  	_ =	shalt  }
0x84: {  	_ =	shalt  }
0x85: {  	_ =	shalt  }
0x86: {  	_ =	shalt  }
0x87: {  	_ =	shalt  }
.Lfunc_end0:
.L_simem_size_0:
called_computation.2_lowered:
.L_overlay_start_0:
0x88: {  	s2 =	sld [smem:$0x3FD9]  }
0x89: {  	s3 =	sld [smem:$0x3FFE];
	_ =	sdelay $0x1  }
0x8a: {  	s1 =	srdreg.scid  }
0x8b: {  	s0 =	sand.u32 $0x1, s1  }
0x8c: {  	s17 =	sshll.u32 s0, $0xA;
	s2 =	sadd.s32 s3, s2  }
0x8d: {  	s2 =	sadd.s32 s2, s17  }
0x8e: {  	[smem:$0x3FC2] =	sst s2  }
0x8f: {  	_ = 	snop  }
0x90: {  	s2 =	sld [smem:$0x3FC9]  }
0x91: {  	s18 =	sld [smem:$0x3FD0];
	(tm) =	ssettm $0x1  }
0x92: {  	s4 =	sld [smem:$0x3FFB];
	_ =	sdelay $0x3  }
0x93: {  	_ =	strace s4  }
0x94: {  	s4 =	sld [smem:$0x3FFC];
	_ =	sdelay $0x3  }
0x95: {  	_ =	strace s4  }
0x96: {  	s4 =	sld [smem:$0x3FFD];
	_ =	sdelay $0x3  }
0x97: {  	_ =	strace s4  }
0x98: {  	_ =	strace $0x8FFFFFFF  }
0x99: {  	s19 =	sld [smem:$0x3FDB];
	_ =	sdelay $0x1  }
0x9a: {  	s5 =	simm.s32 $_scs_section_size  }
0x9b: {  	s6 =	simm.s32 $_size__tile_overlayer_lowered;
	s7 =	simm.s32 $_tile_overlayer_lowered  }
0x9c: {  	s22 =	simm.s32 $0x1BFF;
	s21 =	sshll.u32 s7, $0x1;
	s4 =	sadd.s32 s5, s19  }
0x9d: {  	s8 =	simm.s32 $0x0;
	s20 =	sshll.u32 s6, $0x1;
	s6 =	sadd.s32 s21, s4  }
0x9e: {  	[timem:s8], [sflag:s22] =	dma.local [hbm:s6], s20  }
0x9f: {  	_ =	swait.ge [sflag:s22], s20  }
0xa0: {  	s5 =	ssub.s32 $0x0, s20;
	[sflag:s22] =	ssyncset.done $0x0  }
0xa1: {  	[sflag:s22] =	ssyncadd.s32 s5;
	_ =	sdelay $0x1  }
0xa2: {  	s23 =	simm.s32 $0x1B8B  }
0xa3: {  	_ =	swait.ge [sflag:s23], $0x1  }
0xa4: {  	[sflag:s23] =	ssyncset.done $0x0  }
0xa5: {  	s25 =	simm.s32 $0x1B8E;
	s24 =	sld [smem:$0x3FFE];
	[sflag:s23] =	ssyncadd.s32 $0xFFFFFFFF  }
0xa6: {  	s26 =	simm.s32 $execute0_lowered;
	[smem:$0x3FD2] =	sst s25  }
0xa7: {  	s6 =	sshll.u32 s26, $0x1;
	_ =	strace $0x8000004C;
	[dreg:$0x1] =	wrdreg $0xFFFFFFFF  }
0xa8: {  	s28 =	simm.s32 $_size_execute0_lowered;
	s4 =	sadd.s32 s4, s6;
	[dreg:$0x0] =	wrdreg $0x0  }
0xa9: {  	s6 =	sshll.u32 s28, $0x1;
	[dreg:$0x2] =	wrdreg s4  }
0xaa: {  	[dreg:$0x3] =	wrdreg s6  }
0xab: {  	[dreg:$0x4] =	wrdreg $0xC0  }
0xac: {  	_ =	task [dreg:s8], $0x5FFFF  }
0xad: {  	[dreg:$0x1] =	wrdreg $0xFFFFFFFF  }
0xae: {  	[dreg:$0x0] =	wrdreg $0x60  }
0xaf: {  	[dreg:$0x2] =	wrdreg s2  }
0xb0: {  	[dreg:$0x3] =	wrdreg s18  }
0xb1: {  	[dreg:$0x4] =	wrdreg s24  }
0xb2: {  	[dreg:$0x5] =	wrdreg $0xC0000  }
0xb3: {  	[dreg:$0x6] =	wrdreg $0x9  }
0xb4: {  	_ =	task.clear_ibuf [dreg:s8], $0x7FFFF;
	_ =	strace $0x9000004C  }
0xb5: {  	s29 =	simm.s32 $0x9;
	_ =	strace $0x8000004E  }
0xb6: {  	_ =	swait.ge [sflag:s29], $0x1  }
0xb7: {  	[sflag:s29] =	ssyncadd.s32 $0xFFFFFFFF  }
0xb8: {  	_ =	strace $0x9000004E  }
0xb9: {  	_ =	sfence  }
0xba: {  	s30 =	sld [smem:$0x0];
	_ =	sdelay $0x2  }
0xbb: {  	s31 =	sshll.u32 s1, $0xD;
	s1 =	sshrl.u32 s1, $0x2  }
0xbc: {  	s3 =	sand.u32 $0x4000, s31;
	s1 =	sadd.s32 s1, s30  }
0xbd: {  	s0 =	sor.u32 s3, s0;
	s1 =	sshll.u32 s1, $0x11  }
0xbe: {  	s0 =	sor.u32 s1, s0  }
0xbf: {  	s0 =	sadd.s32 $0x8F2B, s0  }
0xc0: {  	[sflag:s0] =	ssyncadd.remote.s32 $0x1  }
0xc1: {  	_ =	sfence.sel $0xFFFF  }
0xc2: {  	[dreg:$0x0] =	wrdreg $0xFFFFFFFF;
	(pc) =	sbr.abs _section_cstart, $3  }
0xc3: {  	[dreg:$0x1] =	wrdreg $0xFFFFFFFF  }
0xc4: {  	_ =	task.clear_ibuf [dreg:s8], $0x2FFFF;
	_ =	strace $0x9FFFFFFF  }
0xc5: {  	(tm) =	ssettm $0x7FFFFFFF  }
tec
execute0_lowered:
.L_overlay_start_1:
0x0: {  	(tag) =	ssettag $0x1  }
0x1: {  	s0 =	rddreg [dreg:$0x0]  }
0x2: {  	s1 =	rddreg [dreg:$0x1]  }
0x3: {  	s2 =	rddreg [dreg:$0x2]  }
0x4: {  	s4 =	srdreg.scid;
	s11 =	stileid.u32  }
0x5: {  	s3 =	rddreg [dreg:$0x3];
	s7 =	smul.u32 $0x14000, s11  }
0x6: {  	s6 =	sand.u32 $0x1, s4;
	s4 =	simm.s32 $0x0;
	s18 =	smul.u32 $0x50000, s11  }
0x7: {  	s8 =	sadd.s32 $0x1C00, s2;
	s22 =	sshll.u32 s11, $0xB;
	s5 =	smul.u32 $0x140000, s6  }
0x8: {  	[smem:$0x7FF] =	sst s4;
	s9 =	ssub.s32 $0x2, s6;
	p0 =	seq.s32 s6, $0x0  }
0x9: {  	s6 =	sshll.u32 s6, $0xF;
	_ =	strace $0x8000004D;
	s10 =	sshrl.u32 s9, $0x1  }
0xa: {  	s19 =	sshrl.u32 s18, $0x2;
	s6 =	sor.u32 s22, s6;
	s5 =	sadd.s32 s7, s5  }
0xb: {  	s7 =	simm.s32 $0x1E;
	s9 =	ssub.s32 s9, s10;
	s10 =	sadd.s32 s1, s6  }
0xc: {  	s25 =	sadd.s32 s8, s6;
	s6 =	sor.u32 $0x400, s6;
	[dreg:$0x9] =	wrdreg s10  }
0xd: {  	s5 =	sshrl.u32 s5, $0x3;
	[dreg:$0xa] =	wrdreg s25;
	s1 =	sadd.s32 s1, s6  }
0xe: {  	s7 =	simm.s32 @!p0 $0xA;
	s28 =	sadd.s32 s8, s6;
	[dreg:$0xc] =	wrdreg s1  }
0xf: {  	s30 =	smax.u32 s9, $0x1;
	s2 =	sadd.s32 s5, s2;
	[dreg:$0xd] =	wrdreg s28  }
0x10: {  	s5 =	sadd.s32 s19, s3;
	s26 =	sadd.s32 $0xFFFFFFFF, s7;
	[dreg:$0xf] =	wrdreg s30  }
0x11: {  	s15 =	simm.s32 $0x2000;
	s20 =	sadd.s32 $0x4000, s5;
	[dreg:$0xb] =	wrdreg s26  }
0x12: {  	s18 =	simm.s32 $0x4000;
	s21 =	sadd.s32 $0x8000, s5;
	[dreg:$0x5] =	wrdreg s20  }
0x13: {  	s22 =	simm.s32 $0x8000;
	s23 =	sadd.s32 $0xC000, s5;
	[dreg:$0x6] =	wrdreg s21  }
0x14: {  	s25 =	simm.s32 $0x0;
	s24 =	sadd.s32 $0x10000, s5;
	[dreg:$0x7] =	wrdreg s23  }
0x15: {  	s31 =	sshll.u32 s7, $0xA;
	s29 =	sadd.s32 $0x11C00, s2;
	[dreg:$0x8] =	wrdreg s24  }
0x16: {  	s19 =	simm.s32 $0x3;
	s17 =	sadd.s32 $0xFFFFFC00, s31;
	[dreg:$0xe] =	wrdreg s29  }
0x17: {  	v0 =	vimm.f32 $0.0e+00;
	s21 =	simm.s32 $0x80;
	s23 =	simm.s32 $0x1;
	s24 =	simm.s32 $0x2  }
.LBB2_1:
0x18: {  	s1 =	sand.u32 $0xFE00, s4  }
0x19: {  	s2 =	sand.u32 $0x70, s4;
	s6 =	sshrl.u32 s1, $0x2  }
0x1a: {  	s1 =	simm.s32 $0x40;
	s6 =	sor.u32 s2, s6;
	s2 =	simm.s32 $0x0  }
.LBB2_2:
0x1b: {  	p0 =	sne.s32 s1, $0xFFC0  }
0x1c: {  	[tilespmem:s6+$0x4000] =	vst v0;
	s2 =	sadd.s32 $0x10, s2;
	s6 =	smov.u32 s1;
	s1 =	sadd.s32 $0x40, s1  }
.Ltmp0:
0x1d: {  	(pc) =	sbr.rel @p0 .LBB2_2-.Ltmp0, $4  }
0x1e: {  	_ = 	snop  }
0x1f: {  	s6 =	sand.u32 $0xFE00, s6  }
0x20: {  	s7 =	sand.u32 $0x70, s2;
	s6 =	sshrl.u32 s6, $0x2  }
0x21: {  	s6 =	sor.u32 s7, s6  }
0x22: {  	[tilespmem:s6+$0x4000] =	vst v0  }
0x23: {  	[spmem:s5] =	stream.linear.scatter [tilespmem:s18], [sflag:$0x3], $0x4000, $0x38;
	v63 =	vld [tilespmem:$0x0]  }
0x24: {  	_ =	swait.ge [sflag:s19], $0x4000  }
0x25: {  	[sflag:s19] =	ssyncset.done $0x0  }
0x26: {  	s1 =	rddreg [dreg:$0x5];
	[sflag:s19] =	ssyncadd.s32 $0xFFFFC000  }
0x27: {  	[spmem:s1] =	stream.linear.scatter [tilespmem:s18], [sflag:$0x3], $0x4000, $0x38;
	v63 =	vld [tilespmem:$0x0]  }
0x28: {  	_ =	swait.ge [sflag:s19], $0x4000  }
0x29: {  	[sflag:s19] =	ssyncset.done $0x0  }
0x2a: {  	s14 =	rddreg [dreg:$0x6];
	[sflag:s19] =	ssyncadd.s32 $0xFFFFC000  }
0x2b: {  	[spmem:s14] =	stream.linear.scatter [tilespmem:s18], [sflag:$0x3], $0x4000, $0x38;
	v63 =	vld [tilespmem:$0x0]  }
0x2c: {  	_ =	swait.ge [sflag:s19], $0x4000  }
0x2d: {  	[sflag:s19] =	ssyncset.done $0x0  }
0x2e: {  	s16 =	rddreg [dreg:$0x7];
	[sflag:s19] =	ssyncadd.s32 $0xFFFFC000  }
0x2f: {  	[spmem:s16] =	stream.linear.scatter [tilespmem:s18], [sflag:$0x3], $0x4000, $0x38;
	v63 =	vld [tilespmem:$0x0]  }
0x30: {  	_ =	swait.ge [sflag:s19], $0x4000  }
0x31: {  	[sflag:s19] =	ssyncset.done $0x0  }
0x32: {  	s20 =	rddreg [dreg:$0x8];
	[sflag:s19] =	ssyncadd.s32 $0xFFFFC000  }
0x33: {  	[spmem:s20] =	stream.linear.scatter [tilespmem:s18], [sflag:$0x3], $0x4000, $0x38;
	v63 =	vld [tilespmem:$0x0]  }
0x34: {  	_ =	swait.ge [sflag:s19], $0x4000  }
0x35: {  	[sflag:s19] =	ssyncset.done $0x0  }
0x36: {  	[sflag:s19] =	ssyncadd.s32 $0xFFFFC000  }
0x37: {  	[bflag:$0x0] =	sbarrier.arrive $0xFFFF  }
0x38: {  	s26 =	simm.s32 $0x0;
	s2 =	rddreg [dreg:$0x9]  }
0x39: {  	[tilespmem:s26], [sflag:$0x3] =	stream.linear.gather [hbm4b:s2+s26], $0x1E00, $0x38;
	v63 =	vld [tilespmem:$0x0]  }
0x3a: {  	_ =	swait.ge [sflag:s19], $0x1E00  }
0x3b: {  	[sflag:s19] =	ssyncset.done $0x0  }
0x3c: {  	s28 =	rddreg [dreg:$0xa];
	[sflag:s19] =	ssyncadd.s32 $0xFFFFE200  }
0x3d: {  	[tilespmem:s15], [sflag:$0x3] =	stream.linear.gather [hbm4b:s28+s26], $0x1E00, $0x38;
	v63 =	vld [tilespmem:$0x0]  }
0x3e: {  	_ =	swait.ge [sflag:s19], $0x1E00  }
0x3f: {  	[sflag:s19] =	ssyncset.done $0x0  }
0x40: {  	[sflag:s19] =	ssyncadd.s32 $0xFFFFE200  }
0x41: {  	[tilespmem:s18], [sflag:$0x1] =	stream.indirect.gather [hbm4b:s0+s21], $0x80, s26, s21, $0xb8;
	v63 =	vld [tilespmem:$0x0]  }
0x42: {  	_ = 	snop  }
0x43: {  	[tilespmem:s22], [sflag:$0x2] =	stream.indirect.gather [hbm4b:s0+s21], $0x80, s21, s21, $0xb8;
	v63 =	vld [tilespmem:$0x0]  }
0x44: {  	_ =	swait.ge [sflag:s23], $0x4000  }
0x45: {  	[sflag:s23] =	ssyncset.done $0x0  }
0x46: {  	s29 =	simm.s32 $0x2000;
	[sflag:s23] =	ssyncadd.s32 $0xFFFFC000  }
0x47: {  	[spmem:s3] =	stream.indirect.scatter.add.f32 [tilespmem:s18], [sflag:$0x3], $0x80, s29, s21, $0xb8;
	v63 =	vld [tilespmem:$0x0]  }
0x48: {  	_ =	swait.ge [sflag:s19], $0x4000  }
0x49: {  	[sflag:s19] =	ssyncset.done $0x0  }
0x4a: {  	s30 =	simm.s32 $0x100;
	[sflag:s19] =	ssyncadd.s32 $0xFFFFC000  }
0x4b: {  	[tilespmem:s18], [sflag:$0x1] =	stream.indirect.gather [hbm4b:s0+s21], $0x80, s30, s21, $0xb8;
	v63 =	vld [tilespmem:$0x0]  }
0x4c: {  	_ =	swait.ge [sflag:s24], $0x4000  }
0x4d: {  	p0 =	sne.s32 s17, $0x400;
	[sflag:s24] =	ssyncset.done $0x0  }
.Ltmp1:
0x4e: {  	s31 =	simm.s32 $0x2080;
	[sflag:s24] =	ssyncadd.s32 $0xFFFFC000;
	(pc) =	sbr.rel @!p0 .LBB2_5-.Ltmp1, $4  }
0x4f: {  	[spmem:s3] =	stream.indirect.scatter.add.f32 [tilespmem:s22], [sflag:$0x3], $0x80, s31, s21, $0xb8;
	v63 =	vld [tilespmem:$0x0]  }
0x50: {  	s10 =	simm.s32 $0x400;
	_ =	swait.ge [sflag:s19], $0x4000  }
0x51: {  	s6 =	simm.s32 $0x180;
	s1 =	simm.s32 $0x0;
	[sflag:s19] =	ssyncset.done $0x0  }
0x52: {  	s2 =	simm.s32 $0x2;
	s26 =	simm.s32 $0x1;
	[sflag:s19] =	ssyncadd.s32 $0xFFFFC000  }
.LBB2_4:
0x53: {  	s26 =	smov.u32 s2  }
0x54: {  	[tilespmem:s22], [sflag:$0x2] =	stream.indirect.gather [hbm4b:s0+s21], $0x80, s6, s21, $0xb8;
	v63 =	vld [tilespmem:$0x0]  }
0x55: {  	s6 =	smov.u32 s10;
	s10 =	sadd.s32 $0x400, s10;
	_ =	swait.ge [sflag:s23], $0x4000  }
0x56: {  	s6 =	sshra.s32 s6, $0x2;
	p0 =	sne.s32 s17, s10;
	[sflag:s23] =	ssyncset.done $0x0  }
0x57: {  	s7 =	sadd.s32 $0x2000, s6;
	[sflag:s23] =	ssyncadd.s32 $0xFFFFC000  }
0x58: {  	[spmem:s3] =	stream.indirect.scatter.add.f32 [tilespmem:s18], [sflag:$0x3], $0x80, s7, s21, $0xb8;
	v63 =	vld [tilespmem:$0x0]  }
0x59: {  	_ =	swait.ge [sflag:s19], $0x4000  }
0x5a: {  	[sflag:s19] =	ssyncset.done $0x0  }
0x5b: {  	s7 =	sadd.s32 $0x100, s6;
	[sflag:s19] =	ssyncadd.s32 $0xFFFFC000  }
0x5c: {  	[tilespmem:s18], [sflag:$0x1] =	stream.indirect.gather [hbm4b:s0+s21], $0x80, s7, s21, $0xb8;
	v63 =	vld [tilespmem:$0x0]  }
0x5d: {  	_ =	swait.ge [sflag:s24], $0x4000  }
0x5e: {  	[sflag:s24] =	ssyncset.done $0x0  }
.Ltmp2:
0x5f: {  	s7 =	sadd.s32 $0x2080, s6;
	[sflag:s24] =	ssyncadd.s32 $0xFFFFC000;
	(pc) =	sbr.rel @p0 .LBB2_4-.Ltmp2, $4  }
0x60: {  	[spmem:s3] =	stream.indirect.scatter.add.f32 [tilespmem:s22], [sflag:$0x3], $0x80, s7, s21, $0xb8;
	v63 =	vld [tilespmem:$0x0]  }
0x61: {  	_ =	swait.ge [sflag:s19], $0x4000  }
0x62: {  	s2 =	sadd.s32 $0x1, s2;
	[sflag:s19] =	ssyncset.done $0x0  }
0x63: {  	s1 =	sadd.s32 $0x1, s1;
	s6 =	sadd.s32 $0x180, s6;
	[sflag:s19] =	ssyncadd.s32 $0xFFFFC000  }
.LBB2_5:
0x64: {  	[tilespmem:s22], [sflag:$0x2] =	stream.indirect.gather [hbm4b:s0+s21], $0x80, s6, s21, $0xb8;
	v63 =	vld [tilespmem:$0x0]  }
0x65: {  	_ =	swait.ge [sflag:s23], $0x4000  }
0x66: {  	s2 =	sshra.s32 s10, $0x2;
	[sflag:s23] =	ssyncset.done $0x0  }
0x67: {  	s29 =	sadd.s32 $0x2000, s2;
	[sflag:s23] =	ssyncadd.s32 $0xFFFFC000  }
0x68: {  	[spmem:s3] =	stream.indirect.scatter.add.f32 [tilespmem:s18], [sflag:$0x3], $0x80, s29, s21, $0xb8;
	v63 =	vld [tilespmem:$0x0]  }
0x69: {  	_ =	swait.ge [sflag:s19], $0x4000  }
0x6a: {  	s1 =	sadd.s32 $0x1, s1;
	s16 =	rddreg [dreg:$0xb]  }
0x6b: {  	[sflag:s19] =	ssyncset.done $0x0;
	p0 =	slt.u32 s1, s16  }
0x6c: {  	[sflag:s19] =	ssyncadd.s32 $0xFFFFC000;
	s8 =	sshra.s32 @p0 s10, $0x2;
	s28 =	simm.s32 @p0 $0x80  }
0x6d: {  	s2 =	simm.s32 @p0 $0x4000;
	s31 =	simm.s32 @p0 $0x2;
	s30 =	sadd.s32 @p0 $0x100, s8  }
0x6e: {  	[tilespmem:s2], [sflag:$0x1] =	stream.indirect.gather @p0 [hbm4b:s0+s28], $0x80, s30, s28, $0xb8;
	v63 =	vld [tilespmem:$0x0]  }
0x6f: {  	_ =	swait.ge @p0 [sflag:s31], $0x4000  }
0x70: {  	s1 =	simm.s32 @p0 $0x8000;
	[sflag:s31] =	ssyncset.done @p0 $0x0  }
0x71: {  	s7 =	simm.s32 @p0 $0x3;
	s6 =	sadd.s32 @p0 $0x2080, s8;
	[sflag:s31] =	ssyncadd.s32 @p0 $0xFFFFC000  }
0x72: {  	[spmem:s3] =	stream.indirect.scatter.add.f32 @p0 [tilespmem:s1], [sflag:$0x3], $0x80, s6, s28, $0xb8;
	v63 =	vld [tilespmem:$0x0]  }
0x73: {  	_ =	swait.ge @p0 [sflag:s7], $0x4000  }
0x74: {  	[sflag:s7] =	ssyncset.done @p0 $0x0  }
0x75: {  	s9 =	sadd.s32 @p0 $0x180, s8;
	s8 =	simm.s32 @!p0 $0x2;
	[sflag:s7] =	ssyncadd.s32 @p0 $0xFFFFC000  }
0x76: {  	[tilespmem:s1], [sflag:$0x2] =	stream.indirect.gather @p0 [hbm4b:s0+s28], $0x80, s9, s28, $0xb8;
	v63 =	vld [tilespmem:$0x0]  }
0x77: {  	s10 =	sshra.s32 @!p0 s10, $0x2;
	_ =	swait.ge @!p0 [sflag:s8], $0x4000  }
0x78: {  	s11 =	simm.s32 @!p0 $0x80;
	s13 =	simm.s32 @!p0 $0x8000;
	[sflag:s8] =	ssyncset.done @!p0 $0x0  }
0x79: {  	s12 =	simm.s32 @!p0 $0x3;
	s10 =	sadd.s32 @!p0 $0x2080, s10;
	[sflag:s8] =	ssyncadd.s32 @!p0 $0xFFFFC000  }
0x7a: {  	[spmem:s3] =	stream.indirect.scatter.add.f32 @!p0 [tilespmem:s13], [sflag:$0x3], $0x80, s10, s11, $0xb8;
	v63 =	vld [tilespmem:$0x0]  }
0x7b: {  	_ =	swait.ge @!p0 [sflag:s12], $0x4000  }
0x7c: {  	[sflag:s12] =	ssyncset.done @!p0 $0x0  }
0x7d: {  	s14 =	rddreg [dreg:$0xc];
	[sflag:s12] =	ssyncadd.s32 @!p0 $0xFFFFC000  }
0x7e: {  	[tilespmem:s4], [sflag:$0x3] =	stream.linear.gather [hbm4b:s14+s4], $0x1E00, $0x38;
	v63 =	vld [tilespmem:$0x0]  }
0x7f: {  	_ =	swait.ge [sflag:s19], $0x1E00  }
0x80: {  	[sflag:s19] =	ssyncset.done $0x0  }
0x81: {  	s20 =	rddreg [dreg:$0xd];
	[sflag:s19] =	ssyncadd.s32 $0xFFFFE200  }
0x82: {  	[tilespmem:s15], [sflag:$0x3] =	stream.linear.gather [hbm4b:s20+s4], $0x1E00, $0x38;
	v63 =	vld [tilespmem:$0x0]  }
0x83: {  	_ =	swait.ge [sflag:s19], $0x1E00  }
0x84: {  	[sflag:s19] =	ssyncset.done $0x0  }
0x85: {  	[sflag:s19] =	ssyncadd.s32 $0xFFFFE200  }
0x86: {  	[tilespmem:s18], [sflag:$0x1] =	stream.indirect.gather [hbm4b:s0+s21], $0x80, s4, s21, $0xb8;
	v63 =	vld [tilespmem:$0x0]  }
0x87: {  	_ = 	snop  }
0x88: {  	[tilespmem:s22], [sflag:$0x2] =	stream.indirect.gather [hbm4b:s0+s21], $0x80, s21, s21, $0xb8;
	v63 =	vld [tilespmem:$0x0]  }
0x89: {  	_ =	swait.ge [sflag:s23], $0x4000  }
0x8a: {  	[sflag:s23] =	ssyncset.done $0x0  }
0x8b: {  	s15 =	simm.s32 $0x2000;
	[sflag:s23] =	ssyncadd.s32 $0xFFFFC000  }
0x8c: {  	[spmem:s3] =	stream.indirect.scatter.add.f32 [tilespmem:s18], [sflag:$0x3], $0x80, s15, s21, $0xb8;
	v63 =	vld [tilespmem:$0x0]  }
0x8d: {  	_ =	swait.ge [sflag:s19], $0x4000  }
0x8e: {  	[sflag:s19] =	ssyncset.done $0x0  }
0x8f: {  	s16 =	simm.s32 $0x100;
	[sflag:s19] =	ssyncadd.s32 $0xFFFFC000  }
0x90: {  	[tilespmem:s18], [sflag:$0x1] =	stream.indirect.gather [hbm4b:s0+s21], $0x80, s16, s21, $0xb8;
	v63 =	vld [tilespmem:$0x0]  }
0x91: {  	_ =	swait.ge [sflag:s24], $0x4000  }
0x92: {  	p1 =	sne.s32 s26, $0x1;
	[sflag:s24] =	ssyncset.done $0x0  }
.Ltmp3:
0x93: {  	s20 =	simm.s32 $0x2080;
	[sflag:s24] =	ssyncadd.s32 $0xFFFFC000;
	(pc) =	sbr.rel @!p1 .LBB2_7-.Ltmp3, $4  }
0x94: {  	[spmem:s3] =	stream.indirect.scatter.add.f32 [tilespmem:s22], [sflag:$0x3], $0x80, s20, s21, $0xb8;
	v63 =	vld [tilespmem:$0x0]  }
0x95: {  	_ =	swait.ge [sflag:s19], $0x4000  }
0x96: {  	s26 =	sadd.s32 $0xFFFFFFFF, s26;
	s14 =	simm.s32 $0x180;
	[sflag:s19] =	ssyncset.done $0x0  }
0x97: {  	s15 =	simm.s32 $0x280;
	s16 =	simm.s32 $0x2180;
	[sflag:s19] =	ssyncadd.s32 $0xFFFFC000  }
.LBB2_6:
0x98: {  	[tilespmem:s22], [sflag:$0x2] =	stream.indirect.gather [hbm4b:s0+s21], $0x80, s14, s21, $0xb8;
	v63 =	vld [tilespmem:$0x0]  }
0x99: {  	p1 =	sne.s32 s26, $0x1;
	s26 =	sadd.s32 $0xFFFFFFFF, s26;
	_ =	swait.ge [sflag:s23], $0x4000  }
0x9a: {  	s14 =	smov.u32 s15;
	[sflag:s23] =	ssyncset.done $0x0  }
0x9b: {  	s20 =	sadd.s32 $0xFFFFFF80, s16;
	[sflag:s23] =	ssyncadd.s32 $0xFFFFC000  }
0x9c: {  	[spmem:s3] =	stream.indirect.scatter.add.f32 [tilespmem:s18], [sflag:$0x3], $0x80, s20, s21, $0xb8;
	v63 =	vld [tilespmem:$0x0]  }
0x9d: {  	_ =	swait.ge [sflag:s19], $0x4000  }
0x9e: {  	[sflag:s19] =	ssyncset.done $0x0  }
0x9f: {  	s20 =	sadd.s32 $0xFFFFFF80, s15;
	[sflag:s19] =	ssyncadd.s32 $0xFFFFC000  }
0xa0: {  	[tilespmem:s18], [sflag:$0x1] =	stream.indirect.gather [hbm4b:s0+s21], $0x80, s20, s21, $0xb8;
	v63 =	vld [tilespmem:$0x0]  }
0xa1: {  	_ =	swait.ge [sflag:s24], $0x4000  }
0xa2: {  	[sflag:s24] =	ssyncset.done $0x0  }
.Ltmp4:
0xa3: {  	[sflag:s24] =	ssyncadd.s32 $0xFFFFC000;
	(pc) =	sbr.rel @p1 .LBB2_6-.Ltmp4, $4  }
0xa4: {  	[spmem:s3] =	stream.indirect.scatter.add.f32 [tilespmem:s22], [sflag:$0x3], $0x80, s16, s21, $0xb8;
	v63 =	vld [tilespmem:$0x0]  }
0xa5: {  	_ =	swait.ge [sflag:s19], $0x4000  }
0xa6: {  	[sflag:s19] =	ssyncset.done $0x0  }
0xa7: {  	s15 =	sadd.s32 $0x100, s15;
	s16 =	sadd.s32 $0x100, s16;
	[sflag:s19] =	ssyncadd.s32 $0xFFFFC000  }
.LBB2_7:
0xa8: {  	[tilespmem:s22], [sflag:$0x2] =	stream.indirect.gather [hbm4b:s0+s21], $0x80, s14, s21, $0xb8;
	v63 =	vld [tilespmem:$0x0]  }
0xa9: {  	_ =	swait.ge [sflag:s23], $0x4000  }
0xaa: {  	[sflag:s23] =	ssyncset.done $0x0  }
0xab: {  	[sflag:s23] =	ssyncadd.s32 $0xFFFFC000  }
0xac: {  	[spmem:s3] =	stream.indirect.scatter.add.f32 [tilespmem:s18], [sflag:$0x3], $0x80, s29, s21, $0xb8;
	v63 =	vld [tilespmem:$0x0]  }
0xad: {  	_ =	swait.ge [sflag:s19], $0x4000  }
0xae: {  	[sflag:s19] =	ssyncset.done $0x0  }
0xaf: {  	[sflag:s19] =	ssyncadd.s32 $0xFFFFC000  }
0xb0: {  	[tilespmem:s2], [sflag:$0x1] =	stream.indirect.gather @p0 [hbm4b:s0+s28], $0x80, s30, s28, $0xb8;
	v63 =	vld [tilespmem:$0x0]  }
0xb1: {  	_ =	swait.ge @p0 [sflag:s31], $0x4000  }
0xb2: {  	[sflag:s31] =	ssyncset.done @p0 $0x0  }
0xb3: {  	[sflag:s31] =	ssyncadd.s32 @p0 $0xFFFFC000  }
0xb4: {  	[spmem:s3] =	stream.indirect.scatter.add.f32 @p0 [tilespmem:s1], [sflag:$0x3], $0x80, s6, s28, $0xb8;
	v63 =	vld [tilespmem:$0x0]  }
0xb5: {  	_ =	swait.ge @p0 [sflag:s7], $0x4000  }
0xb6: {  	[sflag:s7] =	ssyncset.done @p0 $0x0  }
0xb7: {  	[sflag:s7] =	ssyncadd.s32 @p0 $0xFFFFC000  }
0xb8: {  	[tilespmem:s1], [sflag:$0x2] =	stream.indirect.gather @p0 [hbm4b:s0+s28], $0x80, s9, s28, $0xb8;
	v63 =	vld [tilespmem:$0x0]  }
0xb9: {  	_ =	swait.ge @!p0 [sflag:s8], $0x4000  }
0xba: {  	[sflag:s8] =	ssyncset.done @!p0 $0x0  }
0xbb: {  	[sflag:s8] =	ssyncadd.s32 @!p0 $0xFFFFC000  }
0xbc: {  	[spmem:s3] =	stream.indirect.scatter.add.f32 @!p0 [tilespmem:s13], [sflag:$0x3], $0x80, s10, s11, $0xb8;
	v63 =	vld [tilespmem:$0x0]  }
0xbd: {  	_ =	swait.ge @!p0 [sflag:s12], $0x4000  }
0xbe: {  	[sflag:s12] =	ssyncset.done @!p0 $0x0  }
0xbf: {  	s28 =	stileid.u32;
	[sflag:s12] =	ssyncadd.s32 @!p0 $0xFFFFC000  }
0xc0: {  	s1 =	sshll.u32 s28, $0x6;
	[bflag:$0x0] =	sbarrier.arrive $0xFFFF  }
0xc1: {  	s29 =	sshrl.u32 s5, $0x3;
	s1 =	sor.u32 $0x1C03, s1;
	s30 =	rddreg [dreg:$0xe]  }
0xc2: {  	[hbm:s30], [sflag:s1] =	dma.local [spmem:s29], $0x2800  }
0xc3: {  	_ =	swait.ge [sflag:s19], $0x2800  }
0xc4: {  	s25 =	sadd.s32 $0x1, s25;
	s31 =	rddreg [dreg:$0xf]  }
0xc5: {  	p0 =	sne.s32 s25, s31  }
.Ltmp5:
0xc6: {  	_ = 	snop;
	(pc) =	sbr.rel @p0 .LBB2_1-.Ltmp5, $3  }
0xc7: {  	_ =	sdelay $0x1  }
0xc8: {  	[sflag:s19] =	ssyncset.done $0x0  }
0xc9: {  	s15 =	simm.s32 $0x2000;
	[sflag:s19] =	ssyncadd.s32 $0xFFFFD800  }
0xca: {  	_ =	sfence.sel $0x180000  }
0xcb: {  	[bflag:$0x0] =	sbarrier.arrive $0xFFFF  }
0xcc: {  	_ =	strace $0x9000004D  }
0xcd: {  	s0 =	stileid.u32;
	[bflag:$0x2] =	sbarrier.arrive $0xFFFF  }
0xce: {  	p0 =	sne.s32 s0, $0x0;
	s0 =	rddreg [dreg:$0x4]  }
0xcf: {  	s0 =	sadd.s32 @!p0 $0x100000, s0  }
0xd0: {  	[sflag:s0] =	ssyncadd.tile.s32 @!p0 $0x1;
	_ =	shalt  }
.Lfunc_end2:
_tile_overlayer_lowered:
.L_overlay_start_2:
0xd1: {  	(tag) =	ssettag $0x2  }
0xd2: {  	s0 =	rddreg [dreg:$0x0];
	s2 =	stileid.u32  }
0xd3: {  	s1 =	rddreg [dreg:$0x1];
	p0 =	sne.s32 s2, $0x0  }
0xd4: {  	s3 =	rddreg [dreg:$0x2];
	[bflag:$0x3] =	sbarrier.arrive $0xFFFF;
	s2 =	simm.s32 @!p0 $0x1C03  }
0xd5: {  	[timem:s3], [sflag:s2] =	dma.local @!p0 [hbm:s0], s1  }
0xd6: {  	s0 =	simm.s32 @!p0 $0x3  }
0xd7: {  	_ =	swait.ge @!p0 [sflag:s0], s1  }
0xd8: {  	s1 =	ssub.s32 @!p0 $0x0, s1;
	[sflag:s0] =	ssyncset.done @!p0 $0x0  }
0xd9: {  	[sflag:s0] =	ssyncadd.s32 @!p0 s1  }
0xda: {  	[bflag:$0x3] =	sbarrier.arrive $0xFFFF  }
0xdb: {  	_ =	shalt  }

// kernel: kernel.9.cloned.1.call-start
scs
__scs_entry_jumppad:
0x0: {  	(pc) =	sbr.rel $0x88, $3  }
0x1: {  	(tag) =	ssettag $0x0;
	lr =	simm.s32 $0x1  }
0x2: {  	[smem:$0x3F9B] =	sst lr;
	_ =	strace $0xD0000000  }
0x3: {  	_ = 	snop  }
0x4: {  	_ = 	snop  }
0x5: {  	_ = 	snop  }
0x6: {  	_ = 	snop  }
0x7: {  	_ = 	snop  }
__scs_overlays_trampoline_lowered:
0x8: {  	[smem:$0x3FAA] =	sst s0  }
0x9: {  	[smem:$0x3FAB] =	sst s1  }
0xa: {  	[smem:$0x3FAC] =	sst s2  }
0xb: {  	[smem:$0x3FAD] =	sst s3  }
0xc: {  	[smem:$0x3FAE] =	sst s4  }
0xd: {  	[smem:$0x3FAF] =	sst s5  }
0xe: {  	[smem:$0x3FB0] =	sst s6  }
0xf: {  	[smem:$0x3FB1] =	sst s7  }
0x10: {  	[smem:$0x3FB2] =	sst s8  }
0x11: {  	[smem:$0x3FB3] =	sst s9;
	s0 =	simm.s32 @!p0 $0x0  }
0x12: {  	s1 =	sld [smem:$0x3F99];
	s0 =	simm.s32 @p0 $0x1  }
0x13: {  	[smem:$0x3FB4] =	sst s0;
	s0 =	simm.s32 @!p1 $0x0  }
0x14: {  	s2 =	sld [smem:$0x3F98];
	s0 =	simm.s32 @p1 $0x1  }
0x15: {  	[smem:$0x3FB5] =	sst s0;
	s0 =	simm.s32 @!p2 $0x0  }
0x16: {  	s3 =	sld [smem:$0x3FDB];
	s0 =	simm.s32 @p2 $0x1  }
0x17: {  	s4 =	simm.s32 $0x1BF5;
	[smem:$0x3FB7] =	sst s0  }
0x18: {  	s0 =	sld [smem:$0x3F9A];
	_ =	swait.ge [sflag:s4], $0x0  }
0x19: {  	s7 =	sld [smem:$0x3F9B]  }
0x1a: {  	s8 =	sadd.s32 $0xFFFFE003, lr  }
0x1b: {  	s9 =	sadd.s32 $0xFFFFFEF7, lr;
	s5 =	simm.s32 $0xFFFFFFFF;
	p2 =	slt.u32 s8, $0xFFFFF086  }
0x1c: {  	p1 =	slt.u32 s9, $0xF7A;
	s5 =	simm.s32 @!p2 $0x0  }
0x1d: {  	s5 =	simm.s32 @p1 $0x1;
	p0 =	seq.s32 s7, s2  }
0x1e: {  	s7 =	smul.u32 @!p0 $0xF7A, s2;
	p2 =	seq.s32 @!p0 s5, $0x0  }
0x1f: {  	s9 =	smul.u32 $0xF7A, s1;
	s8 =	simm.s32 @!p0 $0x1BF5;
	p2 =	por !p2, p0  }
0x20: {  	[sflag:s8] =	ssyncset.s32 @!p0 $0xFFFFF086;
	s6 =	sadd.s32 @!p0 s3, s7;
	s7 =	simm.s32 @!p0 $0x108  }
0x21: {  	s3 =	sadd.s32 s3, s9;
	s6 =	sadd.s32 @!p0 $0x88, s6;
	s7 =	simm.s32 @p2 $0x1082  }
0x22: {  	[simem:s7], [sflag:s8] =	dma.local @!p0 [hbm:s6], $0xF7A  }
0x23: {  	s9 =	sor.u32 $0xD0000000, s2;
	s6 =	simm.s32 $0x108;
	_ =	swait.ge @!p0 [sflag:s8], $0x0  }
0x24: {  	s3 =	sadd.s32 $0x88, s3;
	s6 =	simm.s32 @!p1 $0x1082;
	[sflag:s4] =	ssyncset.s32 $0xFFFFF086  }
0x25: {  	[simem:s6], [sflag:s4] =	dma.local [hbm:s3], $0xF7A  }
0x26: {  	[smem:$0x3F9B] =	sst s1;
	(tag) =	ssettag s2;
	_ =	strace s9  }
0x27: {  	s1 =	sld [smem:$0x3FAB]  }
0x28: {  	s2 =	sld [smem:$0x3FAC]  }
0x29: {  	s4 =	sld [smem:$0x3FAE]  }
0x2a: {  	p0 =	seq.s32 s5, $0x0;
	s5 =	sld [smem:$0x3FAF]  }
0x2b: {  	s6 =	sld [smem:$0x3FB0]  }
0x2c: {  	s7 =	sld [smem:$0x3FB1]  }
0x2d: {  	s3 =	simm.s32 $0x108;
	s8 =	sld [smem:$0x3FB2]  }
0x2e: {  	s3 =	simm.s32 @!p0 $0x1082;
	s9 =	sld [smem:$0x3FB3]  }
0x2f: {  	lr =	sadd.s32 s0, s3;
	s0 =	sld [smem:$0x3FAA]  }
0x30: {  	s3 =	sld [smem:$0x3FAD]  }
0x31: {  	[smem:$0x3FB6] =	sst s10  }
0x32: {  	s10 =	sld [smem:$0x3FB4];
	_ =	sdelay $0x3  }
0x33: {  	p0 =	seq.s32 s10, $0x1;
	s10 =	sld [smem:$0x3FB6];
	_ =	sdelay $0x3  }
0x34: {  	[smem:$0x3FB6] =	sst s10  }
0x35: {  	s10 =	sld [smem:$0x3FB5];
	_ =	sdelay $0x3  }
0x36: {  	p1 =	seq.s32 s10, $0x1;
	s10 =	sld [smem:$0x3FB6];
	_ =	sdelay $0x3  }
0x37: {  	[smem:$0x3FB6] =	sst s10  }
0x38: {  	s10 =	sld [smem:$0x3FB7]  }
0x39: {  	_ = 	snop;
	(pc) =	sbr.ind lr, $3  }
0x3a: {  	_ = 	snop  }
0x3b: {  	_ = 	snop  }
0x3c: {  	p2 =	seq.s32 s10, $0x1;
	s10 =	sld [smem:$0x3FB6]  }
0x3d: {  	_ =	shalt  }
0x3e: {  	_ =	shalt  }
0x3f: {  	_ =	shalt  }
0x40: {  	_ =	shalt  }
0x41: {  	_ =	shalt  }
0x42: {  	_ =	shalt  }
0x43: {  	_ =	shalt  }
0x44: {  	_ =	shalt  }
0x45: {  	_ =	shalt  }
0x46: {  	_ =	shalt  }
0x47: {  	_ =	shalt  }
0x48: {  	_ =	shalt  }
0x49: {  	_ =	shalt  }
0x4a: {  	_ =	shalt  }
0x4b: {  	_ =	shalt  }
0x4c: {  	_ =	shalt  }
0x4d: {  	_ =	shalt  }
0x4e: {  	_ =	shalt  }
0x4f: {  	_ =	shalt  }
0x50: {  	_ =	shalt  }
0x51: {  	_ =	shalt  }
0x52: {  	_ =	shalt  }
0x53: {  	_ =	shalt  }
0x54: {  	_ =	shalt  }
0x55: {  	_ =	shalt  }
0x56: {  	_ =	shalt  }
0x57: {  	_ =	shalt  }
0x58: {  	_ =	shalt  }
0x59: {  	_ =	shalt  }
0x5a: {  	_ =	shalt  }
0x5b: {  	_ =	shalt  }
0x5c: {  	_ =	shalt  }
0x5d: {  	_ =	shalt  }
0x5e: {  	_ =	shalt  }
0x5f: {  	_ =	shalt  }
0x60: {  	_ =	shalt  }
0x61: {  	_ =	shalt  }
0x62: {  	_ =	shalt  }
0x63: {  	_ =	shalt  }
0x64: {  	_ =	shalt  }
0x65: {  	_ =	shalt  }
0x66: {  	_ =	shalt  }
0x67: {  	_ =	shalt  }
0x68: {  	_ =	shalt  }
0x69: {  	_ =	shalt  }
0x6a: {  	_ =	shalt  }
0x6b: {  	_ =	shalt  }
0x6c: {  	_ =	shalt  }
0x6d: {  	_ =	shalt  }
0x6e: {  	_ =	shalt  }
0x6f: {  	_ =	shalt  }
0x70: {  	_ =	shalt  }
0x71: {  	_ =	shalt  }
0x72: {  	_ =	shalt  }
0x73: {  	_ =	shalt  }
0x74: {  	_ =	shalt  }
0x75: {  	_ =	shalt  }
0x76: {  	_ =	shalt  }
0x77: {  	_ =	shalt  }
0x78: {  	_ =	shalt  }
0x79: {  	_ =	shalt  }
0x7a: {  	_ =	shalt  }
0x7b: {  	_ =	shalt  }
0x7c: {  	_ =	shalt  }
0x7d: {  	_ =	shalt  }
0x7e: {  	_ =	shalt  }
0x7f: {  	_ =	shalt  }
0x80: {  	_ =	shalt  }
0x81: {  	_ =	shalt  }
0x82: {  	_ =	shalt  }
0x83: {  	_ =	shalt  }
0x84: {  	_ =	shalt  }
0x85: {  	_ =	shalt  }
0x86: {  	_ =	shalt  }
0x87: {  	_ =	shalt  }
.Lfunc_end0:
.L_simem_size_0:
called_computation.3_lowered:
.L_overlay_start_0:
0x88: {  	s2 =	sld [smem:$0x3FD9]  }
0x89: {  	s3 =	sld [smem:$0x3FFE];
	_ =	sdelay $0x1  }
0x8a: {  	s1 =	srdreg.scid  }
0x8b: {  	s0 =	sand.u32 $0x1, s1  }
0x8c: {  	s17 =	sshll.u32 s0, $0xA;
	s2 =	sadd.s32 s3, s2  }
0x8d: {  	s2 =	sadd.s32 s2, s17  }
0x8e: {  	[smem:$0x3FC2] =	sst s2  }
0x8f: {  	_ = 	snop  }
0x90: {  	s2 =	sld [smem:$0x3FD0];
	(tm) =	ssettm $0x1  }
0x91: {  	s18 =	sld [smem:$0x3FFB];
	_ =	sdelay $0x3  }
0x92: {  	_ =	strace s18  }
0x93: {  	s3 =	sld [smem:$0x3FFC];
	_ =	sdelay $0x3  }
0x94: {  	_ =	strace s3  }
0x95: {  	s3 =	sld [smem:$0x3FFD];
	_ =	sdelay $0x3  }
0x96: {  	_ =	strace s3  }
0x97: {  	_ =	strace $0x8FFFFFFF  }
0x98: {  	s19 =	sld [smem:$0x3FDB];
	_ =	sdelay $0x1  }
0x99: {  	s4 =	simm.s32 $_scs_section_size  }
0x9a: {  	s5 =	simm.s32 $_size__tile_overlayer_lowered;
	s6 =	simm.s32 $_tile_overlayer_lowered  }
0x9b: {  	s22 =	simm.s32 $0x1BFF;
	s21 =	sshll.u32 s6, $0x1;
	s3 =	sadd.s32 s4, s19  }
0x9c: {  	s7 =	simm.s32 $0x0;
	s20 =	sshll.u32 s5, $0x1;
	s5 =	sadd.s32 s21, s3  }
0x9d: {  	[timem:s7], [sflag:s22] =	dma.local [hbm:s5], s20  }
0x9e: {  	_ =	swait.ge [sflag:s22], s20  }
0x9f: {  	s4 =	ssub.s32 $0x0, s20;
	[sflag:s22] =	ssyncset.done $0x0  }
0xa0: {  	[sflag:s22] =	ssyncadd.s32 s4;
	_ =	sdelay $0x1  }
0xa1: {  	s23 =	simm.s32 $0x1B8B  }
0xa2: {  	_ =	swait.ge [sflag:s23], $0x1  }
0xa3: {  	[sflag:s23] =	ssyncset.done $0x0  }
0xa4: {  	s25 =	simm.s32 $0x1B8E;
	s24 =	sld [smem:$0x3FFE];
	[sflag:s23] =	ssyncadd.s32 $0xFFFFFFFF  }
0xa5: {  	s26 =	simm.s32 $execute0_lowered;
	[smem:$0x3FD2] =	sst s25  }
0xa6: {  	s5 =	sshll.u32 s26, $0x1;
	_ =	strace $0x8000004F;
	[dreg:$0x1] =	wrdreg $0xFFFFFFFF  }
0xa7: {  	s28 =	simm.s32 $_size_execute0_lowered;
	s3 =	sadd.s32 s3, s5;
	[dreg:$0x0] =	wrdreg $0x0  }
0xa8: {  	s5 =	sshll.u32 s28, $0x1;
	[dreg:$0x2] =	wrdreg s3  }
0xa9: {  	[dreg:$0x3] =	wrdreg s5  }
0xaa: {  	[dreg:$0x4] =	wrdreg $0xC0  }
0xab: {  	_ =	task [dreg:s7], $0x5FFFF  }
0xac: {  	[dreg:$0x1] =	wrdreg $0xFFFFFFFF  }
0xad: {  	[dreg:$0x0] =	wrdreg $0x60  }
0xae: {  	[dreg:$0x2] =	wrdreg s24  }
0xaf: {  	[dreg:$0x3] =	wrdreg s2  }
0xb0: {  	[dreg:$0x4] =	wrdreg $0xC0000  }
0xb1: {  	[dreg:$0x5] =	wrdreg $0x9  }
0xb2: {  	_ =	task.clear_ibuf [dreg:s7], $0x6FFFF;
	_ =	strace $0x9000004F  }
0xb3: {  	s29 =	simm.s32 $0x9;
	_ =	strace $0x80000051  }
0xb4: {  	_ =	swait.ge [sflag:s29], $0x1  }
0xb5: {  	[sflag:s29] =	ssyncadd.s32 $0xFFFFFFFF  }
0xb6: {  	_ =	strace $0x90000051  }
0xb7: {  	_ =	sfence  }
0xb8: {  	s30 =	sld [smem:$0x0];
	_ =	sdelay $0x2  }
0xb9: {  	s31 =	sshll.u32 s1, $0xD;
	s1 =	sshrl.u32 s1, $0x2  }
0xba: {  	s3 =	sand.u32 $0x4000, s31;
	s1 =	sadd.s32 s1, s30  }
0xbb: {  	s0 =	sor.u32 s3, s0;
	s1 =	sshll.u32 s1, $0x11  }
0xbc: {  	s0 =	sor.u32 s1, s0  }
0xbd: {  	s0 =	sadd.s32 $0x8F2B, s0  }
0xbe: {  	[sflag:s0] =	ssyncadd.remote.s32 $0x1  }
0xbf: {  	_ =	sfence.sel $0xFFFF  }
0xc0: {  	[dreg:$0x0] =	wrdreg $0xFFFFFFFF;
	(pc) =	sbr.abs _section_cstart, $3  }
0xc1: {  	[dreg:$0x1] =	wrdreg $0xFFFFFFFF  }
0xc2: {  	_ =	task.clear_ibuf [dreg:s7], $0x2FFFF;
	_ =	strace $0x9FFFFFFF  }
0xc3: {  	(tm) =	ssettm $0x7FFFFFFF  }
tec
execute0_lowered:
.L_overlay_start_1:
0x0: {  	(tag) =	ssettag $0x1  }
0x1: {  	s0 =	rddreg [dreg:$0x0]  }
0x2: {  	s2 =	rddreg [dreg:$0x1]  }
0x3: {  	s3 =	srdreg.scid;
	s11 =	stileid.u32  }
0x4: {  	s1 =	rddreg [dreg:$0x2];
	s6 =	sand.u32 $0x1, s3;
	s7 =	smul.u32 $0x14000, s11  }
0x5: {  	s3 =	simm.s32 $0x0;
	s4 =	sadd.s32 $0x11C00, s0;
	s19 =	smul.u32 $0x50000, s11  }
0x6: {  	s8 =	sadd.s32 $0x1C00, s0;
	s23 =	sshll.u32 s11, $0xB;
	s5 =	smul.u32 $0x140000, s6  }
0x7: {  	[smem:$0x7FF] =	sst s3;
	s9 =	ssub.s32 $0x2, s6;
	p0 =	seq.s32 s6, $0x0  }
0x8: {  	s6 =	sshll.u32 s6, $0xF;
	_ =	strace $0x80000050;
	s10 =	sshrl.u32 s9, $0x1  }
0x9: {  	s20 =	sshrl.u32 s19, $0x2;
	s6 =	sor.u32 s23, s6;
	s5 =	sadd.s32 s7, s5  }
0xa: {  	s7 =	simm.s32 $0x1E;
	s9 =	ssub.s32 s9, s10;
	s10 =	sadd.s32 s2, s6  }
0xb: {  	s26 =	sadd.s32 s8, s6;
	s6 =	sor.u32 $0x400, s6;
	[dreg:$0x8] =	wrdreg s10  }
0xc: {  	s5 =	sshrl.u32 s5, $0x3;
	[dreg:$0x9] =	wrdreg s26;
	s2 =	sadd.s32 s2, s6  }
0xd: {  	s7 =	simm.s32 @!p0 $0xA;
	s29 =	sadd.s32 s8, s6;
	[dreg:$0xb] =	wrdreg s2  }
0xe: {  	s30 =	smax.u32 s9, $0x1;
	s0 =	sadd.s32 s5, s0;
	[dreg:$0xc] =	wrdreg s29  }
0xf: {  	s5 =	sadd.s32 s20, s1;
	s28 =	sadd.s32 $0xFFFFFFFF, s7;
	[dreg:$0xe] =	wrdreg s30  }
0x10: {  	s18 =	simm.s32 $0x4000;
	s21 =	sadd.s32 $0x4000, s5;
	[dreg:$0xa] =	wrdreg s28  }
0x11: {  	s15 =	simm.s32 $0x2000;
	s22 =	sadd.s32 $0x8000, s5;
	[dreg:$0x4] =	wrdreg s21  }
0x12: {  	s19 =	simm.s32 $0x3;
	s24 =	sadd.s32 $0xC000, s5;
	[dreg:$0x5] =	wrdreg s22  }
0x13: {  	s23 =	simm.s32 $0x1;
	s25 =	sadd.s32 $0x10000, s5;
	[dreg:$0x6] =	wrdreg s24  }
0x14: {  	s31 =	sshll.u32 s7, $0xA;
	s0 =	sadd.s32 $0x39C00, s0;
	[dreg:$0x7] =	wrdreg s25  }
0x15: {  	s17 =	sadd.s32 $0xFFFFFC00, s31;
	[dreg:$0xd] =	wrdreg s0;
	s21 =	simm.s32 $0x80  }
0x16: {  	v0 =	vimm.f32 $0.0e+00;
	s22 =	simm.s32 $0x8000;
	s24 =	simm.s32 $0x2;
	s25 =	simm.s32 $0x0  }
.LBB2_1:
0x17: {  	s0 =	sand.u32 $0xFE00, s3  }
0x18: {  	s2 =	sand.u32 $0x70, s3;
	s6 =	sshrl.u32 s0, $0x2  }
0x19: {  	s0 =	simm.s32 $0x40;
	s6 =	sor.u32 s2, s6;
	s2 =	simm.s32 $0x0  }
.LBB2_2:
0x1a: {  	p0 =	sne.s32 s0, $0xFFC0  }
0x1b: {  	[tilespmem:s6+$0x4000] =	vst v0;
	s2 =	sadd.s32 $0x10, s2;
	s6 =	smov.u32 s0;
	s0 =	sadd.s32 $0x40, s0  }
.Ltmp0:
0x1c: {  	(pc) =	sbr.rel @p0 .LBB2_2-.Ltmp0, $4  }
0x1d: {  	_ = 	snop  }
0x1e: {  	s6 =	sand.u32 $0xFE00, s6  }
0x1f: {  	s7 =	sand.u32 $0x70, s2;
	s6 =	sshrl.u32 s6, $0x2  }
0x20: {  	s6 =	sor.u32 s7, s6  }
0x21: {  	[tilespmem:s6+$0x4000] =	vst v0  }
0x22: {  	[spmem:s5] =	stream.linear.scatter [tilespmem:s18], [sflag:$0x3], $0x4000, $0x38;
	v63 =	vld [tilespmem:$0x0]  }
0x23: {  	_ =	swait.ge [sflag:s19], $0x4000  }
0x24: {  	[sflag:s19] =	ssyncset.done $0x0  }
0x25: {  	s0 =	rddreg [dreg:$0x4];
	[sflag:s19] =	ssyncadd.s32 $0xFFFFC000  }
0x26: {  	[spmem:s0] =	stream.linear.scatter [tilespmem:s18], [sflag:$0x3], $0x4000, $0x38;
	v63 =	vld [tilespmem:$0x0]  }
0x27: {  	_ =	swait.ge [sflag:s19], $0x4000  }
0x28: {  	[sflag:s19] =	ssyncset.done $0x0  }
0x29: {  	s14 =	rddreg [dreg:$0x5];
	[sflag:s19] =	ssyncadd.s32 $0xFFFFC000  }
0x2a: {  	[spmem:s14] =	stream.linear.scatter [tilespmem:s18], [sflag:$0x3], $0x4000, $0x38;
	v63 =	vld [tilespmem:$0x0]  }
0x2b: {  	_ =	swait.ge [sflag:s19], $0x4000  }
0x2c: {  	[sflag:s19] =	ssyncset.done $0x0  }
0x2d: {  	s16 =	rddreg [dreg:$0x6];
	[sflag:s19] =	ssyncadd.s32 $0xFFFFC000  }
0x2e: {  	[spmem:s16] =	stream.linear.scatter [tilespmem:s18], [sflag:$0x3], $0x4000, $0x38;
	v63 =	vld [tilespmem:$0x0]  }
0x2f: {  	_ =	swait.ge [sflag:s19], $0x4000  }
0x30: {  	[sflag:s19] =	ssyncset.done $0x0  }
0x31: {  	s20 =	rddreg [dreg:$0x7];
	[sflag:s19] =	ssyncadd.s32 $0xFFFFC000  }
0x32: {  	[spmem:s20] =	stream.linear.scatter [tilespmem:s18], [sflag:$0x3], $0x4000, $0x38;
	v63 =	vld [tilespmem:$0x0]  }
0x33: {  	_ =	swait.ge [sflag:s19], $0x4000  }
0x34: {  	[sflag:s19] =	ssyncset.done $0x0  }
0x35: {  	[sflag:s19] =	ssyncadd.s32 $0xFFFFC000  }
0x36: {  	[bflag:$0x0] =	sbarrier.arrive $0xFFFF  }
0x37: {  	s26 =	simm.s32 $0x0;
	s2 =	rddreg [dreg:$0x8]  }
0x38: {  	[tilespmem:s26], [sflag:$0x3] =	stream.linear.gather [hbm4b:s2+s26], $0x1E00, $0x38;
	v63 =	vld [tilespmem:$0x0]  }
0x39: {  	_ =	swait.ge [sflag:s19], $0x1E00  }
0x3a: {  	[sflag:s19] =	ssyncset.done $0x0  }
0x3b: {  	s28 =	rddreg [dreg:$0x9];
	[sflag:s19] =	ssyncadd.s32 $0xFFFFE200  }
0x3c: {  	[tilespmem:s15], [sflag:$0x3] =	stream.linear.gather [hbm4b:s28+s26], $0x1E00, $0x38;
	v63 =	vld [tilespmem:$0x0]  }
0x3d: {  	_ =	swait.ge [sflag:s19], $0x1E00  }
0x3e: {  	[sflag:s19] =	ssyncset.done $0x0  }
0x3f: {  	[sflag:s19] =	ssyncadd.s32 $0xFFFFE200  }
0x40: {  	[tilespmem:s18], [sflag:$0x1] =	stream.indirect.gather [hbm4b:s4+s21], $0x80, s26, s21, $0xb8;
	v63 =	vld [tilespmem:$0x0]  }
0x41: {  	_ = 	snop  }
0x42: {  	[tilespmem:s22], [sflag:$0x2] =	stream.indirect.gather [hbm4b:s4+s21], $0x80, s21, s21, $0xb8;
	v63 =	vld [tilespmem:$0x0]  }
0x43: {  	_ =	swait.ge [sflag:s23], $0x4000  }
0x44: {  	[sflag:s23] =	ssyncset.done $0x0  }
0x45: {  	s29 =	simm.s32 $0x2000;
	[sflag:s23] =	ssyncadd.s32 $0xFFFFC000  }
0x46: {  	[spmem:s1] =	stream.indirect.scatter.add.f32 [tilespmem:s18], [sflag:$0x3], $0x80, s29, s21, $0xb8;
	v63 =	vld [tilespmem:$0x0]  }
0x47: {  	_ =	swait.ge [sflag:s19], $0x4000  }
0x48: {  	[sflag:s19] =	ssyncset.done $0x0  }
0x49: {  	s30 =	simm.s32 $0x100;
	[sflag:s19] =	ssyncadd.s32 $0xFFFFC000  }
0x4a: {  	[tilespmem:s18], [sflag:$0x1] =	stream.indirect.gather [hbm4b:s4+s21], $0x80, s30, s21, $0xb8;
	v63 =	vld [tilespmem:$0x0]  }
0x4b: {  	_ =	swait.ge [sflag:s24], $0x4000  }
0x4c: {  	p0 =	sne.s32 s17, $0x400;
	[sflag:s24] =	ssyncset.done $0x0  }
.Ltmp1:
0x4d: {  	s31 =	simm.s32 $0x2080;
	[sflag:s24] =	ssyncadd.s32 $0xFFFFC000;
	(pc) =	sbr.rel @!p0 .LBB2_5-.Ltmp1, $4  }
0x4e: {  	[spmem:s1] =	stream.indirect.scatter.add.f32 [tilespmem:s22], [sflag:$0x3], $0x80, s31, s21, $0xb8;
	v63 =	vld [tilespmem:$0x0]  }
0x4f: {  	s10 =	simm.s32 $0x400;
	_ =	swait.ge [sflag:s19], $0x4000  }
0x50: {  	s6 =	simm.s32 $0x180;
	s0 =	simm.s32 $0x0;
	[sflag:s19] =	ssyncset.done $0x0  }
0x51: {  	s2 =	simm.s32 $0x2;
	s26 =	simm.s32 $0x1;
	[sflag:s19] =	ssyncadd.s32 $0xFFFFC000  }
.LBB2_4:
0x52: {  	s26 =	smov.u32 s2  }
0x53: {  	[tilespmem:s22], [sflag:$0x2] =	stream.indirect.gather [hbm4b:s4+s21], $0x80, s6, s21, $0xb8;
	v63 =	vld [tilespmem:$0x0]  }
0x54: {  	s6 =	smov.u32 s10;
	s10 =	sadd.s32 $0x400, s10;
	_ =	swait.ge [sflag:s23], $0x4000  }
0x55: {  	s6 =	sshra.s32 s6, $0x2;
	p0 =	sne.s32 s17, s10;
	[sflag:s23] =	ssyncset.done $0x0  }
0x56: {  	s7 =	sadd.s32 $0x2000, s6;
	[sflag:s23] =	ssyncadd.s32 $0xFFFFC000  }
0x57: {  	[spmem:s1] =	stream.indirect.scatter.add.f32 [tilespmem:s18], [sflag:$0x3], $0x80, s7, s21, $0xb8;
	v63 =	vld [tilespmem:$0x0]  }
0x58: {  	_ =	swait.ge [sflag:s19], $0x4000  }
0x59: {  	[sflag:s19] =	ssyncset.done $0x0  }
0x5a: {  	s7 =	sadd.s32 $0x100, s6;
	[sflag:s19] =	ssyncadd.s32 $0xFFFFC000  }
0x5b: {  	[tilespmem:s18], [sflag:$0x1] =	stream.indirect.gather [hbm4b:s4+s21], $0x80, s7, s21, $0xb8;
	v63 =	vld [tilespmem:$0x0]  }
0x5c: {  	_ =	swait.ge [sflag:s24], $0x4000  }
0x5d: {  	[sflag:s24] =	ssyncset.done $0x0  }
.Ltmp2:
0x5e: {  	s7 =	sadd.s32 $0x2080, s6;
	[sflag:s24] =	ssyncadd.s32 $0xFFFFC000;
	(pc) =	sbr.rel @p0 .LBB2_4-.Ltmp2, $4  }
0x5f: {  	[spmem:s1] =	stream.indirect.scatter.add.f32 [tilespmem:s22], [sflag:$0x3], $0x80, s7, s21, $0xb8;
	v63 =	vld [tilespmem:$0x0]  }
0x60: {  	_ =	swait.ge [sflag:s19], $0x4000  }
0x61: {  	s2 =	sadd.s32 $0x1, s2;
	[sflag:s19] =	ssyncset.done $0x0  }
0x62: {  	s0 =	sadd.s32 $0x1, s0;
	s6 =	sadd.s32 $0x180, s6;
	[sflag:s19] =	ssyncadd.s32 $0xFFFFC000  }
.LBB2_5:
0x63: {  	[tilespmem:s22], [sflag:$0x2] =	stream.indirect.gather [hbm4b:s4+s21], $0x80, s6, s21, $0xb8;
	v63 =	vld [tilespmem:$0x0]  }
0x64: {  	_ =	swait.ge [sflag:s23], $0x4000  }
0x65: {  	s2 =	sshra.s32 s10, $0x2;
	[sflag:s23] =	ssyncset.done $0x0  }
0x66: {  	s29 =	sadd.s32 $0x2000, s2;
	[sflag:s23] =	ssyncadd.s32 $0xFFFFC000  }
0x67: {  	[spmem:s1] =	stream.indirect.scatter.add.f32 [tilespmem:s18], [sflag:$0x3], $0x80, s29, s21, $0xb8;
	v63 =	vld [tilespmem:$0x0]  }
0x68: {  	_ =	swait.ge [sflag:s19], $0x4000  }
0x69: {  	s0 =	sadd.s32 $0x1, s0;
	s16 =	rddreg [dreg:$0xa]  }
0x6a: {  	[sflag:s19] =	ssyncset.done $0x0;
	p0 =	slt.u32 s0, s16  }
0x6b: {  	[sflag:s19] =	ssyncadd.s32 $0xFFFFC000;
	s8 =	sshra.s32 @p0 s10, $0x2;
	s28 =	simm.s32 @p0 $0x80  }
0x6c: {  	s2 =	simm.s32 @p0 $0x4000;
	s31 =	simm.s32 @p0 $0x2;
	s30 =	sadd.s32 @p0 $0x100, s8  }
0x6d: {  	[tilespmem:s2], [sflag:$0x1] =	stream.indirect.gather @p0 [hbm4b:s4+s28], $0x80, s30, s28, $0xb8;
	v63 =	vld [tilespmem:$0x0]  }
0x6e: {  	_ =	swait.ge @p0 [sflag:s31], $0x4000  }
0x6f: {  	s0 =	simm.s32 @p0 $0x8000;
	[sflag:s31] =	ssyncset.done @p0 $0x0  }
0x70: {  	s7 =	simm.s32 @p0 $0x3;
	s6 =	sadd.s32 @p0 $0x2080, s8;
	[sflag:s31] =	ssyncadd.s32 @p0 $0xFFFFC000  }
0x71: {  	[spmem:s1] =	stream.indirect.scatter.add.f32 @p0 [tilespmem:s0], [sflag:$0x3], $0x80, s6, s28, $0xb8;
	v63 =	vld [tilespmem:$0x0]  }
0x72: {  	_ =	swait.ge @p0 [sflag:s7], $0x4000  }
0x73: {  	[sflag:s7] =	ssyncset.done @p0 $0x0  }
0x74: {  	s9 =	sadd.s32 @p0 $0x180, s8;
	s8 =	simm.s32 @!p0 $0x2;
	[sflag:s7] =	ssyncadd.s32 @p0 $0xFFFFC000  }
0x75: {  	[tilespmem:s0], [sflag:$0x2] =	stream.indirect.gather @p0 [hbm4b:s4+s28], $0x80, s9, s28, $0xb8;
	v63 =	vld [tilespmem:$0x0]  }
0x76: {  	s10 =	sshra.s32 @!p0 s10, $0x2;
	_ =	swait.ge @!p0 [sflag:s8], $0x4000  }
0x77: {  	s11 =	simm.s32 @!p0 $0x80;
	s13 =	simm.s32 @!p0 $0x8000;
	[sflag:s8] =	ssyncset.done @!p0 $0x0  }
0x78: {  	s12 =	simm.s32 @!p0 $0x3;
	s10 =	sadd.s32 @!p0 $0x2080, s10;
	[sflag:s8] =	ssyncadd.s32 @!p0 $0xFFFFC000  }
0x79: {  	[spmem:s1] =	stream.indirect.scatter.add.f32 @!p0 [tilespmem:s13], [sflag:$0x3], $0x80, s10, s11, $0xb8;
	v63 =	vld [tilespmem:$0x0]  }
0x7a: {  	_ =	swait.ge @!p0 [sflag:s12], $0x4000  }
0x7b: {  	[sflag:s12] =	ssyncset.done @!p0 $0x0  }
0x7c: {  	s14 =	rddreg [dreg:$0xb];
	[sflag:s12] =	ssyncadd.s32 @!p0 $0xFFFFC000  }
0x7d: {  	[tilespmem:s3], [sflag:$0x3] =	stream.linear.gather [hbm4b:s14+s3], $0x1E00, $0x38;
	v63 =	vld [tilespmem:$0x0]  }
0x7e: {  	_ =	swait.ge [sflag:s19], $0x1E00  }
0x7f: {  	[sflag:s19] =	ssyncset.done $0x0  }
0x80: {  	s20 =	rddreg [dreg:$0xc];
	[sflag:s19] =	ssyncadd.s32 $0xFFFFE200  }
0x81: {  	[tilespmem:s15], [sflag:$0x3] =	stream.linear.gather [hbm4b:s20+s3], $0x1E00, $0x38;
	v63 =	vld [tilespmem:$0x0]  }
0x82: {  	_ =	swait.ge [sflag:s19], $0x1E00  }
0x83: {  	[sflag:s19] =	ssyncset.done $0x0  }
0x84: {  	[sflag:s19] =	ssyncadd.s32 $0xFFFFE200  }
0x85: {  	[tilespmem:s18], [sflag:$0x1] =	stream.indirect.gather [hbm4b:s4+s21], $0x80, s3, s21, $0xb8;
	v63 =	vld [tilespmem:$0x0]  }
0x86: {  	_ = 	snop  }
0x87: {  	[tilespmem:s22], [sflag:$0x2] =	stream.indirect.gather [hbm4b:s4+s21], $0x80, s21, s21, $0xb8;
	v63 =	vld [tilespmem:$0x0]  }
0x88: {  	_ =	swait.ge [sflag:s23], $0x4000  }
0x89: {  	[sflag:s23] =	ssyncset.done $0x0  }
0x8a: {  	s15 =	simm.s32 $0x2000;
	[sflag:s23] =	ssyncadd.s32 $0xFFFFC000  }
0x8b: {  	[spmem:s1] =	stream.indirect.scatter.add.f32 [tilespmem:s18], [sflag:$0x3], $0x80, s15, s21, $0xb8;
	v63 =	vld [tilespmem:$0x0]  }
0x8c: {  	_ =	swait.ge [sflag:s19], $0x4000  }
0x8d: {  	[sflag:s19] =	ssyncset.done $0x0  }
0x8e: {  	s16 =	simm.s32 $0x100;
	[sflag:s19] =	ssyncadd.s32 $0xFFFFC000  }
0x8f: {  	[tilespmem:s18], [sflag:$0x1] =	stream.indirect.gather [hbm4b:s4+s21], $0x80, s16, s21, $0xb8;
	v63 =	vld [tilespmem:$0x0]  }
0x90: {  	_ =	swait.ge [sflag:s24], $0x4000  }
0x91: {  	p1 =	sne.s32 s26, $0x1;
	[sflag:s24] =	ssyncset.done $0x0  }
.Ltmp3:
0x92: {  	s20 =	simm.s32 $0x2080;
	[sflag:s24] =	ssyncadd.s32 $0xFFFFC000;
	(pc) =	sbr.rel @!p1 .LBB2_7-.Ltmp3, $4  }
0x93: {  	[spmem:s1] =	stream.indirect.scatter.add.f32 [tilespmem:s22], [sflag:$0x3], $0x80, s20, s21, $0xb8;
	v63 =	vld [tilespmem:$0x0]  }
0x94: {  	_ =	swait.ge [sflag:s19], $0x4000  }
0x95: {  	s26 =	sadd.s32 $0xFFFFFFFF, s26;
	s14 =	simm.s32 $0x180;
	[sflag:s19] =	ssyncset.done $0x0  }
0x96: {  	s15 =	simm.s32 $0x280;
	s16 =	simm.s32 $0x2180;
	[sflag:s19] =	ssyncadd.s32 $0xFFFFC000  }
.LBB2_6:
0x97: {  	[tilespmem:s22], [sflag:$0x2] =	stream.indirect.gather [hbm4b:s4+s21], $0x80, s14, s21, $0xb8;
	v63 =	vld [tilespmem:$0x0]  }
0x98: {  	p1 =	sne.s32 s26, $0x1;
	s26 =	sadd.s32 $0xFFFFFFFF, s26;
	_ =	swait.ge [sflag:s23], $0x4000  }
0x99: {  	s14 =	smov.u32 s15;
	[sflag:s23] =	ssyncset.done $0x0  }
0x9a: {  	s20 =	sadd.s32 $0xFFFFFF80, s16;
	[sflag:s23] =	ssyncadd.s32 $0xFFFFC000  }
0x9b: {  	[spmem:s1] =	stream.indirect.scatter.add.f32 [tilespmem:s18], [sflag:$0x3], $0x80, s20, s21, $0xb8;
	v63 =	vld [tilespmem:$0x0]  }
0x9c: {  	_ =	swait.ge [sflag:s19], $0x4000  }
0x9d: {  	[sflag:s19] =	ssyncset.done $0x0  }
0x9e: {  	s20 =	sadd.s32 $0xFFFFFF80, s15;
	[sflag:s19] =	ssyncadd.s32 $0xFFFFC000  }
0x9f: {  	[tilespmem:s18], [sflag:$0x1] =	stream.indirect.gather [hbm4b:s4+s21], $0x80, s20, s21, $0xb8;
	v63 =	vld [tilespmem:$0x0]  }
0xa0: {  	_ =	swait.ge [sflag:s24], $0x4000  }
0xa1: {  	[sflag:s24] =	ssyncset.done $0x0  }
.Ltmp4:
0xa2: {  	[sflag:s24] =	ssyncadd.s32 $0xFFFFC000;
	(pc) =	sbr.rel @p1 .LBB2_6-.Ltmp4, $4  }
0xa3: {  	[spmem:s1] =	stream.indirect.scatter.add.f32 [tilespmem:s22], [sflag:$0x3], $0x80, s16, s21, $0xb8;
	v63 =	vld [tilespmem:$0x0]  }
0xa4: {  	_ =	swait.ge [sflag:s19], $0x4000  }
0xa5: {  	[sflag:s19] =	ssyncset.done $0x0  }
0xa6: {  	s15 =	sadd.s32 $0x100, s15;
	s16 =	sadd.s32 $0x100, s16;
	[sflag:s19] =	ssyncadd.s32 $0xFFFFC000  }
.LBB2_7:
0xa7: {  	[tilespmem:s22], [sflag:$0x2] =	stream.indirect.gather [hbm4b:s4+s21], $0x80, s14, s21, $0xb8;
	v63 =	vld [tilespmem:$0x0]  }
0xa8: {  	_ =	swait.ge [sflag:s23], $0x4000  }
0xa9: {  	[sflag:s23] =	ssyncset.done $0x0  }
0xaa: {  	[sflag:s23] =	ssyncadd.s32 $0xFFFFC000  }
0xab: {  	[spmem:s1] =	stream.indirect.scatter.add.f32 [tilespmem:s18], [sflag:$0x3], $0x80, s29, s21, $0xb8;
	v63 =	vld [tilespmem:$0x0]  }
0xac: {  	_ =	swait.ge [sflag:s19], $0x4000  }
0xad: {  	[sflag:s19] =	ssyncset.done $0x0  }
0xae: {  	[sflag:s19] =	ssyncadd.s32 $0xFFFFC000  }
0xaf: {  	[tilespmem:s2], [sflag:$0x1] =	stream.indirect.gather @p0 [hbm4b:s4+s28], $0x80, s30, s28, $0xb8;
	v63 =	vld [tilespmem:$0x0]  }
0xb0: {  	_ =	swait.ge @p0 [sflag:s31], $0x4000  }
0xb1: {  	[sflag:s31] =	ssyncset.done @p0 $0x0  }
0xb2: {  	[sflag:s31] =	ssyncadd.s32 @p0 $0xFFFFC000  }
0xb3: {  	[spmem:s1] =	stream.indirect.scatter.add.f32 @p0 [tilespmem:s0], [sflag:$0x3], $0x80, s6, s28, $0xb8;
	v63 =	vld [tilespmem:$0x0]  }
0xb4: {  	_ =	swait.ge @p0 [sflag:s7], $0x4000  }
0xb5: {  	[sflag:s7] =	ssyncset.done @p0 $0x0  }
0xb6: {  	[sflag:s7] =	ssyncadd.s32 @p0 $0xFFFFC000  }
0xb7: {  	[tilespmem:s0], [sflag:$0x2] =	stream.indirect.gather @p0 [hbm4b:s4+s28], $0x80, s9, s28, $0xb8;
	v63 =	vld [tilespmem:$0x0]  }
0xb8: {  	_ =	swait.ge @!p0 [sflag:s8], $0x4000  }
0xb9: {  	[sflag:s8] =	ssyncset.done @!p0 $0x0  }
0xba: {  	[sflag:s8] =	ssyncadd.s32 @!p0 $0xFFFFC000  }
0xbb: {  	[spmem:s1] =	stream.indirect.scatter.add.f32 @!p0 [tilespmem:s13], [sflag:$0x3], $0x80, s10, s11, $0xb8;
	v63 =	vld [tilespmem:$0x0]  }
0xbc: {  	_ =	swait.ge @!p0 [sflag:s12], $0x4000  }
0xbd: {  	[sflag:s12] =	ssyncset.done @!p0 $0x0  }
0xbe: {  	s28 =	stileid.u32;
	[sflag:s12] =	ssyncadd.s32 @!p0 $0xFFFFC000  }
0xbf: {  	s0 =	sshll.u32 s28, $0x6;
	[bflag:$0x0] =	sbarrier.arrive $0xFFFF  }
0xc0: {  	s29 =	sshrl.u32 s5, $0x3;
	s0 =	sor.u32 $0x1C03, s0;
	s30 =	rddreg [dreg:$0xd]  }
0xc1: {  	[hbm:s30], [sflag:s0] =	dma.local [spmem:s29], $0x2800  }
0xc2: {  	_ =	swait.ge [sflag:s19], $0x2800  }
0xc3: {  	s25 =	sadd.s32 $0x1, s25;
	s31 =	rddreg [dreg:$0xe]  }
0xc4: {  	p0 =	sne.s32 s25, s31  }
.Ltmp5:
0xc5: {  	_ = 	snop;
	(pc) =	sbr.rel @p0 .LBB2_1-.Ltmp5, $3  }
0xc6: {  	_ =	sdelay $0x1  }
0xc7: {  	[sflag:s19] =	ssyncset.done $0x0  }
0xc8: {  	s15 =	simm.s32 $0x2000;
	[sflag:s19] =	ssyncadd.s32 $0xFFFFD800  }
0xc9: {  	_ =	sfence.sel $0x180000  }
0xca: {  	[bflag:$0x0] =	sbarrier.arrive $0xFFFF  }
0xcb: {  	_ =	strace $0x90000050  }
0xcc: {  	s0 =	stileid.u32;
	[bflag:$0x2] =	sbarrier.arrive $0xFFFF  }
0xcd: {  	p0 =	sne.s32 s0, $0x0;
	s0 =	rddreg [dreg:$0x3]  }
0xce: {  	s0 =	sadd.s32 @!p0 $0x100000, s0  }
0xcf: {  	[sflag:s0] =	ssyncadd.tile.s32 @!p0 $0x1;
	_ =	shalt  }
.Lfunc_end2:
_tile_overlayer_lowered:
.L_overlay_start_2:
0xd0: {  	(tag) =	ssettag $0x2  }
0xd1: {  	s0 =	rddreg [dreg:$0x0];
	s2 =	stileid.u32  }
0xd2: {  	s1 =	rddreg [dreg:$0x1];
	p0 =	sne.s32 s2, $0x0  }
0xd3: {  	s3 =	rddreg [dreg:$0x2];
	[bflag:$0x3] =	sbarrier.arrive $0xFFFF;
	s2 =	simm.s32 @!p0 $0x1C03  }
0xd4: {  	[timem:s3], [sflag:s2] =	dma.local @!p0 [hbm:s0], s1  }
0xd5: {  	s0 =	simm.s32 @!p0 $0x3  }
0xd6: {  	_ =	swait.ge @!p0 [sflag:s0], s1  }
0xd7: {  	s1 =	ssub.s32 @!p0 $0x0, s1;
	[sflag:s0] =	ssyncset.done @!p0 $0x0  }
0xd8: {  	[sflag:s0] =	ssyncadd.s32 @!p0 s1  }
0xd9: {  	[bflag:$0x3] =	sbarrier.arrive $0xFFFF  }
0xda: {  	_ =	shalt  }

</sc_bundles>
